<compile_context>
chip_gen: v7x
topology: tpu7x:2x2x1
jax: 0.10.2.dev20260603
libtpu: 0.0.44.dev20260713+nightly
codegen_flags: <defaults>
</compile_context>

<pallas_src>
import functools

import jax
import jax.numpy as jnp
from jax import lax
from jax.experimental import pallas as pl
from jax.experimental.pallas import tpu as pltpu
from jax.experimental.pallas import tpu_sc as plsc

INPUT_DIM = 2048
SIDE_DIM = 2048
CONTEXT_DIM = 4
NUM_CTX = 2 ** CONTEXT_DIM
BATCH = 4096
BB = 512

NC = 1
NS = 16
NW = NC * NS
BPW = BATCH // NW
LANES = 16
ROW = NUM_CTX * BPW + BPW


def _tc_body(side_ref, logit_ref, v_ref, b_ref, w_ref, bc_ref, buf_ref):
    proj = jnp.dot(v_ref[...], side_ref[...],
                   preferred_element_type=jnp.float32)
    bits = (proj > b_ref[...]).astype(jnp.float32)
    ctxf = jnp.sum(bits * bc_ref[...], axis=0)
    dots = jnp.dot(w_ref[...], logit_ref[...],
                   preferred_element_type=jnp.float32)
    wpb = BB // BPW
    merged = jnp.concatenate(
        [dots.reshape(NUM_CTX, wpb, BPW).swapaxes(0, 1).reshape(wpb, NUM_CTX * BPW),
         ctxf.reshape(wpb, BPW)], axis=1)
    buf_ref[...] = merged.reshape(wpb, 1, ROW)


def _sc_route(buf_hbm, out_hbm, buf_v, out_v):
    wid = lax.axis_index("s") * NC + lax.axis_index("c")
    base = wid * BPW
    pltpu.sync_copy(buf_hbm.at[wid, 0], buf_v)
    for i in range(BPW // LANES):
        rows = buf_v[pl.ds(NUM_CTX * BPW + i * LANES, LANES)].astype(jnp.int32)
        acc = jnp.zeros((LANES,), jnp.float32)
        for k in range(NUM_CTX):
            val = buf_v[pl.ds(k * BPW + i * LANES, LANES)]
            acc = jnp.where(rows == k, val, acc)
        out_v[pl.ds(i * LANES, LANES)] = acc
    pltpu.sync_copy(out_v, out_hbm.at[pl.ds(base, BPW)])


def kernel(logit_previous, side_information, v, b, weights, boolean_converter):
    grid = BATCH // BB
    buf = pl.pallas_call(
        _tc_body,
        grid=(grid,),
        in_specs=[
            pl.BlockSpec((SIDE_DIM, BB), lambda i: (0, i)),
            pl.BlockSpec((INPUT_DIM, BB), lambda i: (0, i)),
            pl.BlockSpec((CONTEXT_DIM, SIDE_DIM), lambda i: (0, 0)),
            pl.BlockSpec((CONTEXT_DIM, 1), lambda i: (0, 0)),
            pl.BlockSpec((NUM_CTX, INPUT_DIM), lambda i: (0, 0)),
            pl.BlockSpec((CONTEXT_DIM, 1), lambda i: (0, 0)),
        ],
        out_specs=pl.BlockSpec((BB // BPW, 1, ROW), lambda i: (i, 0, 0)),
        out_shape=jax.ShapeDtypeStruct((NW, 1, ROW), jnp.float32),
    )(side_information, logit_previous, v, b, weights, boolean_converter)

    route = functools.partial(
        pl.kernel,
        mesh=plsc.VectorSubcoreMesh(core_axis_name="c", subcore_axis_name="s",
                                    num_cores=NC),
        out_type=jax.ShapeDtypeStruct((BATCH,), jnp.float32),
        scratch_types=[
            pltpu.VMEM((ROW,), jnp.float32),
            pltpu.VMEM((BPW,), jnp.float32),
        ],
    )(_sc_route)
    return route(buf)

# --- scband reference (transcript-rebuilt; emitter-appended) ---
"""Pipeline reference for scband-neuron-50594714747177 (READ-ONLY COPY).

The authoritative reference and input builder live on the scoring server;
editing this copy changes nothing except your own understanding.
"""

import jax, jax.numpy as jnp
import numpy as np

INPUT_DIM = 2048
SIDE_DIM = 2048
CONTEXT_DIM = 4
BATCH = 4096


def setup_inputs(seed: int = 0) -> dict:
    key = jax.random.key(seed)
    k1, k2, k3, k4 = jax.random.split(key, 4)
    logit_previous = jax.random.normal(k1, (INPUT_DIM, BATCH), dtype=jnp.float32)
    side_information = jax.random.normal(k2, (SIDE_DIM, BATCH), dtype=jnp.float32)
    v = 0.1 * jax.random.normal(k3, (CONTEXT_DIM, SIDE_DIM), dtype=jnp.float32)
    v = v / jnp.linalg.norm(v, axis=1, keepdims=True)
    b = 0.1 * jax.random.normal(k4, (CONTEXT_DIM, 1), dtype=jnp.float32)
    weights = jnp.ones((2 ** CONTEXT_DIM, INPUT_DIM), dtype=jnp.float32) * (1.0 / INPUT_DIM)
    boolean_converter = jnp.array([[2.0 ** i] for i in range(CONTEXT_DIM)], dtype=jnp.float32)
    return {
        'logit_previous': logit_previous,
        'side_information': side_information,
        'v': v,
        'b': b,
        'weights': weights,
        'boolean_converter': boolean_converter,
    }


def reference(logit_previous, side_information, v, b, weights, boolean_converter):
    # projection of side info onto halfspace gating vectors: [C, B]
    projection = jnp.matmul(v, side_information)
    if projection.ndim == 1:
        projection = projection.reshape(-1, 1)
    # halfspace indicator bits: [C, B]
    binary = (projection > b).astype(jnp.float32)
    # binary -> integer context id per example: [B]
    current_contexts = jnp.squeeze(jnp.sum(binary * boolean_converter, axis=0)).astype(jnp.int32)
    # gather per-example weight row from the 2**C context table: [B, input_dim]
    current_selected_weights = jnp.take(weights, current_contexts, axis=0)
    # faithful to torch: full [B, B] matmul then diagonal -> [B]
    output_logits = jnp.diagonal(jnp.matmul(current_selected_weights, logit_previous))
    return output_logits

if __name__ == "__main__":
    import jax
    _d = setup_inputs()
    print(jax.jit(kernel)(*tuple(_d.values())))

</pallas_src>

<mosaic_0001>
#map = affine_map<(d0, d1) -> (0, 0, 0)>
#map1 = affine_map<(d0, d1) -> (0)>
module attributes {stable_mosaic.version = 14 : i64} {
  func.func @_sc_route(%arg0: i32, %arg1: i32, %arg2: memref<16x1x4352xf32, #tpu.memory_space<hbm>>, %arg3: memref<4096xf32, #tpu.memory_space<hbm>>, %arg4: memref<4352xf32, #tpu.memory_space<vmem>>, %arg5: memref<256xf32, #tpu.memory_space<vmem>>) attributes {dimension_semantics = [#tpu.dimension_semantics<core_parallel>, #tpu.dimension_semantics<subcore_parallel>], iteration_bounds = array<i64: 1, 16>, scalar_prefetch = 0 : i64, scratch_operands = 2 : i64, tpu.core_type = #tpu.core_type<sc_vector_subcore>, window_params = [{transform_indices = #map}, {transform_indices = #map1}]} {
    %mul3A = arith.constant 1 : i32
    %mul3A_0 = arith.muli %arg1, %mul3A : i32
    %add3A = arith.addi %mul3A_0, %arg0 : i32
    %mul3A_1 = arith.constant 256 : i32
    %mul3A_2 = arith.muli %add3A, %mul3A_1 : i32
    %run_scoped3A = arith.constant 0 : i32
    "tpu.region"() ({
      %run_scoped3A_1949 = tpu.sem_alloc : memref<!tpu.dma_semaphore, #tpu.memory_space<semaphore_mem>>
      %dma_start3A = arith.constant 0 : i32
      %dma_start3A_1950 = tpu.memref_slice %arg2[%add3A, %run_scoped3A, %dma_start3A] : memref<16x1x4352xf32, #tpu.memory_space<hbm>> -> memref<1x1x4352xf32, #tpu.memory_space<hbm>>
      %dma_start3A_1951 = tpu.memref_squeeze %dma_start3A_1950 : memref<1x1x4352xf32, #tpu.memory_space<hbm>> -> memref<4352xf32, #tpu.memory_space<hbm>>
      %dma_start3A_1952 = arith.constant 0 : i32
      %dma_start3A_1953 = tpu.memref_slice %arg2[%add3A, %run_scoped3A, %dma_start3A_1952] : memref<16x1x4352xf32, #tpu.memory_space<hbm>> -> memref<1x1x4352xf32, #tpu.memory_space<hbm>>
      %dma_start3A_1954 = tpu.memref_squeeze %dma_start3A_1953 : memref<1x1x4352xf32, #tpu.memory_space<hbm>> -> memref<4352xf32, #tpu.memory_space<hbm>>
      tpu.enqueue_dma source(%dma_start3A_1954 : memref<4352xf32, #tpu.memory_space<hbm>>) target(%arg4 : memref<4352xf32, #tpu.memory_space<vmem>>) target_semaphore(%run_scoped3A_1949 : memref<!tpu.dma_semaphore, #tpu.memory_space<semaphore_mem>>)
      %dma_wait3A = arith.constant 0 : i32
      %dma_wait3A_1955 = tpu.memref_slice %arg2[%add3A, %run_scoped3A, %dma_wait3A] : memref<16x1x4352xf32, #tpu.memory_space<hbm>> -> memref<1x1x4352xf32, #tpu.memory_space<hbm>>
      %dma_wait3A_1956 = tpu.memref_squeeze %dma_wait3A_1955 : memref<1x1x4352xf32, #tpu.memory_space<hbm>> -> memref<4352xf32, #tpu.memory_space<hbm>>
      %dma_wait3A_1957 = arith.constant 0 : i32
      %dma_wait3A_1958 = tpu.memref_slice %arg2[%add3A, %run_scoped3A, %dma_wait3A_1957] : memref<16x1x4352xf32, #tpu.memory_space<hbm>> -> memref<1x1x4352xf32, #tpu.memory_space<hbm>>
      %dma_wait3A_1959 = tpu.memref_squeeze %dma_wait3A_1958 : memref<1x1x4352xf32, #tpu.memory_space<hbm>> -> memref<4352xf32, #tpu.memory_space<hbm>>
      tpu.wait_dma2 semaphore(%run_scoped3A_1949 : memref<!tpu.dma_semaphore, #tpu.memory_space<semaphore_mem>>) src(%dma_wait3A_1959 : memref<4352xf32, #tpu.memory_space<hbm>>) dst(%arg4 : memref<4352xf32, #tpu.memory_space<vmem>>)
      tpu.yield
    }) : () -> ()
    %get3A = arith.constant 4096 : index
    %get3A_3 = tpu.vector_load %arg4[%get3A] {strides = array<i32>} : memref<4352xf32, #tpu.memory_space<vmem>>, vector<16xf32>,
    %get3A_4 = vector.shape_cast %get3A_3 : vector<16xf32> to vector<16xf32>
    %convert_element_type3A = arith.fptosi %get3A_4 : vector<16xf32> to vector<16xi32>
    %broadcast_in_dim3A = arith.constant 0.000000e+00 : f32
    %broadcast_in_dim3A_5 = vector.broadcast %broadcast_in_dim3A : f32 to vector<16xf32>
    %get3A_6 = arith.constant 0 : index
    %get3A_7 = tpu.vector_load %arg4[%get3A_6] {strides = array<i32>} : memref<4352xf32, #tpu.memory_space<vmem>>, vector<16xf32>,
    %get3A_8 = vector.shape_cast %get3A_7 : vector<16xf32> to vector<16xf32>
    %eq3A = arith.constant 0 : i32
    %eq3A_9 = vector.broadcast %eq3A : i32 to vector<16xi32>
    %eq3A_10 = arith.cmpi eq, %convert_element_type3A, %eq3A_9 : vector<16xi32>
    %select_n3A = arith.select %eq3A_10, %get3A_8, %broadcast_in_dim3A_5 : vector<16xi1>, vector<16xf32>
    %get3A_11 = arith.constant 256 : index
    %get3A_12 = tpu.vector_load %arg4[%get3A_11] {strides = array<i32>} : memref<4352xf32, #tpu.memory_space<vmem>>, vector<16xf32>,
    %get3A_13 = vector.shape_cast %get3A_12 : vector<16xf32> to vector<16xf32>
    %eq3A_14 = arith.constant 1 : i32
    %eq3A_15 = vector.broadcast %eq3A_14 : i32 to vector<16xi32>
    %eq3A_16 = arith.cmpi eq, %convert_element_type3A, %eq3A_15 : vector<16xi32>
    %select_n3A_17 = arith.select %eq3A_16, %get3A_13, %select_n3A : vector<16xi1>, vector<16xf32>
    %get3A_18 = arith.constant 512 : index
    %get3A_19 = tpu.vector_load %arg4[%get3A_18] {strides = array<i32>} : memref<4352xf32, #tpu.memory_space<vmem>>, vector<16xf32>,
    %get3A_20 = vector.shape_cast %get3A_19 : vector<16xf32> to vector<16xf32>
    %eq3A_21 = arith.constant 2 : i32
    %eq3A_22 = vector.broadcast %eq3A_21 : i32 to vector<16xi32>
    %eq3A_23 = arith.cmpi eq, %convert_element_type3A, %eq3A_22 : vector<16xi32>
    %select_n3A_24 = arith.select %eq3A_23, %get3A_20, %select_n3A_17 : vector<16xi1>, vector<16xf32>
    %get3A_25 = arith.constant 768 : index
    %get3A_26 = tpu.vector_load %arg4[%get3A_25] {strides = array<i32>} : memref<4352xf32, #tpu.memory_space<vmem>>, vector<16xf32>,
    %get3A_27 = vector.shape_cast %get3A_26 : vector<16xf32> to vector<16xf32>
    %eq3A_28 = arith.constant 3 : i32
    %eq3A_29 = vector.broadcast %eq3A_28 : i32 to vector<16xi32>
    %eq3A_30 = arith.cmpi eq, %convert_element_type3A, %eq3A_29 : vector<16xi32>
    %select_n3A_31 = arith.select %eq3A_30, %get3A_27, %select_n3A_24 : vector<16xi1>, vector<16xf32>
    %get3A_32 = arith.constant 1024 : index
    %get3A_33 = tpu.vector_load %arg4[%get3A_32] {strides = array<i32>} : memref<4352xf32, #tpu.memory_space<vmem>>, vector<16xf32>,
    %get3A_34 = vector.shape_cast %get3A_33 : vector<16xf32> to vector<16xf32>
    %eq3A_35 = arith.constant 4 : i32
    %eq3A_36 = vector.broadcast %eq3A_35 : i32 to vector<16xi32>
    %eq3A_37 = arith.cmpi eq, %convert_element_type3A, %eq3A_36 : vector<16xi32>
    %select_n3A_38 = arith.select %eq3A_37, %get3A_34, %select_n3A_31 : vector<16xi1>, vector<16xf32>
    %get3A_39 = arith.constant 1280 : index
    %get3A_40 = tpu.vector_load %arg4[%get3A_39] {strides = array<i32>} : memref<4352xf32, #tpu.memory_space<vmem>>, vector<16xf32>,
    %get3A_41 = vector.shape_cast %get3A_40 : vector<16xf32> to vector<16xf32>
    %eq3A_42 = arith.constant 5 : i32
    %eq3A_43 = vector.broadcast %eq3A_42 : i32 to vector<16xi32>
    %eq3A_44 = arith.cmpi eq, %convert_element_type3A, %eq3A_43 : vector<16xi32>
    %select_n3A_45 = arith.select %eq3A_44, %get3A_41, %select_n3A_38 : vector<16xi1>, vector<16xf32>
    %get3A_46 = arith.constant 1536 : index
    %get3A_47 = tpu.vector_load %arg4[%get3A_46] {strides = array<i32>} : memref<4352xf32, #tpu.memory_space<vmem>>, vector<16xf32>,
    %get3A_48 = vector.shape_cast %get3A_47 : vector<16xf32> to vector<16xf32>
    %eq3A_49 = arith.constant 6 : i32
    %eq3A_50 = vector.broadcast %eq3A_49 : i32 to vector<16xi32>
    %eq3A_51 = arith.cmpi eq, %convert_element_type3A, %eq3A_50 : vector<16xi32>
    %select_n3A_52 = arith.select %eq3A_51, %get3A_48, %select_n3A_45 : vector<16xi1>, vector<16xf32>
    %get3A_53 = arith.constant 1792 : index
    %get3A_54 = tpu.vector_load %arg4[%get3A_53] {strides = array<i32>} : memref<4352xf32, #tpu.memory_space<vmem>>, vector<16xf32>,
    %get3A_55 = vector.shape_cast %get3A_54 : vector<16xf32> to vector<16xf32>
    %eq3A_56 = arith.constant 7 : i32
    %eq3A_57 = vector.broadcast %eq3A_56 : i32 to vector<16xi32>
    %eq3A_58 = arith.cmpi eq, %convert_element_type3A, %eq3A_57 : vector<16xi32>
    %select_n3A_59 = arith.select %eq3A_58, %get3A_55, %select_n3A_52 : vector<16xi1>, vector<16xf32>
    %get3A_60 = arith.constant 2048 : index
    %get3A_61 = tpu.vector_load %arg4[%get3A_60] {strides = array<i32>} : memref<4352xf32, #tpu.memory_space<vmem>>, vector<16xf32>,
    %get3A_62 = vector.shape_cast %get3A_61 : vector<16xf32> to vector<16xf32>
    %eq3A_63 = arith.constant 8 : i32
    %eq3A_64 = vector.broadcast %eq3A_63 : i32 to vector<16xi32>
    %eq3A_65 = arith.cmpi eq, %convert_element_type3A, %eq3A_64 : vector<16xi32>
    %select_n3A_66 = arith.select %eq3A_65, %get3A_62, %select_n3A_59 : vector<16xi1>, vector<16xf32>
    %get3A_67 = arith.constant 2304 : index
    %get3A_68 = tpu.vector_load %arg4[%get3A_67] {strides = array<i32>} : memref<4352xf32, #tpu.memory_space<vmem>>, vector<16xf32>,
    %get3A_69 = vector.shape_cast %get3A_68 : vector<16xf32> to vector<16xf32>
    %eq3A_70 = arith.constant 9 : i32
    %eq3A_71 = vector.broadcast %eq3A_70 : i32 to vector<16xi32>
    %eq3A_72 = arith.cmpi eq, %convert_element_type3A, %eq3A_71 : vector<16xi32>
    %select_n3A_73 = arith.select %eq3A_72, %get3A_69, %select_n3A_66 : vector<16xi1>, vector<16xf32>
    %get3A_74 = arith.constant 2560 : index
    %get3A_75 = tpu.vector_load %arg4[%get3A_74] {strides = array<i32>} : memref<4352xf32, #tpu.memory_space<vmem>>, vector<16xf32>,
    %get3A_76 = vector.shape_cast %get3A_75 : vector<16xf32> to vector<16xf32>
    %eq3A_77 = arith.constant 10 : i32
    %eq3A_78 = vector.broadcast %eq3A_77 : i32 to vector<16xi32>
    %eq3A_79 = arith.cmpi eq, %convert_element_type3A, %eq3A_78 : vector<16xi32>
    %select_n3A_80 = arith.select %eq3A_79, %get3A_76, %select_n3A_73 : vector<16xi1>, vector<16xf32>
    %get3A_81 = arith.constant 2816 : index
    %get3A_82 = tpu.vector_load %arg4[%get3A_81] {strides = array<i32>} : memref<4352xf32, #tpu.memory_space<vmem>>, vector<16xf32>,
    %get3A_83 = vector.shape_cast %get3A_82 : vector<16xf32> to vector<16xf32>
    %eq3A_84 = arith.constant 11 : i32
    %eq3A_85 = vector.broadcast %eq3A_84 : i32 to vector<16xi32>
    %eq3A_86 = arith.cmpi eq, %convert_element_type3A, %eq3A_85 : vector<16xi32>
    %select_n3A_87 = arith.select %eq3A_86, %get3A_83, %select_n3A_80 : vector<16xi1>, vector<16xf32>
    %get3A_88 = arith.constant 3072 : index
    %get3A_89 = tpu.vector_load %arg4[%get3A_88] {strides = array<i32>} : memref<4352xf32, #tpu.memory_space<vmem>>, vector<16xf32>,
    %get3A_90 = vector.shape_cast %get3A_89 : vector<16xf32> to vector<16xf32>
    %eq3A_91 = arith.constant 12 : i32
    %eq3A_92 = vector.broadcast %eq3A_91 : i32 to vector<16xi32>
    %eq3A_93 = arith.cmpi eq, %convert_element_type3A, %eq3A_92 : vector<16xi32>
    %select_n3A_94 = arith.select %eq3A_93, %get3A_90, %select_n3A_87 : vector<16xi1>, vector<16xf32>
    %get3A_95 = arith.constant 3328 : index
    %get3A_96 = tpu.vector_load %arg4[%get3A_95] {strides = array<i32>} : memref<4352xf32, #tpu.memory_space<vmem>>, vector<16xf32>,
    %get3A_97 = vector.shape_cast %get3A_96 : vector<16xf32> to vector<16xf32>
    %eq3A_98 = arith.constant 13 : i32
    %eq3A_99 = vector.broadcast %eq3A_98 : i32 to vector<16xi32>
    %eq3A_100 = arith.cmpi eq, %convert_element_type3A, %eq3A_99 : vector<16xi32>
    %select_n3A_101 = arith.select %eq3A_100, %get3A_97, %select_n3A_94 : vector<16xi1>, vector<16xf32>
    %get3A_102 = arith.constant 3584 : index
    %get3A_103 = tpu.vector_load %arg4[%get3A_102] {strides = array<i32>} : memref<4352xf32, #tpu.memory_space<vmem>>, vector<16xf32>,
    %get3A_104 = vector.shape_cast %get3A_103 : vector<16xf32> to vector<16xf32>
    %eq3A_105 = arith.constant 14 : i32
    %eq3A_106 = vector.broadcast %eq3A_105 : i32 to vector<16xi32>
    %eq3A_107 = arith.cmpi eq, %convert_element_type3A, %eq3A_106 : vector<16xi32>
    %select_n3A_108 = arith.select %eq3A_107, %get3A_104, %select_n3A_101 : vector<16xi1>, vector<16xf32>
    %get3A_109 = arith.constant 3840 : index
    %get3A_110 = tpu.vector_load %arg4[%get3A_109] {strides = array<i32>} : memref<4352xf32, #tpu.memory_space<vmem>>, vector<16xf32>,
    %get3A_111 = vector.shape_cast %get3A_110 : vector<16xf32> to vector<16xf32>
    %eq3A_112 = arith.constant 15 : i32
    %eq3A_113 = vector.broadcast %eq3A_112 : i32 to vector<16xi32>
    %eq3A_114 = arith.cmpi eq, %convert_element_type3A, %eq3A_113 : vector<16xi32>
    %select_n3A_115 = arith.select %eq3A_114, %get3A_111, %select_n3A_108 : vector<16xi1>, vector<16xf32>
    %swap3A = arith.constant 0 : index
    %swap3A_116 = tpu.vector_load %arg5[%swap3A] {strides = array<i32>} : memref<256xf32, #tpu.memory_space<vmem>>, vector<16xf32>,
    %swap3A_117 = vector.shape_cast %swap3A_116 : vector<16xf32> to vector<16xf32>
    %swap3A_118 = vector.shape_cast %select_n3A_115 : vector<16xf32> to vector<16xf32>
    tpu.vector_store %arg5[%swap3A], %swap3A_118 {strides = array<i32>} : memref<256xf32, #tpu.memory_space<vmem>>, vector<16xf32>,
    %get3A_119 = arith.constant 4112 : index
    %get3A_120 = tpu.vector_load %arg4[%get3A_119] {strides = array<i32>} : memref<4352xf32, #tpu.memory_space<vmem>>, vector<16xf32>,
    %get3A_121 = vector.shape_cast %get3A_120 : vector<16xf32> to vector<16xf32>
    %convert_element_type3A_122 = arith.fptosi %get3A_121 : vector<16xf32> to vector<16xi32>
    %broadcast_in_dim3A_123 = arith.constant 0.000000e+00 : f32
    %broadcast_in_dim3A_124 = vector.broadcast %broadcast_in_dim3A_123 : f32 to vector<16xf32>
    %get3A_125 = arith.constant 16 : index
    %get3A_126 = tpu.vector_load %arg4[%get3A_125] {strides = array<i32>} : memref<4352xf32, #tpu.memory_space<vmem>>, vector<16xf32>,
    %get3A_127 = vector.shape_cast %get3A_126 : vector<16xf32> to vector<16xf32>
    %eq3A_128 = arith.constant 0 : i32
    %eq3A_129 = vector.broadcast %eq3A_128 : i32 to vector<16xi32>
    %eq3A_130 = arith.cmpi eq, %convert_element_type3A_122, %eq3A_129 : vector<16xi32>
    %select_n3A_131 = arith.select %eq3A_130, %get3A_127, %broadcast_in_dim3A_124 : vector<16xi1>, vector<16xf32>
    %get3A_132 = arith.constant 272 : index
    %get3A_133 = tpu.vector_load %arg4[%get3A_132] {strides = array<i32>} : memref<4352xf32, #tpu.memory_space<vmem>>, vector<16xf32>,
    %get3A_134 = vector.shape_cast %get3A_133 : vector<16xf32> to vector<16xf32>
    %eq3A_135 = arith.constant 1 : i32
    %eq3A_136 = vector.broadcast %eq3A_135 : i32 to vector<16xi32>
    %eq3A_137 = arith.cmpi eq, %convert_element_type3A_122, %eq3A_136 : vector<16xi32>
    %select_n3A_138 = arith.select %eq3A_137, %get3A_134, %select_n3A_131 : vector<16xi1>, vector<16xf32>
    %get3A_139 = arith.constant 528 : index
    %get3A_140 = tpu.vector_load %arg4[%get3A_139] {strides = array<i32>} : memref<4352xf32, #tpu.memory_space<vmem>>, vector<16xf32>,
    %get3A_141 = vector.shape_cast %get3A_140 : vector<16xf32> to vector<16xf32>
    %eq3A_142 = arith.constant 2 : i32
    %eq3A_143 = vector.broadcast %eq3A_142 : i32 to vector<16xi32>
    %eq3A_144 = arith.cmpi eq, %convert_element_type3A_122, %eq3A_143 : vector<16xi32>
    %select_n3A_145 = arith.select %eq3A_144, %get3A_141, %select_n3A_138 : vector<16xi1>, vector<16xf32>
    %get3A_146 = arith.constant 784 : index
    %get3A_147 = tpu.vector_load %arg4[%get3A_146] {strides = array<i32>} : memref<4352xf32, #tpu.memory_space<vmem>>, vector<16xf32>,
    %get3A_148 = vector.shape_cast %get3A_147 : vector<16xf32> to vector<16xf32>
    %eq3A_149 = arith.constant 3 : i32
    %eq3A_150 = vector.broadcast %eq3A_149 : i32 to vector<16xi32>
    %eq3A_151 = arith.cmpi eq, %convert_element_type3A_122, %eq3A_150 : vector<16xi32>
    %select_n3A_152 = arith.select %eq3A_151, %get3A_148, %select_n3A_145 : vector<16xi1>, vector<16xf32>
    %get3A_153 = arith.constant 1040 : index
    %get3A_154 = tpu.vector_load %arg4[%get3A_153] {strides = array<i32>} : memref<4352xf32, #tpu.memory_space<vmem>>, vector<16xf32>,
    %get3A_155 = vector.shape_cast %get3A_154 : vector<16xf32> to vector<16xf32>
    %eq3A_156 = arith.constant 4 : i32
    %eq3A_157 = vector.broadcast %eq3A_156 : i32 to vector<16xi32>
    %eq3A_158 = arith.cmpi eq, %convert_element_type3A_122, %eq3A_157 : vector<16xi32>
    %select_n3A_159 = arith.select %eq3A_158, %get3A_155, %select_n3A_152 : vector<16xi1>, vector<16xf32>
    %get3A_160 = arith.constant 1296 : index
    %get3A_161 = tpu.vector_load %arg4[%get3A_160] {strides = array<i32>} : memref<4352xf32, #tpu.memory_space<vmem>>, vector<16xf32>,
    %get3A_162 = vector.shape_cast %get3A_161 : vector<16xf32> to vector<16xf32>
    %eq3A_163 = arith.constant 5 : i32
    %eq3A_164 = vector.broadcast %eq3A_163 : i32 to vector<16xi32>
    %eq3A_165 = arith.cmpi eq, %convert_element_type3A_122, %eq3A_164 : vector<16xi32>
    %select_n3A_166 = arith.select %eq3A_165, %get3A_162, %select_n3A_159 : vector<16xi1>, vector<16xf32>
    %get3A_167 = arith.constant 1552 : index
    %get3A_168 = tpu.vector_load %arg4[%get3A_167] {strides = array<i32>} : memref<4352xf32, #tpu.memory_space<vmem>>, vector<16xf32>,
    %get3A_169 = vector.shape_cast %get3A_168 : vector<16xf32> to vector<16xf32>
    %eq3A_170 = arith.constant 6 : i32
    %eq3A_171 = vector.broadcast %eq3A_170 : i32 to vector<16xi32>
    %eq3A_172 = arith.cmpi eq, %convert_element_type3A_122, %eq3A_171 : vector<16xi32>
    %select_n3A_173 = arith.select %eq3A_172, %get3A_169, %select_n3A_166 : vector<16xi1>, vector<16xf32>
    %get3A_174 = arith.constant 1808 : index
    %get3A_175 = tpu.vector_load %arg4[%get3A_174] {strides = array<i32>} : memref<4352xf32, #tpu.memory_space<vmem>>, vector<16xf32>,
    %get3A_176 = vector.shape_cast %get3A_175 : vector<16xf32> to vector<16xf32>
    %eq3A_177 = arith.constant 7 : i32
    %eq3A_178 = vector.broadcast %eq3A_177 : i32 to vector<16xi32>
    %eq3A_179 = arith.cmpi eq, %convert_element_type3A_122, %eq3A_178 : vector<16xi32>
    %select_n3A_180 = arith.select %eq3A_179, %get3A_176, %select_n3A_173 : vector<16xi1>, vector<16xf32>
    %get3A_181 = arith.constant 2064 : index
    %get3A_182 = tpu.vector_load %arg4[%get3A_181] {strides = array<i32>} : memref<4352xf32, #tpu.memory_space<vmem>>, vector<16xf32>,
    %get3A_183 = vector.shape_cast %get3A_182 : vector<16xf32> to vector<16xf32>
    %eq3A_184 = arith.constant 8 : i32
    %eq3A_185 = vector.broadcast %eq3A_184 : i32 to vector<16xi32>
    %eq3A_186 = arith.cmpi eq, %convert_element_type3A_122, %eq3A_185 : vector<16xi32>
    %select_n3A_187 = arith.select %eq3A_186, %get3A_183, %select_n3A_180 : vector<16xi1>, vector<16xf32>
    %get3A_188 = arith.constant 2320 : index
    %get3A_189 = tpu.vector_load %arg4[%get3A_188] {strides = array<i32>} : memref<4352xf32, #tpu.memory_space<vmem>>, vector<16xf32>,
    %get3A_190 = vector.shape_cast %get3A_189 : vector<16xf32> to vector<16xf32>
    %eq3A_191 = arith.constant 9 : i32
    %eq3A_192 = vector.broadcast %eq3A_191 : i32 to vector<16xi32>
    %eq3A_193 = arith.cmpi eq, %convert_element_type3A_122, %eq3A_192 : vector<16xi32>
    %select_n3A_194 = arith.select %eq3A_193, %get3A_190, %select_n3A_187 : vector<16xi1>, vector<16xf32>
    %get3A_195 = arith.constant 2576 : index
    %get3A_196 = tpu.vector_load %arg4[%get3A_195] {strides = array<i32>} : memref<4352xf32, #tpu.memory_space<vmem>>, vector<16xf32>,
    %get3A_197 = vector.shape_cast %get3A_196 : vector<16xf32> to vector<16xf32>
    %eq3A_198 = arith.constant 10 : i32
    %eq3A_199 = vector.broadcast %eq3A_198 : i32 to vector<16xi32>
    %eq3A_200 = arith.cmpi eq, %convert_element_type3A_122, %eq3A_199 : vector<16xi32>
    %select_n3A_201 = arith.select %eq3A_200, %get3A_197, %select_n3A_194 : vector<16xi1>, vector<16xf32>
    %get3A_202 = arith.constant 2832 : index
    %get3A_203 = tpu.vector_load %arg4[%get3A_202] {strides = array<i32>} : memref<4352xf32, #tpu.memory_space<vmem>>, vector<16xf32>,
    %get3A_204 = vector.shape_cast %get3A_203 : vector<16xf32> to vector<16xf32>
    %eq3A_205 = arith.constant 11 : i32
    %eq3A_206 = vector.broadcast %eq3A_205 : i32 to vector<16xi32>
    %eq3A_207 = arith.cmpi eq, %convert_element_type3A_122, %eq3A_206 : vector<16xi32>
    %select_n3A_208 = arith.select %eq3A_207, %get3A_204, %select_n3A_201 : vector<16xi1>, vector<16xf32>
    %get3A_209 = arith.constant 3088 : index
    %get3A_210 = tpu.vector_load %arg4[%get3A_209] {strides = array<i32>} : memref<4352xf32, #tpu.memory_space<vmem>>, vector<16xf32>,
    %get3A_211 = vector.shape_cast %get3A_210 : vector<16xf32> to vector<16xf32>
    %eq3A_212 = arith.constant 12 : i32
    %eq3A_213 = vector.broadcast %eq3A_212 : i32 to vector<16xi32>
    %eq3A_214 = arith.cmpi eq, %convert_element_type3A_122, %eq3A_213 : vector<16xi32>
    %select_n3A_215 = arith.select %eq3A_214, %get3A_211, %select_n3A_208 : vector<16xi1>, vector<16xf32>
    %get3A_216 = arith.constant 3344 : index
    %get3A_217 = tpu.vector_load %arg4[%get3A_216] {strides = array<i32>} : memref<4352xf32, #tpu.memory_space<vmem>>, vector<16xf32>,
    %get3A_218 = vector.shape_cast %get3A_217 : vector<16xf32> to vector<16xf32>
    %eq3A_219 = arith.constant 13 : i32
    %eq3A_220 = vector.broadcast %eq3A_219 : i32 to vector<16xi32>
    %eq3A_221 = arith.cmpi eq, %convert_element_type3A_122, %eq3A_220 : vector<16xi32>
    %select_n3A_222 = arith.select %eq3A_221, %get3A_218, %select_n3A_215 : vector<16xi1>, vector<16xf32>
    %get3A_223 = arith.constant 3600 : index
    %get3A_224 = tpu.vector_load %arg4[%get3A_223] {strides = array<i32>} : memref<4352xf32, #tpu.memory_space<vmem>>, vector<16xf32>,
    %get3A_225 = vector.shape_cast %get3A_224 : vector<16xf32> to vector<16xf32>
    %eq3A_226 = arith.constant 14 : i32
    %eq3A_227 = vector.broadcast %eq3A_226 : i32 to vector<16xi32>
    %eq3A_228 = arith.cmpi eq, %convert_element_type3A_122, %eq3A_227 : vector<16xi32>
    %select_n3A_229 = arith.select %eq3A_228, %get3A_225, %select_n3A_222 : vector<16xi1>, vector<16xf32>
    %get3A_230 = arith.constant 3856 : index
    %get3A_231 = tpu.vector_load %arg4[%get3A_230] {strides = array<i32>} : memref<4352xf32, #tpu.memory_space<vmem>>, vector<16xf32>,
    %get3A_232 = vector.shape_cast %get3A_231 : vector<16xf32> to vector<16xf32>
    %eq3A_233 = arith.constant 15 : i32
    %eq3A_234 = vector.broadcast %eq3A_233 : i32 to vector<16xi32>
    %eq3A_235 = arith.cmpi eq, %convert_element_type3A_122, %eq3A_234 : vector<16xi32>
    %select_n3A_236 = arith.select %eq3A_235, %get3A_232, %select_n3A_229 : vector<16xi1>, vector<16xf32>
    %swap3A_237 = arith.constant 16 : index
    %swap3A_238 = tpu.vector_load %arg5[%swap3A_237] {strides = array<i32>} : memref<256xf32, #tpu.memory_space<vmem>>, vector<16xf32>,
    %swap3A_239 = vector.shape_cast %swap3A_238 : vector<16xf32> to vector<16xf32>
    %swap3A_240 = vector.shape_cast %select_n3A_236 : vector<16xf32> to vector<16xf32>
    tpu.vector_store %arg5[%swap3A_237], %swap3A_240 {strides = array<i32>} : memref<256xf32, #tpu.memory_space<vmem>>, vector<16xf32>,
    %get3A_241 = arith.constant 4128 : index
    %get3A_242 = tpu.vector_load %arg4[%get3A_241] {strides = array<i32>} : memref<4352xf32, #tpu.memory_space<vmem>>, vector<16xf32>,
    %get3A_243 = vector.shape_cast %get3A_242 : vector<16xf32> to vector<16xf32>
    %convert_element_type3A_244 = arith.fptosi %get3A_243 : vector<16xf32> to vector<16xi32>
    %broadcast_in_dim3A_245 = arith.constant 0.000000e+00 : f32
    %broadcast_in_dim3A_246 = vector.broadcast %broadcast_in_dim3A_245 : f32 to vector<16xf32>
    %get3A_247 = arith.constant 32 : index
    %get3A_248 = tpu.vector_load %arg4[%get3A_247] {strides = array<i32>} : memref<4352xf32, #tpu.memory_space<vmem>>, vector<16xf32>,
    %get3A_249 = vector.shape_cast %get3A_248 : vector<16xf32> to vector<16xf32>
    %eq3A_250 = arith.constant 0 : i32
    %eq3A_251 = vector.broadcast %eq3A_250 : i32 to vector<16xi32>
    %eq3A_252 = arith.cmpi eq, %convert_element_type3A_244, %eq3A_251 : vector<16xi32>
    %select_n3A_253 = arith.select %eq3A_252, %get3A_249, %broadcast_in_dim3A_246 : vector<16xi1>, vector<16xf32>
    %get3A_254 = arith.constant 288 : index
    %get3A_255 = tpu.vector_load %arg4[%get3A_254] {strides = array<i32>} : memref<4352xf32, #tpu.memory_space<vmem>>, vector<16xf32>,
    %get3A_256 = vector.shape_cast %get3A_255 : vector<16xf32> to vector<16xf32>
    %eq3A_257 = arith.constant 1 : i32
    %eq3A_258 = vector.broadcast %eq3A_257 : i32 to vector<16xi32>
    %eq3A_259 = arith.cmpi eq, %convert_element_type3A_244, %eq3A_258 : vector<16xi32>
    %select_n3A_260 = arith.select %eq3A_259, %get3A_256, %select_n3A_253 : vector<16xi1>, vector<16xf32>
    %get3A_261 = arith.constant 544 : index
    %get3A_262 = tpu.vector_load %arg4[%get3A_261] {strides = array<i32>} : memref<4352xf32, #tpu.memory_space<vmem>>, vector<16xf32>,
    %get3A_263 = vector.shape_cast %get3A_262 : vector<16xf32> to vector<16xf32>
    %eq3A_264 = arith.constant 2 : i32
    %eq3A_265 = vector.broadcast %eq3A_264 : i32 to vector<16xi32>
    %eq3A_266 = arith.cmpi eq, %convert_element_type3A_244, %eq3A_265 : vector<16xi32>
    %select_n3A_267 = arith.select %eq3A_266, %get3A_263, %select_n3A_260 : vector<16xi1>, vector<16xf32>
    %get3A_268 = arith.constant 800 : index
    %get3A_269 = tpu.vector_load %arg4[%get3A_268] {strides = array<i32>} : memref<4352xf32, #tpu.memory_space<vmem>>, vector<16xf32>,
    %get3A_270 = vector.shape_cast %get3A_269 : vector<16xf32> to vector<16xf32>
    %eq3A_271 = arith.constant 3 : i32
    %eq3A_272 = vector.broadcast %eq3A_271 : i32 to vector<16xi32>
    %eq3A_273 = arith.cmpi eq, %convert_element_type3A_244, %eq3A_272 : vector<16xi32>
    %select_n3A_274 = arith.select %eq3A_273, %get3A_270, %select_n3A_267 : vector<16xi1>, vector<16xf32>
    %get3A_275 = arith.constant 1056 : index
    %get3A_276 = tpu.vector_load %arg4[%get3A_275] {strides = array<i32>} : memref<4352xf32, #tpu.memory_space<vmem>>, vector<16xf32>,
    %get3A_277 = vector.shape_cast %get3A_276 : vector<16xf32> to vector<16xf32>
    %eq3A_278 = arith.constant 4 : i32
    %eq3A_279 = vector.broadcast %eq3A_278 : i32 to vector<16xi32>
    %eq3A_280 = arith.cmpi eq, %convert_element_type3A_244, %eq3A_279 : vector<16xi32>
    %select_n3A_281 = arith.select %eq3A_280, %get3A_277, %select_n3A_274 : vector<16xi1>, vector<16xf32>
    %get3A_282 = arith.constant 1312 : index
    %get3A_283 = tpu.vector_load %arg4[%get3A_282] {strides = array<i32>} : memref<4352xf32, #tpu.memory_space<vmem>>, vector<16xf32>,
    %get3A_284 = vector.shape_cast %get3A_283 : vector<16xf32> to vector<16xf32>
    %eq3A_285 = arith.constant 5 : i32
    %eq3A_286 = vector.broadcast %eq3A_285 : i32 to vector<16xi32>
    %eq3A_287 = arith.cmpi eq, %convert_element_type3A_244, %eq3A_286 : vector<16xi32>
    %select_n3A_288 = arith.select %eq3A_287, %get3A_284, %select_n3A_281 : vector<16xi1>, vector<16xf32>
    %get3A_289 = arith.constant 1568 : index
    %get3A_290 = tpu.vector_load %arg4[%get3A_289] {strides = array<i32>} : memref<4352xf32, #tpu.memory_space<vmem>>, vector<16xf32>,
    %get3A_291 = vector.shape_cast %get3A_290 : vector<16xf32> to vector<16xf32>
    %eq3A_292 = arith.constant 6 : i32
    %eq3A_293 = vector.broadcast %eq3A_292 : i32 to vector<16xi32>
    %eq3A_294 = arith.cmpi eq, %convert_element_type3A_244, %eq3A_293 : vector<16xi32>
    %select_n3A_295 = arith.select %eq3A_294, %get3A_291, %select_n3A_288 : vector<16xi1>, vector<16xf32>
    %get3A_296 = arith.constant 1824 : index
    %get3A_297 = tpu.vector_load %arg4[%get3A_296] {strides = array<i32>} : memref<4352xf32, #tpu.memory_space<vmem>>, vector<16xf32>,
    %get3A_298 = vector.shape_cast %get3A_297 : vector<16xf32> to vector<16xf32>
    %eq3A_299 = arith.constant 7 : i32
    %eq3A_300 = vector.broadcast %eq3A_299 : i32 to vector<16xi32>
    %eq3A_301 = arith.cmpi eq, %convert_element_type3A_244, %eq3A_300 : vector<16xi32>
    %select_n3A_302 = arith.select %eq3A_301, %get3A_298, %select_n3A_295 : vector<16xi1>, vector<16xf32>
    %get3A_303 = arith.constant 2080 : index
    %get3A_304 = tpu.vector_load %arg4[%get3A_303] {strides = array<i32>} : memref<4352xf32, #tpu.memory_space<vmem>>, vector<16xf32>,
    %get3A_305 = vector.shape_cast %get3A_304 : vector<16xf32> to vector<16xf32>
    %eq3A_306 = arith.constant 8 : i32
    %eq3A_307 = vector.broadcast %eq3A_306 : i32 to vector<16xi32>
    %eq3A_308 = arith.cmpi eq, %convert_element_type3A_244, %eq3A_307 : vector<16xi32>
    %select_n3A_309 = arith.select %eq3A_308, %get3A_305, %select_n3A_302 : vector<16xi1>, vector<16xf32>
    %get3A_310 = arith.constant 2336 : index
    %get3A_311 = tpu.vector_load %arg4[%get3A_310] {strides = array<i32>} : memref<4352xf32, #tpu.memory_space<vmem>>, vector<16xf32>,
    %get3A_312 = vector.shape_cast %get3A_311 : vector<16xf32> to vector<16xf32>
    %eq3A_313 = arith.constant 9 : i32
    %eq3A_314 = vector.broadcast %eq3A_313 : i32 to vector<16xi32>
    %eq3A_315 = arith.cmpi eq, %convert_element_type3A_244, %eq3A_314 : vector<16xi32>
    %select_n3A_316 = arith.select %eq3A_315, %get3A_312, %select_n3A_309 : vector<16xi1>, vector<16xf32>
    %get3A_317 = arith.constant 2592 : index
    %get3A_318 = tpu.vector_load %arg4[%get3A_317] {strides = array<i32>} : memref<4352xf32, #tpu.memory_space<vmem>>, vector<16xf32>,
    %get3A_319 = vector.shape_cast %get3A_318 : vector<16xf32> to vector<16xf32>
    %eq3A_320 = arith.constant 10 : i32
    %eq3A_321 = vector.broadcast %eq3A_320 : i32 to vector<16xi32>
    %eq3A_322 = arith.cmpi eq, %convert_element_type3A_244, %eq3A_321 : vector<16xi32>
    %select_n3A_323 = arith.select %eq3A_322, %get3A_319, %select_n3A_316 : vector<16xi1>, vector<16xf32>
    %get3A_324 = arith.constant 2848 : index
    %get3A_325 = tpu.vector_load %arg4[%get3A_324] {strides = array<i32>} : memref<4352xf32, #tpu.memory_space<vmem>>, vector<16xf32>,
    %get3A_326 = vector.shape_cast %get3A_325 : vector<16xf32> to vector<16xf32>
    %eq3A_327 = arith.constant 11 : i32
    %eq3A_328 = vector.broadcast %eq3A_327 : i32 to vector<16xi32>
    %eq3A_329 = arith.cmpi eq, %convert_element_type3A_244, %eq3A_328 : vector<16xi32>
    %select_n3A_330 = arith.select %eq3A_329, %get3A_326, %select_n3A_323 : vector<16xi1>, vector<16xf32>
    %get3A_331 = arith.constant 3104 : index
    %get3A_332 = tpu.vector_load %arg4[%get3A_331] {strides = array<i32>} : memref<4352xf32, #tpu.memory_space<vmem>>, vector<16xf32>,
    %get3A_333 = vector.shape_cast %get3A_332 : vector<16xf32> to vector<16xf32>
    %eq3A_334 = arith.constant 12 : i32
    %eq3A_335 = vector.broadcast %eq3A_334 : i32 to vector<16xi32>
    %eq3A_336 = arith.cmpi eq, %convert_element_type3A_244, %eq3A_335 : vector<16xi32>
    %select_n3A_337 = arith.select %eq3A_336, %get3A_333, %select_n3A_330 : vector<16xi1>, vector<16xf32>
    %get3A_338 = arith.constant 3360 : index
    %get3A_339 = tpu.vector_load %arg4[%get3A_338] {strides = array<i32>} : memref<4352xf32, #tpu.memory_space<vmem>>, vector<16xf32>,
    %get3A_340 = vector.shape_cast %get3A_339 : vector<16xf32> to vector<16xf32>
    %eq3A_341 = arith.constant 13 : i32
    %eq3A_342 = vector.broadcast %eq3A_341 : i32 to vector<16xi32>
    %eq3A_343 = arith.cmpi eq, %convert_element_type3A_244, %eq3A_342 : vector<16xi32>
    %select_n3A_344 = arith.select %eq3A_343, %get3A_340, %select_n3A_337 : vector<16xi1>, vector<16xf32>
    %get3A_345 = arith.constant 3616 : index
    %get3A_346 = tpu.vector_load %arg4[%get3A_345] {strides = array<i32>} : memref<4352xf32, #tpu.memory_space<vmem>>, vector<16xf32>,
    %get3A_347 = vector.shape_cast %get3A_346 : vector<16xf32> to vector<16xf32>
    %eq3A_348 = arith.constant 14 : i32
    %eq3A_349 = vector.broadcast %eq3A_348 : i32 to vector<16xi32>
    %eq3A_350 = arith.cmpi eq, %convert_element_type3A_244, %eq3A_349 : vector<16xi32>
    %select_n3A_351 = arith.select %eq3A_350, %get3A_347, %select_n3A_344 : vector<16xi1>, vector<16xf32>
    %get3A_352 = arith.constant 3872 : index
    %get3A_353 = tpu.vector_load %arg4[%get3A_352] {strides = array<i32>} : memref<4352xf32, #tpu.memory_space<vmem>>, vector<16xf32>,
    %get3A_354 = vector.shape_cast %get3A_353 : vector<16xf32> to vector<16xf32>
    %eq3A_355 = arith.constant 15 : i32
    %eq3A_356 = vector.broadcast %eq3A_355 : i32 to vector<16xi32>
    %eq3A_357 = arith.cmpi eq, %convert_element_type3A_244, %eq3A_356 : vector<16xi32>
    %select_n3A_358 = arith.select %eq3A_357, %get3A_354, %select_n3A_351 : vector<16xi1>, vector<16xf32>
    %swap3A_359 = arith.constant 32 : index
    %swap3A_360 = tpu.vector_load %arg5[%swap3A_359] {strides = array<i32>} : memref<256xf32, #tpu.memory_space<vmem>>, vector<16xf32>,
    %swap3A_361 = vector.shape_cast %swap3A_360 : vector<16xf32> to vector<16xf32>
    %swap3A_362 = vector.shape_cast %select_n3A_358 : vector<16xf32> to vector<16xf32>
    tpu.vector_store %arg5[%swap3A_359], %swap3A_362 {strides = array<i32>} : memref<256xf32, #tpu.memory_space<vmem>>, vector<16xf32>,
    %get3A_363 = arith.constant 4144 : index
    %get3A_364 = tpu.vector_load %arg4[%get3A_363] {strides = array<i32>} : memref<4352xf32, #tpu.memory_space<vmem>>, vector<16xf32>,
    %get3A_365 = vector.shape_cast %get3A_364 : vector<16xf32> to vector<16xf32>
    %convert_element_type3A_366 = arith.fptosi %get3A_365 : vector<16xf32> to vector<16xi32>
    %broadcast_in_dim3A_367 = arith.constant 0.000000e+00 : f32
    %broadcast_in_dim3A_368 = vector.broadcast %broadcast_in_dim3A_367 : f32 to vector<16xf32>
    %get3A_369 = arith.constant 48 : index
    %get3A_370 = tpu.vector_load %arg4[%get3A_369] {strides = array<i32>} : memref<4352xf32, #tpu.memory_space<vmem>>, vector<16xf32>,
    %get3A_371 = vector.shape_cast %get3A_370 : vector<16xf32> to vector<16xf32>
    %eq3A_372 = arith.constant 0 : i32
    %eq3A_373 = vector.broadcast %eq3A_372 : i32 to vector<16xi32>
    %eq3A_374 = arith.cmpi eq, %convert_element_type3A_366, %eq3A_373 : vector<16xi32>
    %select_n3A_375 = arith.select %eq3A_374, %get3A_371, %broadcast_in_dim3A_368 : vector<16xi1>, vector<16xf32>
    %get3A_376 = arith.constant 304 : index
    %get3A_377 = tpu.vector_load %arg4[%get3A_376] {strides = array<i32>} : memref<4352xf32, #tpu.memory_space<vmem>>, vector<16xf32>,
    %get3A_378 = vector.shape_cast %get3A_377 : vector<16xf32> to vector<16xf32>
    %eq3A_379 = arith.constant 1 : i32
    %eq3A_380 = vector.broadcast %eq3A_379 : i32 to vector<16xi32>
    %eq3A_381 = arith.cmpi eq, %convert_element_type3A_366, %eq3A_380 : vector<16xi32>
    %select_n3A_382 = arith.select %eq3A_381, %get3A_378, %select_n3A_375 : vector<16xi1>, vector<16xf32>
    %get3A_383 = arith.constant 560 : index
    %get3A_384 = tpu.vector_load %arg4[%get3A_383] {strides = array<i32>} : memref<4352xf32, #tpu.memory_space<vmem>>, vector<16xf32>,
    %get3A_385 = vector.shape_cast %get3A_384 : vector<16xf32> to vector<16xf32>
    %eq3A_386 = arith.constant 2 : i32
    %eq3A_387 = vector.broadcast %eq3A_386 : i32 to vector<16xi32>
    %eq3A_388 = arith.cmpi eq, %convert_element_type3A_366, %eq3A_387 : vector<16xi32>
    %select_n3A_389 = arith.select %eq3A_388, %get3A_385, %select_n3A_382 : vector<16xi1>, vector<16xf32>
    %get3A_390 = arith.constant 816 : index
    %get3A_391 = tpu.vector_load %arg4[%get3A_390] {strides = array<i32>} : memref<4352xf32, #tpu.memory_space<vmem>>, vector<16xf32>,
    %get3A_392 = vector.shape_cast %get3A_391 : vector<16xf32> to vector<16xf32>
    %eq3A_393 = arith.constant 3 : i32
    %eq3A_394 = vector.broadcast %eq3A_393 : i32 to vector<16xi32>
    %eq3A_395 = arith.cmpi eq, %convert_element_type3A_366, %eq3A_394 : vector<16xi32>
    %select_n3A_396 = arith.select %eq3A_395, %get3A_392, %select_n3A_389 : vector<16xi1>, vector<16xf32>
    %get3A_397 = arith.constant 1072 : index
    %get3A_398 = tpu.vector_load %arg4[%get3A_397] {strides = array<i32>} : memref<4352xf32, #tpu.memory_space<vmem>>, vector<16xf32>,
    %get3A_399 = vector.shape_cast %get3A_398 : vector<16xf32> to vector<16xf32>
    %eq3A_400 = arith.constant 4 : i32
    %eq3A_401 = vector.broadcast %eq3A_400 : i32 to vector<16xi32>
    %eq3A_402 = arith.cmpi eq, %convert_element_type3A_366, %eq3A_401 : vector<16xi32>
    %select_n3A_403 = arith.select %eq3A_402, %get3A_399, %select_n3A_396 : vector<16xi1>, vector<16xf32>
    %get3A_404 = arith.constant 1328 : index
    %get3A_405 = tpu.vector_load %arg4[%get3A_404] {strides = array<i32>} : memref<4352xf32, #tpu.memory_space<vmem>>, vector<16xf32>,
    %get3A_406 = vector.shape_cast %get3A_405 : vector<16xf32> to vector<16xf32>
    %eq3A_407 = arith.constant 5 : i32
    %eq3A_408 = vector.broadcast %eq3A_407 : i32 to vector<16xi32>
    %eq3A_409 = arith.cmpi eq, %convert_element_type3A_366, %eq3A_408 : vector<16xi32>
    %select_n3A_410 = arith.select %eq3A_409, %get3A_406, %select_n3A_403 : vector<16xi1>, vector<16xf32>
    %get3A_411 = arith.constant 1584 : index
    %get3A_412 = tpu.vector_load %arg4[%get3A_411] {strides = array<i32>} : memref<4352xf32, #tpu.memory_space<vmem>>, vector<16xf32>,
    %get3A_413 = vector.shape_cast %get3A_412 : vector<16xf32> to vector<16xf32>
    %eq3A_414 = arith.constant 6 : i32
    %eq3A_415 = vector.broadcast %eq3A_414 : i32 to vector<16xi32>
    %eq3A_416 = arith.cmpi eq, %convert_element_type3A_366, %eq3A_415 : vector<16xi32>
    %select_n3A_417 = arith.select %eq3A_416, %get3A_413, %select_n3A_410 : vector<16xi1>, vector<16xf32>
    %get3A_418 = arith.constant 1840 : index
    %get3A_419 = tpu.vector_load %arg4[%get3A_418] {strides = array<i32>} : memref<4352xf32, #tpu.memory_space<vmem>>, vector<16xf32>,
    %get3A_420 = vector.shape_cast %get3A_419 : vector<16xf32> to vector<16xf32>
    %eq3A_421 = arith.constant 7 : i32
    %eq3A_422 = vector.broadcast %eq3A_421 : i32 to vector<16xi32>
    %eq3A_423 = arith.cmpi eq, %convert_element_type3A_366, %eq3A_422 : vector<16xi32>
    %select_n3A_424 = arith.select %eq3A_423, %get3A_420, %select_n3A_417 : vector<16xi1>, vector<16xf32>
    %get3A_425 = arith.constant 2096 : index
    %get3A_426 = tpu.vector_load %arg4[%get3A_425] {strides = array<i32>} : memref<4352xf32, #tpu.memory_space<vmem>>, vector<16xf32>,
    %get3A_427 = vector.shape_cast %get3A_426 : vector<16xf32> to vector<16xf32>
    %eq3A_428 = arith.constant 8 : i32
    %eq3A_429 = vector.broadcast %eq3A_428 : i32 to vector<16xi32>
    %eq3A_430 = arith.cmpi eq, %convert_element_type3A_366, %eq3A_429 : vector<16xi32>
    %select_n3A_431 = arith.select %eq3A_430, %get3A_427, %select_n3A_424 : vector<16xi1>, vector<16xf32>
    %get3A_432 = arith.constant 2352 : index
    %get3A_433 = tpu.vector_load %arg4[%get3A_432] {strides = array<i32>} : memref<4352xf32, #tpu.memory_space<vmem>>, vector<16xf32>,
    %get3A_434 = vector.shape_cast %get3A_433 : vector<16xf32> to vector<16xf32>
    %eq3A_435 = arith.constant 9 : i32
    %eq3A_436 = vector.broadcast %eq3A_435 : i32 to vector<16xi32>
    %eq3A_437 = arith.cmpi eq, %convert_element_type3A_366, %eq3A_436 : vector<16xi32>
    %select_n3A_438 = arith.select %eq3A_437, %get3A_434, %select_n3A_431 : vector<16xi1>, vector<16xf32>
    %get3A_439 = arith.constant 2608 : index
    %get3A_440 = tpu.vector_load %arg4[%get3A_439] {strides = array<i32>} : memref<4352xf32, #tpu.memory_space<vmem>>, vector<16xf32>,
    %get3A_441 = vector.shape_cast %get3A_440 : vector<16xf32> to vector<16xf32>
    %eq3A_442 = arith.constant 10 : i32
    %eq3A_443 = vector.broadcast %eq3A_442 : i32 to vector<16xi32>
    %eq3A_444 = arith.cmpi eq, %convert_element_type3A_366, %eq3A_443 : vector<16xi32>
    %select_n3A_445 = arith.select %eq3A_444, %get3A_441, %select_n3A_438 : vector<16xi1>, vector<16xf32>
    %get3A_446 = arith.constant 2864 : index
    %get3A_447 = tpu.vector_load %arg4[%get3A_446] {strides = array<i32>} : memref<4352xf32, #tpu.memory_space<vmem>>, vector<16xf32>,
    %get3A_448 = vector.shape_cast %get3A_447 : vector<16xf32> to vector<16xf32>
    %eq3A_449 = arith.constant 11 : i32
    %eq3A_450 = vector.broadcast %eq3A_449 : i32 to vector<16xi32>
    %eq3A_451 = arith.cmpi eq, %convert_element_type3A_366, %eq3A_450 : vector<16xi32>
    %select_n3A_452 = arith.select %eq3A_451, %get3A_448, %select_n3A_445 : vector<16xi1>, vector<16xf32>
    %get3A_453 = arith.constant 3120 : index
    %get3A_454 = tpu.vector_load %arg4[%get3A_453] {strides = array<i32>} : memref<4352xf32, #tpu.memory_space<vmem>>, vector<16xf32>,
    %get3A_455 = vector.shape_cast %get3A_454 : vector<16xf32> to vector<16xf32>
    %eq3A_456 = arith.constant 12 : i32
    %eq3A_457 = vector.broadcast %eq3A_456 : i32 to vector<16xi32>
    %eq3A_458 = arith.cmpi eq, %convert_element_type3A_366, %eq3A_457 : vector<16xi32>
    %select_n3A_459 = arith.select %eq3A_458, %get3A_455, %select_n3A_452 : vector<16xi1>, vector<16xf32>
    %get3A_460 = arith.constant 3376 : index
    %get3A_461 = tpu.vector_load %arg4[%get3A_460] {strides = array<i32>} : memref<4352xf32, #tpu.memory_space<vmem>>, vector<16xf32>,
    %get3A_462 = vector.shape_cast %get3A_461 : vector<16xf32> to vector<16xf32>
    %eq3A_463 = arith.constant 13 : i32
    %eq3A_464 = vector.broadcast %eq3A_463 : i32 to vector<16xi32>
    %eq3A_465 = arith.cmpi eq, %convert_element_type3A_366, %eq3A_464 : vector<16xi32>
    %select_n3A_466 = arith.select %eq3A_465, %get3A_462, %select_n3A_459 : vector<16xi1>, vector<16xf32>
    %get3A_467 = arith.constant 3632 : index
    %get3A_468 = tpu.vector_load %arg4[%get3A_467] {strides = array<i32>} : memref<4352xf32, #tpu.memory_space<vmem>>, vector<16xf32>,
    %get3A_469 = vector.shape_cast %get3A_468 : vector<16xf32> to vector<16xf32>
    %eq3A_470 = arith.constant 14 : i32
    %eq3A_471 = vector.broadcast %eq3A_470 : i32 to vector<16xi32>
    %eq3A_472 = arith.cmpi eq, %convert_element_type3A_366, %eq3A_471 : vector<16xi32>
    %select_n3A_473 = arith.select %eq3A_472, %get3A_469, %select_n3A_466 : vector<16xi1>, vector<16xf32>
    %get3A_474 = arith.constant 3888 : index
    %get3A_475 = tpu.vector_load %arg4[%get3A_474] {strides = array<i32>} : memref<4352xf32, #tpu.memory_space<vmem>>, vector<16xf32>,
    %get3A_476 = vector.shape_cast %get3A_475 : vector<16xf32> to vector<16xf32>
    %eq3A_477 = arith.constant 15 : i32
    %eq3A_478 = vector.broadcast %eq3A_477 : i32 to vector<16xi32>
    %eq3A_479 = arith.cmpi eq, %convert_element_type3A_366, %eq3A_478 : vector<16xi32>
    %select_n3A_480 = arith.select %eq3A_479, %get3A_476, %select_n3A_473 : vector<16xi1>, vector<16xf32>
    %swap3A_481 = arith.constant 48 : index
    %swap3A_482 = tpu.vector_load %arg5[%swap3A_481] {strides = array<i32>} : memref<256xf32, #tpu.memory_space<vmem>>, vector<16xf32>,
    %swap3A_483 = vector.shape_cast %swap3A_482 : vector<16xf32> to vector<16xf32>
    %swap3A_484 = vector.shape_cast %select_n3A_480 : vector<16xf32> to vector<16xf32>
    tpu.vector_store %arg5[%swap3A_481], %swap3A_484 {strides = array<i32>} : memref<256xf32, #tpu.memory_space<vmem>>, vector<16xf32>,
    %get3A_485 = arith.constant 4160 : index
    %get3A_486 = tpu.vector_load %arg4[%get3A_485] {strides = array<i32>} : memref<4352xf32, #tpu.memory_space<vmem>>, vector<16xf32>,
    %get3A_487 = vector.shape_cast %get3A_486 : vector<16xf32> to vector<16xf32>
    %convert_element_type3A_488 = arith.fptosi %get3A_487 : vector<16xf32> to vector<16xi32>
    %broadcast_in_dim3A_489 = arith.constant 0.000000e+00 : f32
    %broadcast_in_dim3A_490 = vector.broadcast %broadcast_in_dim3A_489 : f32 to vector<16xf32>
    %get3A_491 = arith.constant 64 : index
    %get3A_492 = tpu.vector_load %arg4[%get3A_491] {strides = array<i32>} : memref<4352xf32, #tpu.memory_space<vmem>>, vector<16xf32>,
    %get3A_493 = vector.shape_cast %get3A_492 : vector<16xf32> to vector<16xf32>
    %eq3A_494 = arith.constant 0 : i32
    %eq3A_495 = vector.broadcast %eq3A_494 : i32 to vector<16xi32>
    %eq3A_496 = arith.cmpi eq, %convert_element_type3A_488, %eq3A_495 : vector<16xi32>
    %select_n3A_497 = arith.select %eq3A_496, %get3A_493, %broadcast_in_dim3A_490 : vector<16xi1>, vector<16xf32>
    %get3A_498 = arith.constant 320 : index
    %get3A_499 = tpu.vector_load %arg4[%get3A_498] {strides = array<i32>} : memref<4352xf32, #tpu.memory_space<vmem>>, vector<16xf32>,
    %get3A_500 = vector.shape_cast %get3A_499 : vector<16xf32> to vector<16xf32>
    %eq3A_501 = arith.constant 1 : i32
    %eq3A_502 = vector.broadcast %eq3A_501 : i32 to vector<16xi32>
    %eq3A_503 = arith.cmpi eq, %convert_element_type3A_488, %eq3A_502 : vector<16xi32>
    %select_n3A_504 = arith.select %eq3A_503, %get3A_500, %select_n3A_497 : vector<16xi1>, vector<16xf32>
    %get3A_505 = arith.constant 576 : index
    %get3A_506 = tpu.vector_load %arg4[%get3A_505] {strides = array<i32>} : memref<4352xf32, #tpu.memory_space<vmem>>, vector<16xf32>,
    %get3A_507 = vector.shape_cast %get3A_506 : vector<16xf32> to vector<16xf32>
    %eq3A_508 = arith.constant 2 : i32
    %eq3A_509 = vector.broadcast %eq3A_508 : i32 to vector<16xi32>
    %eq3A_510 = arith.cmpi eq, %convert_element_type3A_488, %eq3A_509 : vector<16xi32>
    %select_n3A_511 = arith.select %eq3A_510, %get3A_507, %select_n3A_504 : vector<16xi1>, vector<16xf32>
    %get3A_512 = arith.constant 832 : index
    %get3A_513 = tpu.vector_load %arg4[%get3A_512] {strides = array<i32>} : memref<4352xf32, #tpu.memory_space<vmem>>, vector<16xf32>,
    %get3A_514 = vector.shape_cast %get3A_513 : vector<16xf32> to vector<16xf32>
    %eq3A_515 = arith.constant 3 : i32
    %eq3A_516 = vector.broadcast %eq3A_515 : i32 to vector<16xi32>
    %eq3A_517 = arith.cmpi eq, %convert_element_type3A_488, %eq3A_516 : vector<16xi32>
    %select_n3A_518 = arith.select %eq3A_517, %get3A_514, %select_n3A_511 : vector<16xi1>, vector<16xf32>
    %get3A_519 = arith.constant 1088 : index
    %get3A_520 = tpu.vector_load %arg4[%get3A_519] {strides = array<i32>} : memref<4352xf32, #tpu.memory_space<vmem>>, vector<16xf32>,
    %get3A_521 = vector.shape_cast %get3A_520 : vector<16xf32> to vector<16xf32>
    %eq3A_522 = arith.constant 4 : i32
    %eq3A_523 = vector.broadcast %eq3A_522 : i32 to vector<16xi32>
    %eq3A_524 = arith.cmpi eq, %convert_element_type3A_488, %eq3A_523 : vector<16xi32>
    %select_n3A_525 = arith.select %eq3A_524, %get3A_521, %select_n3A_518 : vector<16xi1>, vector<16xf32>
    %get3A_526 = arith.constant 1344 : index
    %get3A_527 = tpu.vector_load %arg4[%get3A_526] {strides = array<i32>} : memref<4352xf32, #tpu.memory_space<vmem>>, vector<16xf32>,
    %get3A_528 = vector.shape_cast %get3A_527 : vector<16xf32> to vector<16xf32>
    %eq3A_529 = arith.constant 5 : i32
    %eq3A_530 = vector.broadcast %eq3A_529 : i32 to vector<16xi32>
    %eq3A_531 = arith.cmpi eq, %convert_element_type3A_488, %eq3A_530 : vector<16xi32>
    %select_n3A_532 = arith.select %eq3A_531, %get3A_528, %select_n3A_525 : vector<16xi1>, vector<16xf32>
    %get3A_533 = arith.constant 1600 : index
    %get3A_534 = tpu.vector_load %arg4[%get3A_533] {strides = array<i32>} : memref<4352xf32, #tpu.memory_space<vmem>>, vector<16xf32>,
    %get3A_535 = vector.shape_cast %get3A_534 : vector<16xf32> to vector<16xf32>
    %eq3A_536 = arith.constant 6 : i32
    %eq3A_537 = vector.broadcast %eq3A_536 : i32 to vector<16xi32>
    %eq3A_538 = arith.cmpi eq, %convert_element_type3A_488, %eq3A_537 : vector<16xi32>
    %select_n3A_539 = arith.select %eq3A_538, %get3A_535, %select_n3A_532 : vector<16xi1>, vector<16xf32>
    %get3A_540 = arith.constant 1856 : index
    %get3A_541 = tpu.vector_load %arg4[%get3A_540] {strides = array<i32>} : memref<4352xf32, #tpu.memory_space<vmem>>, vector<16xf32>,
    %get3A_542 = vector.shape_cast %get3A_541 : vector<16xf32> to vector<16xf32>
    %eq3A_543 = arith.constant 7 : i32
    %eq3A_544 = vector.broadcast %eq3A_543 : i32 to vector<16xi32>
    %eq3A_545 = arith.cmpi eq, %convert_element_type3A_488, %eq3A_544 : vector<16xi32>
    %select_n3A_546 = arith.select %eq3A_545, %get3A_542, %select_n3A_539 : vector<16xi1>, vector<16xf32>
    %get3A_547 = arith.constant 2112 : index
    %get3A_548 = tpu.vector_load %arg4[%get3A_547] {strides = array<i32>} : memref<4352xf32, #tpu.memory_space<vmem>>, vector<16xf32>,
    %get3A_549 = vector.shape_cast %get3A_548 : vector<16xf32> to vector<16xf32>
    %eq3A_550 = arith.constant 8 : i32
    %eq3A_551 = vector.broadcast %eq3A_550 : i32 to vector<16xi32>
    %eq3A_552 = arith.cmpi eq, %convert_element_type3A_488, %eq3A_551 : vector<16xi32>
    %select_n3A_553 = arith.select %eq3A_552, %get3A_549, %select_n3A_546 : vector<16xi1>, vector<16xf32>
    %get3A_554 = arith.constant 2368 : index
    %get3A_555 = tpu.vector_load %arg4[%get3A_554] {strides = array<i32>} : memref<4352xf32, #tpu.memory_space<vmem>>, vector<16xf32>,
    %get3A_556 = vector.shape_cast %get3A_555 : vector<16xf32> to vector<16xf32>
    %eq3A_557 = arith.constant 9 : i32
    %eq3A_558 = vector.broadcast %eq3A_557 : i32 to vector<16xi32>
    %eq3A_559 = arith.cmpi eq, %convert_element_type3A_488, %eq3A_558 : vector<16xi32>
    %select_n3A_560 = arith.select %eq3A_559, %get3A_556, %select_n3A_553 : vector<16xi1>, vector<16xf32>
    %get3A_561 = arith.constant 2624 : index
    %get3A_562 = tpu.vector_load %arg4[%get3A_561] {strides = array<i32>} : memref<4352xf32, #tpu.memory_space<vmem>>, vector<16xf32>,
    %get3A_563 = vector.shape_cast %get3A_562 : vector<16xf32> to vector<16xf32>
    %eq3A_564 = arith.constant 10 : i32
    %eq3A_565 = vector.broadcast %eq3A_564 : i32 to vector<16xi32>
    %eq3A_566 = arith.cmpi eq, %convert_element_type3A_488, %eq3A_565 : vector<16xi32>
    %select_n3A_567 = arith.select %eq3A_566, %get3A_563, %select_n3A_560 : vector<16xi1>, vector<16xf32>
    %get3A_568 = arith.constant 2880 : index
    %get3A_569 = tpu.vector_load %arg4[%get3A_568] {strides = array<i32>} : memref<4352xf32, #tpu.memory_space<vmem>>, vector<16xf32>,
    %get3A_570 = vector.shape_cast %get3A_569 : vector<16xf32> to vector<16xf32>
    %eq3A_571 = arith.constant 11 : i32
    %eq3A_572 = vector.broadcast %eq3A_571 : i32 to vector<16xi32>
    %eq3A_573 = arith.cmpi eq, %convert_element_type3A_488, %eq3A_572 : vector<16xi32>
    %select_n3A_574 = arith.select %eq3A_573, %get3A_570, %select_n3A_567 : vector<16xi1>, vector<16xf32>
    %get3A_575 = arith.constant 3136 : index
    %get3A_576 = tpu.vector_load %arg4[%get3A_575] {strides = array<i32>} : memref<4352xf32, #tpu.memory_space<vmem>>, vector<16xf32>,
    %get3A_577 = vector.shape_cast %get3A_576 : vector<16xf32> to vector<16xf32>
    %eq3A_578 = arith.constant 12 : i32
    %eq3A_579 = vector.broadcast %eq3A_578 : i32 to vector<16xi32>
    %eq3A_580 = arith.cmpi eq, %convert_element_type3A_488, %eq3A_579 : vector<16xi32>
    %select_n3A_581 = arith.select %eq3A_580, %get3A_577, %select_n3A_574 : vector<16xi1>, vector<16xf32>
    %get3A_582 = arith.constant 3392 : index
    %get3A_583 = tpu.vector_load %arg4[%get3A_582] {strides = array<i32>} : memref<4352xf32, #tpu.memory_space<vmem>>, vector<16xf32>,
    %get3A_584 = vector.shape_cast %get3A_583 : vector<16xf32> to vector<16xf32>
    %eq3A_585 = arith.constant 13 : i32
    %eq3A_586 = vector.broadcast %eq3A_585 : i32 to vector<16xi32>
    %eq3A_587 = arith.cmpi eq, %convert_element_type3A_488, %eq3A_586 : vector<16xi32>
    %select_n3A_588 = arith.select %eq3A_587, %get3A_584, %select_n3A_581 : vector<16xi1>, vector<16xf32>
    %get3A_589 = arith.constant 3648 : index
    %get3A_590 = tpu.vector_load %arg4[%get3A_589] {strides = array<i32>} : memref<4352xf32, #tpu.memory_space<vmem>>, vector<16xf32>,
    %get3A_591 = vector.shape_cast %get3A_590 : vector<16xf32> to vector<16xf32>
    %eq3A_592 = arith.constant 14 : i32
    %eq3A_593 = vector.broadcast %eq3A_592 : i32 to vector<16xi32>
    %eq3A_594 = arith.cmpi eq, %convert_element_type3A_488, %eq3A_593 : vector<16xi32>
    %select_n3A_595 = arith.select %eq3A_594, %get3A_591, %select_n3A_588 : vector<16xi1>, vector<16xf32>
    %get3A_596 = arith.constant 3904 : index
    %get3A_597 = tpu.vector_load %arg4[%get3A_596] {strides = array<i32>} : memref<4352xf32, #tpu.memory_space<vmem>>, vector<16xf32>,
    %get3A_598 = vector.shape_cast %get3A_597 : vector<16xf32> to vector<16xf32>
    %eq3A_599 = arith.constant 15 : i32
    %eq3A_600 = vector.broadcast %eq3A_599 : i32 to vector<16xi32>
    %eq3A_601 = arith.cmpi eq, %convert_element_type3A_488, %eq3A_600 : vector<16xi32>
    %select_n3A_602 = arith.select %eq3A_601, %get3A_598, %select_n3A_595 : vector<16xi1>, vector<16xf32>
    %swap3A_603 = arith.constant 64 : index
    %swap3A_604 = tpu.vector_load %arg5[%swap3A_603] {strides = array<i32>} : memref<256xf32, #tpu.memory_space<vmem>>, vector<16xf32>,
    %swap3A_605 = vector.shape_cast %swap3A_604 : vector<16xf32> to vector<16xf32>
    %swap3A_606 = vector.shape_cast %select_n3A_602 : vector<16xf32> to vector<16xf32>
    tpu.vector_store %arg5[%swap3A_603], %swap3A_606 {strides = array<i32>} : memref<256xf32, #tpu.memory_space<vmem>>, vector<16xf32>,
    %get3A_607 = arith.constant 4176 : index
    %get3A_608 = tpu.vector_load %arg4[%get3A_607] {strides = array<i32>} : memref<4352xf32, #tpu.memory_space<vmem>>, vector<16xf32>,
    %get3A_609 = vector.shape_cast %get3A_608 : vector<16xf32> to vector<16xf32>
    %convert_element_type3A_610 = arith.fptosi %get3A_609 : vector<16xf32> to vector<16xi32>
    %broadcast_in_dim3A_611 = arith.constant 0.000000e+00 : f32
    %broadcast_in_dim3A_612 = vector.broadcast %broadcast_in_dim3A_611 : f32 to vector<16xf32>
    %get3A_613 = arith.constant 80 : index
    %get3A_614 = tpu.vector_load %arg4[%get3A_613] {strides = array<i32>} : memref<4352xf32, #tpu.memory_space<vmem>>, vector<16xf32>,
    %get3A_615 = vector.shape_cast %get3A_614 : vector<16xf32> to vector<16xf32>
    %eq3A_616 = arith.constant 0 : i32
    %eq3A_617 = vector.broadcast %eq3A_616 : i32 to vector<16xi32>
    %eq3A_618 = arith.cmpi eq, %convert_element_type3A_610, %eq3A_617 : vector<16xi32>
    %select_n3A_619 = arith.select %eq3A_618, %get3A_615, %broadcast_in_dim3A_612 : vector<16xi1>, vector<16xf32>
    %get3A_620 = arith.constant 336 : index
    %get3A_621 = tpu.vector_load %arg4[%get3A_620] {strides = array<i32>} : memref<4352xf32, #tpu.memory_space<vmem>>, vector<16xf32>,
    %get3A_622 = vector.shape_cast %get3A_621 : vector<16xf32> to vector<16xf32>
    %eq3A_623 = arith.constant 1 : i32
    %eq3A_624 = vector.broadcast %eq3A_623 : i32 to vector<16xi32>
    %eq3A_625 = arith.cmpi eq, %convert_element_type3A_610, %eq3A_624 : vector<16xi32>
    %select_n3A_626 = arith.select %eq3A_625, %get3A_622, %select_n3A_619 : vector<16xi1>, vector<16xf32>
    %get3A_627 = arith.constant 592 : index
    %get3A_628 = tpu.vector_load %arg4[%get3A_627] {strides = array<i32>} : memref<4352xf32, #tpu.memory_space<vmem>>, vector<16xf32>,
    %get3A_629 = vector.shape_cast %get3A_628 : vector<16xf32> to vector<16xf32>
    %eq3A_630 = arith.constant 2 : i32
    %eq3A_631 = vector.broadcast %eq3A_630 : i32 to vector<16xi32>
    %eq3A_632 = arith.cmpi eq, %convert_element_type3A_610, %eq3A_631 : vector<16xi32>
    %select_n3A_633 = arith.select %eq3A_632, %get3A_629, %select_n3A_626 : vector<16xi1>, vector<16xf32>
    %get3A_634 = arith.constant 848 : index
    %get3A_635 = tpu.vector_load %arg4[%get3A_634] {strides = array<i32>} : memref<4352xf32, #tpu.memory_space<vmem>>, vector<16xf32>,
    %get3A_636 = vector.shape_cast %get3A_635 : vector<16xf32> to vector<16xf32>
    %eq3A_637 = arith.constant 3 : i32
    %eq3A_638 = vector.broadcast %eq3A_637 : i32 to vector<16xi32>
    %eq3A_639 = arith.cmpi eq, %convert_element_type3A_610, %eq3A_638 : vector<16xi32>
    %select_n3A_640 = arith.select %eq3A_639, %get3A_636, %select_n3A_633 : vector<16xi1>, vector<16xf32>
    %get3A_641 = arith.constant 1104 : index
    %get3A_642 = tpu.vector_load %arg4[%get3A_641] {strides = array<i32>} : memref<4352xf32, #tpu.memory_space<vmem>>, vector<16xf32>,
    %get3A_643 = vector.shape_cast %get3A_642 : vector<16xf32> to vector<16xf32>
    %eq3A_644 = arith.constant 4 : i32
    %eq3A_645 = vector.broadcast %eq3A_644 : i32 to vector<16xi32>
    %eq3A_646 = arith.cmpi eq, %convert_element_type3A_610, %eq3A_645 : vector<16xi32>
    %select_n3A_647 = arith.select %eq3A_646, %get3A_643, %select_n3A_640 : vector<16xi1>, vector<16xf32>
    %get3A_648 = arith.constant 1360 : index
    %get3A_649 = tpu.vector_load %arg4[%get3A_648] {strides = array<i32>} : memref<4352xf32, #tpu.memory_space<vmem>>, vector<16xf32>,
    %get3A_650 = vector.shape_cast %get3A_649 : vector<16xf32> to vector<16xf32>
    %eq3A_651 = arith.constant 5 : i32
    %eq3A_652 = vector.broadcast %eq3A_651 : i32 to vector<16xi32>
    %eq3A_653 = arith.cmpi eq, %convert_element_type3A_610, %eq3A_652 : vector<16xi32>
    %select_n3A_654 = arith.select %eq3A_653, %get3A_650, %select_n3A_647 : vector<16xi1>, vector<16xf32>
    %get3A_655 = arith.constant 1616 : index
    %get3A_656 = tpu.vector_load %arg4[%get3A_655] {strides = array<i32>} : memref<4352xf32, #tpu.memory_space<vmem>>, vector<16xf32>,
    %get3A_657 = vector.shape_cast %get3A_656 : vector<16xf32> to vector<16xf32>
    %eq3A_658 = arith.constant 6 : i32
    %eq3A_659 = vector.broadcast %eq3A_658 : i32 to vector<16xi32>
    %eq3A_660 = arith.cmpi eq, %convert_element_type3A_610, %eq3A_659 : vector<16xi32>
    %select_n3A_661 = arith.select %eq3A_660, %get3A_657, %select_n3A_654 : vector<16xi1>, vector<16xf32>
    %get3A_662 = arith.constant 1872 : index
    %get3A_663 = tpu.vector_load %arg4[%get3A_662] {strides = array<i32>} : memref<4352xf32, #tpu.memory_space<vmem>>, vector<16xf32>,
    %get3A_664 = vector.shape_cast %get3A_663 : vector<16xf32> to vector<16xf32>
    %eq3A_665 = arith.constant 7 : i32
    %eq3A_666 = vector.broadcast %eq3A_665 : i32 to vector<16xi32>
    %eq3A_667 = arith.cmpi eq, %convert_element_type3A_610, %eq3A_666 : vector<16xi32>
    %select_n3A_668 = arith.select %eq3A_667, %get3A_664, %select_n3A_661 : vector<16xi1>, vector<16xf32>
    %get3A_669 = arith.constant 2128 : index
    %get3A_670 = tpu.vector_load %arg4[%get3A_669] {strides = array<i32>} : memref<4352xf32, #tpu.memory_space<vmem>>, vector<16xf32>,
    %get3A_671 = vector.shape_cast %get3A_670 : vector<16xf32> to vector<16xf32>
    %eq3A_672 = arith.constant 8 : i32
    %eq3A_673 = vector.broadcast %eq3A_672 : i32 to vector<16xi32>
    %eq3A_674 = arith.cmpi eq, %convert_element_type3A_610, %eq3A_673 : vector<16xi32>
    %select_n3A_675 = arith.select %eq3A_674, %get3A_671, %select_n3A_668 : vector<16xi1>, vector<16xf32>
    %get3A_676 = arith.constant 2384 : index
    %get3A_677 = tpu.vector_load %arg4[%get3A_676] {strides = array<i32>} : memref<4352xf32, #tpu.memory_space<vmem>>, vector<16xf32>,
    %get3A_678 = vector.shape_cast %get3A_677 : vector<16xf32> to vector<16xf32>
    %eq3A_679 = arith.constant 9 : i32
    %eq3A_680 = vector.broadcast %eq3A_679 : i32 to vector<16xi32>
    %eq3A_681 = arith.cmpi eq, %convert_element_type3A_610, %eq3A_680 : vector<16xi32>
    %select_n3A_682 = arith.select %eq3A_681, %get3A_678, %select_n3A_675 : vector<16xi1>, vector<16xf32>
    %get3A_683 = arith.constant 2640 : index
    %get3A_684 = tpu.vector_load %arg4[%get3A_683] {strides = array<i32>} : memref<4352xf32, #tpu.memory_space<vmem>>, vector<16xf32>,
    %get3A_685 = vector.shape_cast %get3A_684 : vector<16xf32> to vector<16xf32>
    %eq3A_686 = arith.constant 10 : i32
    %eq3A_687 = vector.broadcast %eq3A_686 : i32 to vector<16xi32>
    %eq3A_688 = arith.cmpi eq, %convert_element_type3A_610, %eq3A_687 : vector<16xi32>
    %select_n3A_689 = arith.select %eq3A_688, %get3A_685, %select_n3A_682 : vector<16xi1>, vector<16xf32>
    %get3A_690 = arith.constant 2896 : index
    %get3A_691 = tpu.vector_load %arg4[%get3A_690] {strides = array<i32>} : memref<4352xf32, #tpu.memory_space<vmem>>, vector<16xf32>,
    %get3A_692 = vector.shape_cast %get3A_691 : vector<16xf32> to vector<16xf32>
    %eq3A_693 = arith.constant 11 : i32
    %eq3A_694 = vector.broadcast %eq3A_693 : i32 to vector<16xi32>
    %eq3A_695 = arith.cmpi eq, %convert_element_type3A_610, %eq3A_694 : vector<16xi32>
    %select_n3A_696 = arith.select %eq3A_695, %get3A_692, %select_n3A_689 : vector<16xi1>, vector<16xf32>
    %get3A_697 = arith.constant 3152 : index
    %get3A_698 = tpu.vector_load %arg4[%get3A_697] {strides = array<i32>} : memref<4352xf32, #tpu.memory_space<vmem>>, vector<16xf32>,
    %get3A_699 = vector.shape_cast %get3A_698 : vector<16xf32> to vector<16xf32>
    %eq3A_700 = arith.constant 12 : i32
    %eq3A_701 = vector.broadcast %eq3A_700 : i32 to vector<16xi32>
    %eq3A_702 = arith.cmpi eq, %convert_element_type3A_610, %eq3A_701 : vector<16xi32>
    %select_n3A_703 = arith.select %eq3A_702, %get3A_699, %select_n3A_696 : vector<16xi1>, vector<16xf32>
    %get3A_704 = arith.constant 3408 : index
    %get3A_705 = tpu.vector_load %arg4[%get3A_704] {strides = array<i32>} : memref<4352xf32, #tpu.memory_space<vmem>>, vector<16xf32>,
    %get3A_706 = vector.shape_cast %get3A_705 : vector<16xf32> to vector<16xf32>
    %eq3A_707 = arith.constant 13 : i32
    %eq3A_708 = vector.broadcast %eq3A_707 : i32 to vector<16xi32>
    %eq3A_709 = arith.cmpi eq, %convert_element_type3A_610, %eq3A_708 : vector<16xi32>
    %select_n3A_710 = arith.select %eq3A_709, %get3A_706, %select_n3A_703 : vector<16xi1>, vector<16xf32>
    %get3A_711 = arith.constant 3664 : index
    %get3A_712 = tpu.vector_load %arg4[%get3A_711] {strides = array<i32>} : memref<4352xf32, #tpu.memory_space<vmem>>, vector<16xf32>,
    %get3A_713 = vector.shape_cast %get3A_712 : vector<16xf32> to vector<16xf32>
    %eq3A_714 = arith.constant 14 : i32
    %eq3A_715 = vector.broadcast %eq3A_714 : i32 to vector<16xi32>
    %eq3A_716 = arith.cmpi eq, %convert_element_type3A_610, %eq3A_715 : vector<16xi32>
    %select_n3A_717 = arith.select %eq3A_716, %get3A_713, %select_n3A_710 : vector<16xi1>, vector<16xf32>
    %get3A_718 = arith.constant 3920 : index
    %get3A_719 = tpu.vector_load %arg4[%get3A_718] {strides = array<i32>} : memref<4352xf32, #tpu.memory_space<vmem>>, vector<16xf32>,
    %get3A_720 = vector.shape_cast %get3A_719 : vector<16xf32> to vector<16xf32>
    %eq3A_721 = arith.constant 15 : i32
    %eq3A_722 = vector.broadcast %eq3A_721 : i32 to vector<16xi32>
    %eq3A_723 = arith.cmpi eq, %convert_element_type3A_610, %eq3A_722 : vector<16xi32>
    %select_n3A_724 = arith.select %eq3A_723, %get3A_720, %select_n3A_717 : vector<16xi1>, vector<16xf32>
    %swap3A_725 = arith.constant 80 : index
    %swap3A_726 = tpu.vector_load %arg5[%swap3A_725] {strides = array<i32>} : memref<256xf32, #tpu.memory_space<vmem>>, vector<16xf32>,
    %swap3A_727 = vector.shape_cast %swap3A_726 : vector<16xf32> to vector<16xf32>
    %swap3A_728 = vector.shape_cast %select_n3A_724 : vector<16xf32> to vector<16xf32>
    tpu.vector_store %arg5[%swap3A_725], %swap3A_728 {strides = array<i32>} : memref<256xf32, #tpu.memory_space<vmem>>, vector<16xf32>,
    %get3A_729 = arith.constant 4192 : index
    %get3A_730 = tpu.vector_load %arg4[%get3A_729] {strides = array<i32>} : memref<4352xf32, #tpu.memory_space<vmem>>, vector<16xf32>,
    %get3A_731 = vector.shape_cast %get3A_730 : vector<16xf32> to vector<16xf32>
    %convert_element_type3A_732 = arith.fptosi %get3A_731 : vector<16xf32> to vector<16xi32>
    %broadcast_in_dim3A_733 = arith.constant 0.000000e+00 : f32
    %broadcast_in_dim3A_734 = vector.broadcast %broadcast_in_dim3A_733 : f32 to vector<16xf32>
    %get3A_735 = arith.constant 96 : index
    %get3A_736 = tpu.vector_load %arg4[%get3A_735] {strides = array<i32>} : memref<4352xf32, #tpu.memory_space<vmem>>, vector<16xf32>,
    %get3A_737 = vector.shape_cast %get3A_736 : vector<16xf32> to vector<16xf32>
    %eq3A_738 = arith.constant 0 : i32
    %eq3A_739 = vector.broadcast %eq3A_738 : i32 to vector<16xi32>
    %eq3A_740 = arith.cmpi eq, %convert_element_type3A_732, %eq3A_739 : vector<16xi32>
    %select_n3A_741 = arith.select %eq3A_740, %get3A_737, %broadcast_in_dim3A_734 : vector<16xi1>, vector<16xf32>
    %get3A_742 = arith.constant 352 : index
    %get3A_743 = tpu.vector_load %arg4[%get3A_742] {strides = array<i32>} : memref<4352xf32, #tpu.memory_space<vmem>>, vector<16xf32>,
    %get3A_744 = vector.shape_cast %get3A_743 : vector<16xf32> to vector<16xf32>
    %eq3A_745 = arith.constant 1 : i32
    %eq3A_746 = vector.broadcast %eq3A_745 : i32 to vector<16xi32>
    %eq3A_747 = arith.cmpi eq, %convert_element_type3A_732, %eq3A_746 : vector<16xi32>
    %select_n3A_748 = arith.select %eq3A_747, %get3A_744, %select_n3A_741 : vector<16xi1>, vector<16xf32>
    %get3A_749 = arith.constant 608 : index
    %get3A_750 = tpu.vector_load %arg4[%get3A_749] {strides = array<i32>} : memref<4352xf32, #tpu.memory_space<vmem>>, vector<16xf32>,
    %get3A_751 = vector.shape_cast %get3A_750 : vector<16xf32> to vector<16xf32>
    %eq3A_752 = arith.constant 2 : i32
    %eq3A_753 = vector.broadcast %eq3A_752 : i32 to vector<16xi32>
    %eq3A_754 = arith.cmpi eq, %convert_element_type3A_732, %eq3A_753 : vector<16xi32>
    %select_n3A_755 = arith.select %eq3A_754, %get3A_751, %select_n3A_748 : vector<16xi1>, vector<16xf32>
    %get3A_756 = arith.constant 864 : index
    %get3A_757 = tpu.vector_load %arg4[%get3A_756] {strides = array<i32>} : memref<4352xf32, #tpu.memory_space<vmem>>, vector<16xf32>,
    %get3A_758 = vector.shape_cast %get3A_757 : vector<16xf32> to vector<16xf32>
    %eq3A_759 = arith.constant 3 : i32
    %eq3A_760 = vector.broadcast %eq3A_759 : i32 to vector<16xi32>
    %eq3A_761 = arith.cmpi eq, %convert_element_type3A_732, %eq3A_760 : vector<16xi32>
    %select_n3A_762 = arith.select %eq3A_761, %get3A_758, %select_n3A_755 : vector<16xi1>, vector<16xf32>
    %get3A_763 = arith.constant 1120 : index
    %get3A_764 = tpu.vector_load %arg4[%get3A_763] {strides = array<i32>} : memref<4352xf32, #tpu.memory_space<vmem>>, vector<16xf32>,
    %get3A_765 = vector.shape_cast %get3A_764 : vector<16xf32> to vector<16xf32>
    %eq3A_766 = arith.constant 4 : i32
    %eq3A_767 = vector.broadcast %eq3A_766 : i32 to vector<16xi32>
    %eq3A_768 = arith.cmpi eq, %convert_element_type3A_732, %eq3A_767 : vector<16xi32>
    %select_n3A_769 = arith.select %eq3A_768, %get3A_765, %select_n3A_762 : vector<16xi1>, vector<16xf32>
    %get3A_770 = arith.constant 1376 : index
    %get3A_771 = tpu.vector_load %arg4[%get3A_770] {strides = array<i32>} : memref<4352xf32, #tpu.memory_space<vmem>>, vector<16xf32>,
    %get3A_772 = vector.shape_cast %get3A_771 : vector<16xf32> to vector<16xf32>
    %eq3A_773 = arith.constant 5 : i32
    %eq3A_774 = vector.broadcast %eq3A_773 : i32 to vector<16xi32>
    %eq3A_775 = arith.cmpi eq, %convert_element_type3A_732, %eq3A_774 : vector<16xi32>
    %select_n3A_776 = arith.select %eq3A_775, %get3A_772, %select_n3A_769 : vector<16xi1>, vector<16xf32>
    %get3A_777 = arith.constant 1632 : index
    %get3A_778 = tpu.vector_load %arg4[%get3A_777] {strides = array<i32>} : memref<4352xf32, #tpu.memory_space<vmem>>, vector<16xf32>,
    %get3A_779 = vector.shape_cast %get3A_778 : vector<16xf32> to vector<16xf32>
    %eq3A_780 = arith.constant 6 : i32
    %eq3A_781 = vector.broadcast %eq3A_780 : i32 to vector<16xi32>
    %eq3A_782 = arith.cmpi eq, %convert_element_type3A_732, %eq3A_781 : vector<16xi32>
    %select_n3A_783 = arith.select %eq3A_782, %get3A_779, %select_n3A_776 : vector<16xi1>, vector<16xf32>
    %get3A_784 = arith.constant 1888 : index
    %get3A_785 = tpu.vector_load %arg4[%get3A_784] {strides = array<i32>} : memref<4352xf32, #tpu.memory_space<vmem>>, vector<16xf32>,
    %get3A_786 = vector.shape_cast %get3A_785 : vector<16xf32> to vector<16xf32>
    %eq3A_787 = arith.constant 7 : i32
    %eq3A_788 = vector.broadcast %eq3A_787 : i32 to vector<16xi32>
    %eq3A_789 = arith.cmpi eq, %convert_element_type3A_732, %eq3A_788 : vector<16xi32>
    %select_n3A_790 = arith.select %eq3A_789, %get3A_786, %select_n3A_783 : vector<16xi1>, vector<16xf32>
    %get3A_791 = arith.constant 2144 : index
    %get3A_792 = tpu.vector_load %arg4[%get3A_791] {strides = array<i32>} : memref<4352xf32, #tpu.memory_space<vmem>>, vector<16xf32>,
    %get3A_793 = vector.shape_cast %get3A_792 : vector<16xf32> to vector<16xf32>
    %eq3A_794 = arith.constant 8 : i32
    %eq3A_795 = vector.broadcast %eq3A_794 : i32 to vector<16xi32>
    %eq3A_796 = arith.cmpi eq, %convert_element_type3A_732, %eq3A_795 : vector<16xi32>
    %select_n3A_797 = arith.select %eq3A_796, %get3A_793, %select_n3A_790 : vector<16xi1>, vector<16xf32>
    %get3A_798 = arith.constant 2400 : index
    %get3A_799 = tpu.vector_load %arg4[%get3A_798] {strides = array<i32>} : memref<4352xf32, #tpu.memory_space<vmem>>, vector<16xf32>,
    %get3A_800 = vector.shape_cast %get3A_799 : vector<16xf32> to vector<16xf32>
    %eq3A_801 = arith.constant 9 : i32
    %eq3A_802 = vector.broadcast %eq3A_801 : i32 to vector<16xi32>
    %eq3A_803 = arith.cmpi eq, %convert_element_type3A_732, %eq3A_802 : vector<16xi32>
    %select_n3A_804 = arith.select %eq3A_803, %get3A_800, %select_n3A_797 : vector<16xi1>, vector<16xf32>
    %get3A_805 = arith.constant 2656 : index
    %get3A_806 = tpu.vector_load %arg4[%get3A_805] {strides = array<i32>} : memref<4352xf32, #tpu.memory_space<vmem>>, vector<16xf32>,
    %get3A_807 = vector.shape_cast %get3A_806 : vector<16xf32> to vector<16xf32>
    %eq3A_808 = arith.constant 10 : i32
    %eq3A_809 = vector.broadcast %eq3A_808 : i32 to vector<16xi32>
    %eq3A_810 = arith.cmpi eq, %convert_element_type3A_732, %eq3A_809 : vector<16xi32>
    %select_n3A_811 = arith.select %eq3A_810, %get3A_807, %select_n3A_804 : vector<16xi1>, vector<16xf32>
    %get3A_812 = arith.constant 2912 : index
    %get3A_813 = tpu.vector_load %arg4[%get3A_812] {strides = array<i32>} : memref<4352xf32, #tpu.memory_space<vmem>>, vector<16xf32>,
    %get3A_814 = vector.shape_cast %get3A_813 : vector<16xf32> to vector<16xf32>
    %eq3A_815 = arith.constant 11 : i32
    %eq3A_816 = vector.broadcast %eq3A_815 : i32 to vector<16xi32>
    %eq3A_817 = arith.cmpi eq, %convert_element_type3A_732, %eq3A_816 : vector<16xi32>
    %select_n3A_818 = arith.select %eq3A_817, %get3A_814, %select_n3A_811 : vector<16xi1>, vector<16xf32>
    %get3A_819 = arith.constant 3168 : index
    %get3A_820 = tpu.vector_load %arg4[%get3A_819] {strides = array<i32>} : memref<4352xf32, #tpu.memory_space<vmem>>, vector<16xf32>,
    %get3A_821 = vector.shape_cast %get3A_820 : vector<16xf32> to vector<16xf32>
    %eq3A_822 = arith.constant 12 : i32
    %eq3A_823 = vector.broadcast %eq3A_822 : i32 to vector<16xi32>
    %eq3A_824 = arith.cmpi eq, %convert_element_type3A_732, %eq3A_823 : vector<16xi32>
    %select_n3A_825 = arith.select %eq3A_824, %get3A_821, %select_n3A_818 : vector<16xi1>, vector<16xf32>
    %get3A_826 = arith.constant 3424 : index
    %get3A_827 = tpu.vector_load %arg4[%get3A_826] {strides = array<i32>} : memref<4352xf32, #tpu.memory_space<vmem>>, vector<16xf32>,
    %get3A_828 = vector.shape_cast %get3A_827 : vector<16xf32> to vector<16xf32>
    %eq3A_829 = arith.constant 13 : i32
    %eq3A_830 = vector.broadcast %eq3A_829 : i32 to vector<16xi32>
    %eq3A_831 = arith.cmpi eq, %convert_element_type3A_732, %eq3A_830 : vector<16xi32>
    %select_n3A_832 = arith.select %eq3A_831, %get3A_828, %select_n3A_825 : vector<16xi1>, vector<16xf32>
    %get3A_833 = arith.constant 3680 : index
    %get3A_834 = tpu.vector_load %arg4[%get3A_833] {strides = array<i32>} : memref<4352xf32, #tpu.memory_space<vmem>>, vector<16xf32>,
    %get3A_835 = vector.shape_cast %get3A_834 : vector<16xf32> to vector<16xf32>
    %eq3A_836 = arith.constant 14 : i32
    %eq3A_837 = vector.broadcast %eq3A_836 : i32 to vector<16xi32>
    %eq3A_838 = arith.cmpi eq, %convert_element_type3A_732, %eq3A_837 : vector<16xi32>
    %select_n3A_839 = arith.select %eq3A_838, %get3A_835, %select_n3A_832 : vector<16xi1>, vector<16xf32>
    %get3A_840 = arith.constant 3936 : index
    %get3A_841 = tpu.vector_load %arg4[%get3A_840] {strides = array<i32>} : memref<4352xf32, #tpu.memory_space<vmem>>, vector<16xf32>,
    %get3A_842 = vector.shape_cast %get3A_841 : vector<16xf32> to vector<16xf32>
    %eq3A_843 = arith.constant 15 : i32
    %eq3A_844 = vector.broadcast %eq3A_843 : i32 to vector<16xi32>
    %eq3A_845 = arith.cmpi eq, %convert_element_type3A_732, %eq3A_844 : vector<16xi32>
    %select_n3A_846 = arith.select %eq3A_845, %get3A_842, %select_n3A_839 : vector<16xi1>, vector<16xf32>
    %swap3A_847 = arith.constant 96 : index
    %swap3A_848 = tpu.vector_load %arg5[%swap3A_847] {strides = array<i32>} : memref<256xf32, #tpu.memory_space<vmem>>, vector<16xf32>,
    %swap3A_849 = vector.shape_cast %swap3A_848 : vector<16xf32> to vector<16xf32>
    %swap3A_850 = vector.shape_cast %select_n3A_846 : vector<16xf32> to vector<16xf32>
    tpu.vector_store %arg5[%swap3A_847], %swap3A_850 {strides = array<i32>} : memref<256xf32, #tpu.memory_space<vmem>>, vector<16xf32>,
    %get3A_851 = arith.constant 4208 : index
    %get3A_852 = tpu.vector_load %arg4[%get3A_851] {strides = array<i32>} : memref<4352xf32, #tpu.memory_space<vmem>>, vector<16xf32>,
    %get3A_853 = vector.shape_cast %get3A_852 : vector<16xf32> to vector<16xf32>
    %convert_element_type3A_854 = arith.fptosi %get3A_853 : vector<16xf32> to vector<16xi32>
    %broadcast_in_dim3A_855 = arith.constant 0.000000e+00 : f32
    %broadcast_in_dim3A_856 = vector.broadcast %broadcast_in_dim3A_855 : f32 to vector<16xf32>
    %get3A_857 = arith.constant 112 : index
    %get3A_858 = tpu.vector_load %arg4[%get3A_857] {strides = array<i32>} : memref<4352xf32, #tpu.memory_space<vmem>>, vector<16xf32>,
    %get3A_859 = vector.shape_cast %get3A_858 : vector<16xf32> to vector<16xf32>
    %eq3A_860 = arith.constant 0 : i32
    %eq3A_861 = vector.broadcast %eq3A_860 : i32 to vector<16xi32>
    %eq3A_862 = arith.cmpi eq, %convert_element_type3A_854, %eq3A_861 : vector<16xi32>
    %select_n3A_863 = arith.select %eq3A_862, %get3A_859, %broadcast_in_dim3A_856 : vector<16xi1>, vector<16xf32>
    %get3A_864 = arith.constant 368 : index
    %get3A_865 = tpu.vector_load %arg4[%get3A_864] {strides = array<i32>} : memref<4352xf32, #tpu.memory_space<vmem>>, vector<16xf32>,
    %get3A_866 = vector.shape_cast %get3A_865 : vector<16xf32> to vector<16xf32>
    %eq3A_867 = arith.constant 1 : i32
    %eq3A_868 = vector.broadcast %eq3A_867 : i32 to vector<16xi32>
    %eq3A_869 = arith.cmpi eq, %convert_element_type3A_854, %eq3A_868 : vector<16xi32>
    %select_n3A_870 = arith.select %eq3A_869, %get3A_866, %select_n3A_863 : vector<16xi1>, vector<16xf32>
    %get3A_871 = arith.constant 624 : index
    %get3A_872 = tpu.vector_load %arg4[%get3A_871] {strides = array<i32>} : memref<4352xf32, #tpu.memory_space<vmem>>, vector<16xf32>,
    %get3A_873 = vector.shape_cast %get3A_872 : vector<16xf32> to vector<16xf32>
    %eq3A_874 = arith.constant 2 : i32
    %eq3A_875 = vector.broadcast %eq3A_874 : i32 to vector<16xi32>
    %eq3A_876 = arith.cmpi eq, %convert_element_type3A_854, %eq3A_875 : vector<16xi32>
    %select_n3A_877 = arith.select %eq3A_876, %get3A_873, %select_n3A_870 : vector<16xi1>, vector<16xf32>
    %get3A_878 = arith.constant 880 : index
    %get3A_879 = tpu.vector_load %arg4[%get3A_878] {strides = array<i32>} : memref<4352xf32, #tpu.memory_space<vmem>>, vector<16xf32>,
    %get3A_880 = vector.shape_cast %get3A_879 : vector<16xf32> to vector<16xf32>
    %eq3A_881 = arith.constant 3 : i32
    %eq3A_882 = vector.broadcast %eq3A_881 : i32 to vector<16xi32>
    %eq3A_883 = arith.cmpi eq, %convert_element_type3A_854, %eq3A_882 : vector<16xi32>
    %select_n3A_884 = arith.select %eq3A_883, %get3A_880, %select_n3A_877 : vector<16xi1>, vector<16xf32>
    %get3A_885 = arith.constant 1136 : index
    %get3A_886 = tpu.vector_load %arg4[%get3A_885] {strides = array<i32>} : memref<4352xf32, #tpu.memory_space<vmem>>, vector<16xf32>,
    %get3A_887 = vector.shape_cast %get3A_886 : vector<16xf32> to vector<16xf32>
    %eq3A_888 = arith.constant 4 : i32
    %eq3A_889 = vector.broadcast %eq3A_888 : i32 to vector<16xi32>
    %eq3A_890 = arith.cmpi eq, %convert_element_type3A_854, %eq3A_889 : vector<16xi32>
    %select_n3A_891 = arith.select %eq3A_890, %get3A_887, %select_n3A_884 : vector<16xi1>, vector<16xf32>
    %get3A_892 = arith.constant 1392 : index
    %get3A_893 = tpu.vector_load %arg4[%get3A_892] {strides = array<i32>} : memref<4352xf32, #tpu.memory_space<vmem>>, vector<16xf32>,
    %get3A_894 = vector.shape_cast %get3A_893 : vector<16xf32> to vector<16xf32>
    %eq3A_895 = arith.constant 5 : i32
    %eq3A_896 = vector.broadcast %eq3A_895 : i32 to vector<16xi32>
    %eq3A_897 = arith.cmpi eq, %convert_element_type3A_854, %eq3A_896 : vector<16xi32>
    %select_n3A_898 = arith.select %eq3A_897, %get3A_894, %select_n3A_891 : vector<16xi1>, vector<16xf32>
    %get3A_899 = arith.constant 1648 : index
    %get3A_900 = tpu.vector_load %arg4[%get3A_899] {strides = array<i32>} : memref<4352xf32, #tpu.memory_space<vmem>>, vector<16xf32>,
    %get3A_901 = vector.shape_cast %get3A_900 : vector<16xf32> to vector<16xf32>
    %eq3A_902 = arith.constant 6 : i32
    %eq3A_903 = vector.broadcast %eq3A_902 : i32 to vector<16xi32>
    %eq3A_904 = arith.cmpi eq, %convert_element_type3A_854, %eq3A_903 : vector<16xi32>
    %select_n3A_905 = arith.select %eq3A_904, %get3A_901, %select_n3A_898 : vector<16xi1>, vector<16xf32>
    %get3A_906 = arith.constant 1904 : index
    %get3A_907 = tpu.vector_load %arg4[%get3A_906] {strides = array<i32>} : memref<4352xf32, #tpu.memory_space<vmem>>, vector<16xf32>,
    %get3A_908 = vector.shape_cast %get3A_907 : vector<16xf32> to vector<16xf32>
    %eq3A_909 = arith.constant 7 : i32
    %eq3A_910 = vector.broadcast %eq3A_909 : i32 to vector<16xi32>
    %eq3A_911 = arith.cmpi eq, %convert_element_type3A_854, %eq3A_910 : vector<16xi32>
    %select_n3A_912 = arith.select %eq3A_911, %get3A_908, %select_n3A_905 : vector<16xi1>, vector<16xf32>
    %get3A_913 = arith.constant 2160 : index
    %get3A_914 = tpu.vector_load %arg4[%get3A_913] {strides = array<i32>} : memref<4352xf32, #tpu.memory_space<vmem>>, vector<16xf32>,
    %get3A_915 = vector.shape_cast %get3A_914 : vector<16xf32> to vector<16xf32>
    %eq3A_916 = arith.constant 8 : i32
    %eq3A_917 = vector.broadcast %eq3A_916 : i32 to vector<16xi32>
    %eq3A_918 = arith.cmpi eq, %convert_element_type3A_854, %eq3A_917 : vector<16xi32>
    %select_n3A_919 = arith.select %eq3A_918, %get3A_915, %select_n3A_912 : vector<16xi1>, vector<16xf32>
    %get3A_920 = arith.constant 2416 : index
    %get3A_921 = tpu.vector_load %arg4[%get3A_920] {strides = array<i32>} : memref<4352xf32, #tpu.memory_space<vmem>>, vector<16xf32>,
    %get3A_922 = vector.shape_cast %get3A_921 : vector<16xf32> to vector<16xf32>
    %eq3A_923 = arith.constant 9 : i32
    %eq3A_924 = vector.broadcast %eq3A_923 : i32 to vector<16xi32>
    %eq3A_925 = arith.cmpi eq, %convert_element_type3A_854, %eq3A_924 : vector<16xi32>
    %select_n3A_926 = arith.select %eq3A_925, %get3A_922, %select_n3A_919 : vector<16xi1>, vector<16xf32>
    %get3A_927 = arith.constant 2672 : index
    %get3A_928 = tpu.vector_load %arg4[%get3A_927] {strides = array<i32>} : memref<4352xf32, #tpu.memory_space<vmem>>, vector<16xf32>,
    %get3A_929 = vector.shape_cast %get3A_928 : vector<16xf32> to vector<16xf32>
    %eq3A_930 = arith.constant 10 : i32
    %eq3A_931 = vector.broadcast %eq3A_930 : i32 to vector<16xi32>
    %eq3A_932 = arith.cmpi eq, %convert_element_type3A_854, %eq3A_931 : vector<16xi32>
    %select_n3A_933 = arith.select %eq3A_932, %get3A_929, %select_n3A_926 : vector<16xi1>, vector<16xf32>
    %get3A_934 = arith.constant 2928 : index
    %get3A_935 = tpu.vector_load %arg4[%get3A_934] {strides = array<i32>} : memref<4352xf32, #tpu.memory_space<vmem>>, vector<16xf32>,
    %get3A_936 = vector.shape_cast %get3A_935 : vector<16xf32> to vector<16xf32>
    %eq3A_937 = arith.constant 11 : i32
    %eq3A_938 = vector.broadcast %eq3A_937 : i32 to vector<16xi32>
    %eq3A_939 = arith.cmpi eq, %convert_element_type3A_854, %eq3A_938 : vector<16xi32>
    %select_n3A_940 = arith.select %eq3A_939, %get3A_936, %select_n3A_933 : vector<16xi1>, vector<16xf32>
    %get3A_941 = arith.constant 3184 : index
    %get3A_942 = tpu.vector_load %arg4[%get3A_941] {strides = array<i32>} : memref<4352xf32, #tpu.memory_space<vmem>>, vector<16xf32>,
    %get3A_943 = vector.shape_cast %get3A_942 : vector<16xf32> to vector<16xf32>
    %eq3A_944 = arith.constant 12 : i32
    %eq3A_945 = vector.broadcast %eq3A_944 : i32 to vector<16xi32>
    %eq3A_946 = arith.cmpi eq, %convert_element_type3A_854, %eq3A_945 : vector<16xi32>
    %select_n3A_947 = arith.select %eq3A_946, %get3A_943, %select_n3A_940 : vector<16xi1>, vector<16xf32>
    %get3A_948 = arith.constant 3440 : index
    %get3A_949 = tpu.vector_load %arg4[%get3A_948] {strides = array<i32>} : memref<4352xf32, #tpu.memory_space<vmem>>, vector<16xf32>,
    %get3A_950 = vector.shape_cast %get3A_949 : vector<16xf32> to vector<16xf32>
    %eq3A_951 = arith.constant 13 : i32
    %eq3A_952 = vector.broadcast %eq3A_951 : i32 to vector<16xi32>
    %eq3A_953 = arith.cmpi eq, %convert_element_type3A_854, %eq3A_952 : vector<16xi32>
    %select_n3A_954 = arith.select %eq3A_953, %get3A_950, %select_n3A_947 : vector<16xi1>, vector<16xf32>
    %get3A_955 = arith.constant 3696 : index
    %get3A_956 = tpu.vector_load %arg4[%get3A_955] {strides = array<i32>} : memref<4352xf32, #tpu.memory_space<vmem>>, vector<16xf32>,
    %get3A_957 = vector.shape_cast %get3A_956 : vector<16xf32> to vector<16xf32>
    %eq3A_958 = arith.constant 14 : i32
    %eq3A_959 = vector.broadcast %eq3A_958 : i32 to vector<16xi32>
    %eq3A_960 = arith.cmpi eq, %convert_element_type3A_854, %eq3A_959 : vector<16xi32>
    %select_n3A_961 = arith.select %eq3A_960, %get3A_957, %select_n3A_954 : vector<16xi1>, vector<16xf32>
    %get3A_962 = arith.constant 3952 : index
    %get3A_963 = tpu.vector_load %arg4[%get3A_962] {strides = array<i32>} : memref<4352xf32, #tpu.memory_space<vmem>>, vector<16xf32>,
    %get3A_964 = vector.shape_cast %get3A_963 : vector<16xf32> to vector<16xf32>
    %eq3A_965 = arith.constant 15 : i32
    %eq3A_966 = vector.broadcast %eq3A_965 : i32 to vector<16xi32>
    %eq3A_967 = arith.cmpi eq, %convert_element_type3A_854, %eq3A_966 : vector<16xi32>
    %select_n3A_968 = arith.select %eq3A_967, %get3A_964, %select_n3A_961 : vector<16xi1>, vector<16xf32>
    %swap3A_969 = arith.constant 112 : index
    %swap3A_970 = tpu.vector_load %arg5[%swap3A_969] {strides = array<i32>} : memref<256xf32, #tpu.memory_space<vmem>>, vector<16xf32>,
    %swap3A_971 = vector.shape_cast %swap3A_970 : vector<16xf32> to vector<16xf32>
    %swap3A_972 = vector.shape_cast %select_n3A_968 : vector<16xf32> to vector<16xf32>
    tpu.vector_store %arg5[%swap3A_969], %swap3A_972 {strides = array<i32>} : memref<256xf32, #tpu.memory_space<vmem>>, vector<16xf32>,
    %get3A_973 = arith.constant 4224 : index
    %get3A_974 = tpu.vector_load %arg4[%get3A_973] {strides = array<i32>} : memref<4352xf32, #tpu.memory_space<vmem>>, vector<16xf32>,
    %get3A_975 = vector.shape_cast %get3A_974 : vector<16xf32> to vector<16xf32>
    %convert_element_type3A_976 = arith.fptosi %get3A_975 : vector<16xf32> to vector<16xi32>
    %broadcast_in_dim3A_977 = arith.constant 0.000000e+00 : f32
    %broadcast_in_dim3A_978 = vector.broadcast %broadcast_in_dim3A_977 : f32 to vector<16xf32>
    %get3A_979 = arith.constant 128 : index
    %get3A_980 = tpu.vector_load %arg4[%get3A_979] {strides = array<i32>} : memref<4352xf32, #tpu.memory_space<vmem>>, vector<16xf32>,
    %get3A_981 = vector.shape_cast %get3A_980 : vector<16xf32> to vector<16xf32>
    %eq3A_982 = arith.constant 0 : i32
    %eq3A_983 = vector.broadcast %eq3A_982 : i32 to vector<16xi32>
    %eq3A_984 = arith.cmpi eq, %convert_element_type3A_976, %eq3A_983 : vector<16xi32>
    %select_n3A_985 = arith.select %eq3A_984, %get3A_981, %broadcast_in_dim3A_978 : vector<16xi1>, vector<16xf32>
    %get3A_986 = arith.constant 384 : index
    %get3A_987 = tpu.vector_load %arg4[%get3A_986] {strides = array<i32>} : memref<4352xf32, #tpu.memory_space<vmem>>, vector<16xf32>,
    %get3A_988 = vector.shape_cast %get3A_987 : vector<16xf32> to vector<16xf32>
    %eq3A_989 = arith.constant 1 : i32
    %eq3A_990 = vector.broadcast %eq3A_989 : i32 to vector<16xi32>
    %eq3A_991 = arith.cmpi eq, %convert_element_type3A_976, %eq3A_990 : vector<16xi32>
    %select_n3A_992 = arith.select %eq3A_991, %get3A_988, %select_n3A_985 : vector<16xi1>, vector<16xf32>
    %get3A_993 = arith.constant 640 : index
    %get3A_994 = tpu.vector_load %arg4[%get3A_993] {strides = array<i32>} : memref<4352xf32, #tpu.memory_space<vmem>>, vector<16xf32>,
    %get3A_995 = vector.shape_cast %get3A_994 : vector<16xf32> to vector<16xf32>
    %eq3A_996 = arith.constant 2 : i32
    %eq3A_997 = vector.broadcast %eq3A_996 : i32 to vector<16xi32>
    %eq3A_998 = arith.cmpi eq, %convert_element_type3A_976, %eq3A_997 : vector<16xi32>
    %select_n3A_999 = arith.select %eq3A_998, %get3A_995, %select_n3A_992 : vector<16xi1>, vector<16xf32>
    %get3A_1000 = arith.constant 896 : index
    %get3A_1001 = tpu.vector_load %arg4[%get3A_1000] {strides = array<i32>} : memref<4352xf32, #tpu.memory_space<vmem>>, vector<16xf32>,
    %get3A_1002 = vector.shape_cast %get3A_1001 : vector<16xf32> to vector<16xf32>
    %eq3A_1003 = arith.constant 3 : i32
    %eq3A_1004 = vector.broadcast %eq3A_1003 : i32 to vector<16xi32>
    %eq3A_1005 = arith.cmpi eq, %convert_element_type3A_976, %eq3A_1004 : vector<16xi32>
    %select_n3A_1006 = arith.select %eq3A_1005, %get3A_1002, %select_n3A_999 : vector<16xi1>, vector<16xf32>
    %get3A_1007 = arith.constant 1152 : index
    %get3A_1008 = tpu.vector_load %arg4[%get3A_1007] {strides = array<i32>} : memref<4352xf32, #tpu.memory_space<vmem>>, vector<16xf32>,
    %get3A_1009 = vector.shape_cast %get3A_1008 : vector<16xf32> to vector<16xf32>
    %eq3A_1010 = arith.constant 4 : i32
    %eq3A_1011 = vector.broadcast %eq3A_1010 : i32 to vector<16xi32>
    %eq3A_1012 = arith.cmpi eq, %convert_element_type3A_976, %eq3A_1011 : vector<16xi32>
    %select_n3A_1013 = arith.select %eq3A_1012, %get3A_1009, %select_n3A_1006 : vector<16xi1>, vector<16xf32>
    %get3A_1014 = arith.constant 1408 : index
    %get3A_1015 = tpu.vector_load %arg4[%get3A_1014] {strides = array<i32>} : memref<4352xf32, #tpu.memory_space<vmem>>, vector<16xf32>,
    %get3A_1016 = vector.shape_cast %get3A_1015 : vector<16xf32> to vector<16xf32>
    %eq3A_1017 = arith.constant 5 : i32
    %eq3A_1018 = vector.broadcast %eq3A_1017 : i32 to vector<16xi32>
    %eq3A_1019 = arith.cmpi eq, %convert_element_type3A_976, %eq3A_1018 : vector<16xi32>
    %select_n3A_1020 = arith.select %eq3A_1019, %get3A_1016, %select_n3A_1013 : vector<16xi1>, vector<16xf32>
    %get3A_1021 = arith.constant 1664 : index
    %get3A_1022 = tpu.vector_load %arg4[%get3A_1021] {strides = array<i32>} : memref<4352xf32, #tpu.memory_space<vmem>>, vector<16xf32>,
    %get3A_1023 = vector.shape_cast %get3A_1022 : vector<16xf32> to vector<16xf32>
    %eq3A_1024 = arith.constant 6 : i32
    %eq3A_1025 = vector.broadcast %eq3A_1024 : i32 to vector<16xi32>
    %eq3A_1026 = arith.cmpi eq, %convert_element_type3A_976, %eq3A_1025 : vector<16xi32>
    %select_n3A_1027 = arith.select %eq3A_1026, %get3A_1023, %select_n3A_1020 : vector<16xi1>, vector<16xf32>
    %get3A_1028 = arith.constant 1920 : index
    %get3A_1029 = tpu.vector_load %arg4[%get3A_1028] {strides = array<i32>} : memref<4352xf32, #tpu.memory_space<vmem>>, vector<16xf32>,
    %get3A_1030 = vector.shape_cast %get3A_1029 : vector<16xf32> to vector<16xf32>
    %eq3A_1031 = arith.constant 7 : i32
    %eq3A_1032 = vector.broadcast %eq3A_1031 : i32 to vector<16xi32>
    %eq3A_1033 = arith.cmpi eq, %convert_element_type3A_976, %eq3A_1032 : vector<16xi32>
    %select_n3A_1034 = arith.select %eq3A_1033, %get3A_1030, %select_n3A_1027 : vector<16xi1>, vector<16xf32>
    %get3A_1035 = arith.constant 2176 : index
    %get3A_1036 = tpu.vector_load %arg4[%get3A_1035] {strides = array<i32>} : memref<4352xf32, #tpu.memory_space<vmem>>, vector<16xf32>,
    %get3A_1037 = vector.shape_cast %get3A_1036 : vector<16xf32> to vector<16xf32>
    %eq3A_1038 = arith.constant 8 : i32
    %eq3A_1039 = vector.broadcast %eq3A_1038 : i32 to vector<16xi32>
    %eq3A_1040 = arith.cmpi eq, %convert_element_type3A_976, %eq3A_1039 : vector<16xi32>
    %select_n3A_1041 = arith.select %eq3A_1040, %get3A_1037, %select_n3A_1034 : vector<16xi1>, vector<16xf32>
    %get3A_1042 = arith.constant 2432 : index
    %get3A_1043 = tpu.vector_load %arg4[%get3A_1042] {strides = array<i32>} : memref<4352xf32, #tpu.memory_space<vmem>>, vector<16xf32>,
    %get3A_1044 = vector.shape_cast %get3A_1043 : vector<16xf32> to vector<16xf32>
    %eq3A_1045 = arith.constant 9 : i32
    %eq3A_1046 = vector.broadcast %eq3A_1045 : i32 to vector<16xi32>
    %eq3A_1047 = arith.cmpi eq, %convert_element_type3A_976, %eq3A_1046 : vector<16xi32>
    %select_n3A_1048 = arith.select %eq3A_1047, %get3A_1044, %select_n3A_1041 : vector<16xi1>, vector<16xf32>
    %get3A_1049 = arith.constant 2688 : index
    %get3A_1050 = tpu.vector_load %arg4[%get3A_1049] {strides = array<i32>} : memref<4352xf32, #tpu.memory_space<vmem>>, vector<16xf32>,
    %get3A_1051 = vector.shape_cast %get3A_1050 : vector<16xf32> to vector<16xf32>
    %eq3A_1052 = arith.constant 10 : i32
    %eq3A_1053 = vector.broadcast %eq3A_1052 : i32 to vector<16xi32>
    %eq3A_1054 = arith.cmpi eq, %convert_element_type3A_976, %eq3A_1053 : vector<16xi32>
    %select_n3A_1055 = arith.select %eq3A_1054, %get3A_1051, %select_n3A_1048 : vector<16xi1>, vector<16xf32>
    %get3A_1056 = arith.constant 2944 : index
    %get3A_1057 = tpu.vector_load %arg4[%get3A_1056] {strides = array<i32>} : memref<4352xf32, #tpu.memory_space<vmem>>, vector<16xf32>,
    %get3A_1058 = vector.shape_cast %get3A_1057 : vector<16xf32> to vector<16xf32>
    %eq3A_1059 = arith.constant 11 : i32
    %eq3A_1060 = vector.broadcast %eq3A_1059 : i32 to vector<16xi32>
    %eq3A_1061 = arith.cmpi eq, %convert_element_type3A_976, %eq3A_1060 : vector<16xi32>
    %select_n3A_1062 = arith.select %eq3A_1061, %get3A_1058, %select_n3A_1055 : vector<16xi1>, vector<16xf32>
    %get3A_1063 = arith.constant 3200 : index
    %get3A_1064 = tpu.vector_load %arg4[%get3A_1063] {strides = array<i32>} : memref<4352xf32, #tpu.memory_space<vmem>>, vector<16xf32>,
    %get3A_1065 = vector.shape_cast %get3A_1064 : vector<16xf32> to vector<16xf32>
    %eq3A_1066 = arith.constant 12 : i32
    %eq3A_1067 = vector.broadcast %eq3A_1066 : i32 to vector<16xi32>
    %eq3A_1068 = arith.cmpi eq, %convert_element_type3A_976, %eq3A_1067 : vector<16xi32>
    %select_n3A_1069 = arith.select %eq3A_1068, %get3A_1065, %select_n3A_1062 : vector<16xi1>, vector<16xf32>
    %get3A_1070 = arith.constant 3456 : index
    %get3A_1071 = tpu.vector_load %arg4[%get3A_1070] {strides = array<i32>} : memref<4352xf32, #tpu.memory_space<vmem>>, vector<16xf32>,
    %get3A_1072 = vector.shape_cast %get3A_1071 : vector<16xf32> to vector<16xf32>
    %eq3A_1073 = arith.constant 13 : i32
    %eq3A_1074 = vector.broadcast %eq3A_1073 : i32 to vector<16xi32>
    %eq3A_1075 = arith.cmpi eq, %convert_element_type3A_976, %eq3A_1074 : vector<16xi32>
    %select_n3A_1076 = arith.select %eq3A_1075, %get3A_1072, %select_n3A_1069 : vector<16xi1>, vector<16xf32>
    %get3A_1077 = arith.constant 3712 : index
    %get3A_1078 = tpu.vector_load %arg4[%get3A_1077] {strides = array<i32>} : memref<4352xf32, #tpu.memory_space<vmem>>, vector<16xf32>,
    %get3A_1079 = vector.shape_cast %get3A_1078 : vector<16xf32> to vector<16xf32>
    %eq3A_1080 = arith.constant 14 : i32
    %eq3A_1081 = vector.broadcast %eq3A_1080 : i32 to vector<16xi32>
    %eq3A_1082 = arith.cmpi eq, %convert_element_type3A_976, %eq3A_1081 : vector<16xi32>
    %select_n3A_1083 = arith.select %eq3A_1082, %get3A_1079, %select_n3A_1076 : vector<16xi1>, vector<16xf32>
    %get3A_1084 = arith.constant 3968 : index
    %get3A_1085 = tpu.vector_load %arg4[%get3A_1084] {strides = array<i32>} : memref<4352xf32, #tpu.memory_space<vmem>>, vector<16xf32>,
    %get3A_1086 = vector.shape_cast %get3A_1085 : vector<16xf32> to vector<16xf32>
    %eq3A_1087 = arith.constant 15 : i32
    %eq3A_1088 = vector.broadcast %eq3A_1087 : i32 to vector<16xi32>
    %eq3A_1089 = arith.cmpi eq, %convert_element_type3A_976, %eq3A_1088 : vector<16xi32>
    %select_n3A_1090 = arith.select %eq3A_1089, %get3A_1086, %select_n3A_1083 : vector<16xi1>, vector<16xf32>
    %swap3A_1091 = arith.constant 128 : index
    %swap3A_1092 = tpu.vector_load %arg5[%swap3A_1091] {strides = array<i32>} : memref<256xf32, #tpu.memory_space<vmem>>, vector<16xf32>,
    %swap3A_1093 = vector.shape_cast %swap3A_1092 : vector<16xf32> to vector<16xf32>
    %swap3A_1094 = vector.shape_cast %select_n3A_1090 : vector<16xf32> to vector<16xf32>
    tpu.vector_store %arg5[%swap3A_1091], %swap3A_1094 {strides = array<i32>} : memref<256xf32, #tpu.memory_space<vmem>>, vector<16xf32>,
    %get3A_1095 = arith.constant 4240 : index
    %get3A_1096 = tpu.vector_load %arg4[%get3A_1095] {strides = array<i32>} : memref<4352xf32, #tpu.memory_space<vmem>>, vector<16xf32>,
    %get3A_1097 = vector.shape_cast %get3A_1096 : vector<16xf32> to vector<16xf32>
    %convert_element_type3A_1098 = arith.fptosi %get3A_1097 : vector<16xf32> to vector<16xi32>
    %broadcast_in_dim3A_1099 = arith.constant 0.000000e+00 : f32
    %broadcast_in_dim3A_1100 = vector.broadcast %broadcast_in_dim3A_1099 : f32 to vector<16xf32>
    %get3A_1101 = arith.constant 144 : index
    %get3A_1102 = tpu.vector_load %arg4[%get3A_1101] {strides = array<i32>} : memref<4352xf32, #tpu.memory_space<vmem>>, vector<16xf32>,
    %get3A_1103 = vector.shape_cast %get3A_1102 : vector<16xf32> to vector<16xf32>
    %eq3A_1104 = arith.constant 0 : i32
    %eq3A_1105 = vector.broadcast %eq3A_1104 : i32 to vector<16xi32>
    %eq3A_1106 = arith.cmpi eq, %convert_element_type3A_1098, %eq3A_1105 : vector<16xi32>
    %select_n3A_1107 = arith.select %eq3A_1106, %get3A_1103, %broadcast_in_dim3A_1100 : vector<16xi1>, vector<16xf32>
    %get3A_1108 = arith.constant 400 : index
    %get3A_1109 = tpu.vector_load %arg4[%get3A_1108] {strides = array<i32>} : memref<4352xf32, #tpu.memory_space<vmem>>, vector<16xf32>,
    %get3A_1110 = vector.shape_cast %get3A_1109 : vector<16xf32> to vector<16xf32>
    %eq3A_1111 = arith.constant 1 : i32
    %eq3A_1112 = vector.broadcast %eq3A_1111 : i32 to vector<16xi32>
    %eq3A_1113 = arith.cmpi eq, %convert_element_type3A_1098, %eq3A_1112 : vector<16xi32>
    %select_n3A_1114 = arith.select %eq3A_1113, %get3A_1110, %select_n3A_1107 : vector<16xi1>, vector<16xf32>
    %get3A_1115 = arith.constant 656 : index
    %get3A_1116 = tpu.vector_load %arg4[%get3A_1115] {strides = array<i32>} : memref<4352xf32, #tpu.memory_space<vmem>>, vector<16xf32>,
    %get3A_1117 = vector.shape_cast %get3A_1116 : vector<16xf32> to vector<16xf32>
    %eq3A_1118 = arith.constant 2 : i32
    %eq3A_1119 = vector.broadcast %eq3A_1118 : i32 to vector<16xi32>
    %eq3A_1120 = arith.cmpi eq, %convert_element_type3A_1098, %eq3A_1119 : vector<16xi32>
    %select_n3A_1121 = arith.select %eq3A_1120, %get3A_1117, %select_n3A_1114 : vector<16xi1>, vector<16xf32>
    %get3A_1122 = arith.constant 912 : index
    %get3A_1123 = tpu.vector_load %arg4[%get3A_1122] {strides = array<i32>} : memref<4352xf32, #tpu.memory_space<vmem>>, vector<16xf32>,
    %get3A_1124 = vector.shape_cast %get3A_1123 : vector<16xf32> to vector<16xf32>
    %eq3A_1125 = arith.constant 3 : i32
    %eq3A_1126 = vector.broadcast %eq3A_1125 : i32 to vector<16xi32>
    %eq3A_1127 = arith.cmpi eq, %convert_element_type3A_1098, %eq3A_1126 : vector<16xi32>
    %select_n3A_1128 = arith.select %eq3A_1127, %get3A_1124, %select_n3A_1121 : vector<16xi1>, vector<16xf32>
    %get3A_1129 = arith.constant 1168 : index
    %get3A_1130 = tpu.vector_load %arg4[%get3A_1129] {strides = array<i32>} : memref<4352xf32, #tpu.memory_space<vmem>>, vector<16xf32>,
    %get3A_1131 = vector.shape_cast %get3A_1130 : vector<16xf32> to vector<16xf32>
    %eq3A_1132 = arith.constant 4 : i32
    %eq3A_1133 = vector.broadcast %eq3A_1132 : i32 to vector<16xi32>
    %eq3A_1134 = arith.cmpi eq, %convert_element_type3A_1098, %eq3A_1133 : vector<16xi32>
    %select_n3A_1135 = arith.select %eq3A_1134, %get3A_1131, %select_n3A_1128 : vector<16xi1>, vector<16xf32>
    %get3A_1136 = arith.constant 1424 : index
    %get3A_1137 = tpu.vector_load %arg4[%get3A_1136] {strides = array<i32>} : memref<4352xf32, #tpu.memory_space<vmem>>, vector<16xf32>,
    %get3A_1138 = vector.shape_cast %get3A_1137 : vector<16xf32> to vector<16xf32>
    %eq3A_1139 = arith.constant 5 : i32
    %eq3A_1140 = vector.broadcast %eq3A_1139 : i32 to vector<16xi32>
    %eq3A_1141 = arith.cmpi eq, %convert_element_type3A_1098, %eq3A_1140 : vector<16xi32>
    %select_n3A_1142 = arith.select %eq3A_1141, %get3A_1138, %select_n3A_1135 : vector<16xi1>, vector<16xf32>
    %get3A_1143 = arith.constant 1680 : index
    %get3A_1144 = tpu.vector_load %arg4[%get3A_1143] {strides = array<i32>} : memref<4352xf32, #tpu.memory_space<vmem>>, vector<16xf32>,
    %get3A_1145 = vector.shape_cast %get3A_1144 : vector<16xf32> to vector<16xf32>
    %eq3A_1146 = arith.constant 6 : i32
    %eq3A_1147 = vector.broadcast %eq3A_1146 : i32 to vector<16xi32>
    %eq3A_1148 = arith.cmpi eq, %convert_element_type3A_1098, %eq3A_1147 : vector<16xi32>
    %select_n3A_1149 = arith.select %eq3A_1148, %get3A_1145, %select_n3A_1142 : vector<16xi1>, vector<16xf32>
    %get3A_1150 = arith.constant 1936 : index
    %get3A_1151 = tpu.vector_load %arg4[%get3A_1150] {strides = array<i32>} : memref<4352xf32, #tpu.memory_space<vmem>>, vector<16xf32>,
    %get3A_1152 = vector.shape_cast %get3A_1151 : vector<16xf32> to vector<16xf32>
    %eq3A_1153 = arith.constant 7 : i32
    %eq3A_1154 = vector.broadcast %eq3A_1153 : i32 to vector<16xi32>
    %eq3A_1155 = arith.cmpi eq, %convert_element_type3A_1098, %eq3A_1154 : vector<16xi32>
    %select_n3A_1156 = arith.select %eq3A_1155, %get3A_1152, %select_n3A_1149 : vector<16xi1>, vector<16xf32>
    %get3A_1157 = arith.constant 2192 : index
    %get3A_1158 = tpu.vector_load %arg4[%get3A_1157] {strides = array<i32>} : memref<4352xf32, #tpu.memory_space<vmem>>, vector<16xf32>,
    %get3A_1159 = vector.shape_cast %get3A_1158 : vector<16xf32> to vector<16xf32>
    %eq3A_1160 = arith.constant 8 : i32
    %eq3A_1161 = vector.broadcast %eq3A_1160 : i32 to vector<16xi32>
    %eq3A_1162 = arith.cmpi eq, %convert_element_type3A_1098, %eq3A_1161 : vector<16xi32>
    %select_n3A_1163 = arith.select %eq3A_1162, %get3A_1159, %select_n3A_1156 : vector<16xi1>, vector<16xf32>
    %get3A_1164 = arith.constant 2448 : index
    %get3A_1165 = tpu.vector_load %arg4[%get3A_1164] {strides = array<i32>} : memref<4352xf32, #tpu.memory_space<vmem>>, vector<16xf32>,
    %get3A_1166 = vector.shape_cast %get3A_1165 : vector<16xf32> to vector<16xf32>
    %eq3A_1167 = arith.constant 9 : i32
    %eq3A_1168 = vector.broadcast %eq3A_1167 : i32 to vector<16xi32>
    %eq3A_1169 = arith.cmpi eq, %convert_element_type3A_1098, %eq3A_1168 : vector<16xi32>
    %select_n3A_1170 = arith.select %eq3A_1169, %get3A_1166, %select_n3A_1163 : vector<16xi1>, vector<16xf32>
    %get3A_1171 = arith.constant 2704 : index
    %get3A_1172 = tpu.vector_load %arg4[%get3A_1171] {strides = array<i32>} : memref<4352xf32, #tpu.memory_space<vmem>>, vector<16xf32>,
    %get3A_1173 = vector.shape_cast %get3A_1172 : vector<16xf32> to vector<16xf32>
    %eq3A_1174 = arith.constant 10 : i32
    %eq3A_1175 = vector.broadcast %eq3A_1174 : i32 to vector<16xi32>
    %eq3A_1176 = arith.cmpi eq, %convert_element_type3A_1098, %eq3A_1175 : vector<16xi32>
    %select_n3A_1177 = arith.select %eq3A_1176, %get3A_1173, %select_n3A_1170 : vector<16xi1>, vector<16xf32>
    %get3A_1178 = arith.constant 2960 : index
    %get3A_1179 = tpu.vector_load %arg4[%get3A_1178] {strides = array<i32>} : memref<4352xf32, #tpu.memory_space<vmem>>, vector<16xf32>,
    %get3A_1180 = vector.shape_cast %get3A_1179 : vector<16xf32> to vector<16xf32>
    %eq3A_1181 = arith.constant 11 : i32
    %eq3A_1182 = vector.broadcast %eq3A_1181 : i32 to vector<16xi32>
    %eq3A_1183 = arith.cmpi eq, %convert_element_type3A_1098, %eq3A_1182 : vector<16xi32>
    %select_n3A_1184 = arith.select %eq3A_1183, %get3A_1180, %select_n3A_1177 : vector<16xi1>, vector<16xf32>
    %get3A_1185 = arith.constant 3216 : index
    %get3A_1186 = tpu.vector_load %arg4[%get3A_1185] {strides = array<i32>} : memref<4352xf32, #tpu.memory_space<vmem>>, vector<16xf32>,
    %get3A_1187 = vector.shape_cast %get3A_1186 : vector<16xf32> to vector<16xf32>
    %eq3A_1188 = arith.constant 12 : i32
    %eq3A_1189 = vector.broadcast %eq3A_1188 : i32 to vector<16xi32>
    %eq3A_1190 = arith.cmpi eq, %convert_element_type3A_1098, %eq3A_1189 : vector<16xi32>
    %select_n3A_1191 = arith.select %eq3A_1190, %get3A_1187, %select_n3A_1184 : vector<16xi1>, vector<16xf32>
    %get3A_1192 = arith.constant 3472 : index
    %get3A_1193 = tpu.vector_load %arg4[%get3A_1192] {strides = array<i32>} : memref<4352xf32, #tpu.memory_space<vmem>>, vector<16xf32>,
    %get3A_1194 = vector.shape_cast %get3A_1193 : vector<16xf32> to vector<16xf32>
    %eq3A_1195 = arith.constant 13 : i32
    %eq3A_1196 = vector.broadcast %eq3A_1195 : i32 to vector<16xi32>
    %eq3A_1197 = arith.cmpi eq, %convert_element_type3A_1098, %eq3A_1196 : vector<16xi32>
    %select_n3A_1198 = arith.select %eq3A_1197, %get3A_1194, %select_n3A_1191 : vector<16xi1>, vector<16xf32>
    %get3A_1199 = arith.constant 3728 : index
    %get3A_1200 = tpu.vector_load %arg4[%get3A_1199] {strides = array<i32>} : memref<4352xf32, #tpu.memory_space<vmem>>, vector<16xf32>,
    %get3A_1201 = vector.shape_cast %get3A_1200 : vector<16xf32> to vector<16xf32>
    %eq3A_1202 = arith.constant 14 : i32
    %eq3A_1203 = vector.broadcast %eq3A_1202 : i32 to vector<16xi32>
    %eq3A_1204 = arith.cmpi eq, %convert_element_type3A_1098, %eq3A_1203 : vector<16xi32>
    %select_n3A_1205 = arith.select %eq3A_1204, %get3A_1201, %select_n3A_1198 : vector<16xi1>, vector<16xf32>
    %get3A_1206 = arith.constant 3984 : index
    %get3A_1207 = tpu.vector_load %arg4[%get3A_1206] {strides = array<i32>} : memref<4352xf32, #tpu.memory_space<vmem>>, vector<16xf32>,
    %get3A_1208 = vector.shape_cast %get3A_1207 : vector<16xf32> to vector<16xf32>
    %eq3A_1209 = arith.constant 15 : i32
    %eq3A_1210 = vector.broadcast %eq3A_1209 : i32 to vector<16xi32>
    %eq3A_1211 = arith.cmpi eq, %convert_element_type3A_1098, %eq3A_1210 : vector<16xi32>
    %select_n3A_1212 = arith.select %eq3A_1211, %get3A_1208, %select_n3A_1205 : vector<16xi1>, vector<16xf32>
    %swap3A_1213 = arith.constant 144 : index
    %swap3A_1214 = tpu.vector_load %arg5[%swap3A_1213] {strides = array<i32>} : memref<256xf32, #tpu.memory_space<vmem>>, vector<16xf32>,
    %swap3A_1215 = vector.shape_cast %swap3A_1214 : vector<16xf32> to vector<16xf32>
    %swap3A_1216 = vector.shape_cast %select_n3A_1212 : vector<16xf32> to vector<16xf32>
    tpu.vector_store %arg5[%swap3A_1213], %swap3A_1216 {strides = array<i32>} : memref<256xf32, #tpu.memory_space<vmem>>, vector<16xf32>,
    %get3A_1217 = arith.constant 4256 : index
    %get3A_1218 = tpu.vector_load %arg4[%get3A_1217] {strides = array<i32>} : memref<4352xf32, #tpu.memory_space<vmem>>, vector<16xf32>,
    %get3A_1219 = vector.shape_cast %get3A_1218 : vector<16xf32> to vector<16xf32>
    %convert_element_type3A_1220 = arith.fptosi %get3A_1219 : vector<16xf32> to vector<16xi32>
    %broadcast_in_dim3A_1221 = arith.constant 0.000000e+00 : f32
    %broadcast_in_dim3A_1222 = vector.broadcast %broadcast_in_dim3A_1221 : f32 to vector<16xf32>
    %get3A_1223 = arith.constant 160 : index
    %get3A_1224 = tpu.vector_load %arg4[%get3A_1223] {strides = array<i32>} : memref<4352xf32, #tpu.memory_space<vmem>>, vector<16xf32>,
    %get3A_1225 = vector.shape_cast %get3A_1224 : vector<16xf32> to vector<16xf32>
    %eq3A_1226 = arith.constant 0 : i32
    %eq3A_1227 = vector.broadcast %eq3A_1226 : i32 to vector<16xi32>
    %eq3A_1228 = arith.cmpi eq, %convert_element_type3A_1220, %eq3A_1227 : vector<16xi32>
    %select_n3A_1229 = arith.select %eq3A_1228, %get3A_1225, %broadcast_in_dim3A_1222 : vector<16xi1>, vector<16xf32>
    %get3A_1230 = arith.constant 416 : index
    %get3A_1231 = tpu.vector_load %arg4[%get3A_1230] {strides = array<i32>} : memref<4352xf32, #tpu.memory_space<vmem>>, vector<16xf32>,
    %get3A_1232 = vector.shape_cast %get3A_1231 : vector<16xf32> to vector<16xf32>
    %eq3A_1233 = arith.constant 1 : i32
    %eq3A_1234 = vector.broadcast %eq3A_1233 : i32 to vector<16xi32>
    %eq3A_1235 = arith.cmpi eq, %convert_element_type3A_1220, %eq3A_1234 : vector<16xi32>
    %select_n3A_1236 = arith.select %eq3A_1235, %get3A_1232, %select_n3A_1229 : vector<16xi1>, vector<16xf32>
    %get3A_1237 = arith.constant 672 : index
    %get3A_1238 = tpu.vector_load %arg4[%get3A_1237] {strides = array<i32>} : memref<4352xf32, #tpu.memory_space<vmem>>, vector<16xf32>,
    %get3A_1239 = vector.shape_cast %get3A_1238 : vector<16xf32> to vector<16xf32>
    %eq3A_1240 = arith.constant 2 : i32
    %eq3A_1241 = vector.broadcast %eq3A_1240 : i32 to vector<16xi32>
    %eq3A_1242 = arith.cmpi eq, %convert_element_type3A_1220, %eq3A_1241 : vector<16xi32>
    %select_n3A_1243 = arith.select %eq3A_1242, %get3A_1239, %select_n3A_1236 : vector<16xi1>, vector<16xf32>
    %get3A_1244 = arith.constant 928 : index
    %get3A_1245 = tpu.vector_load %arg4[%get3A_1244] {strides = array<i32>} : memref<4352xf32, #tpu.memory_space<vmem>>, vector<16xf32>,
    %get3A_1246 = vector.shape_cast %get3A_1245 : vector<16xf32> to vector<16xf32>
    %eq3A_1247 = arith.constant 3 : i32
    %eq3A_1248 = vector.broadcast %eq3A_1247 : i32 to vector<16xi32>
    %eq3A_1249 = arith.cmpi eq, %convert_element_type3A_1220, %eq3A_1248 : vector<16xi32>
    %select_n3A_1250 = arith.select %eq3A_1249, %get3A_1246, %select_n3A_1243 : vector<16xi1>, vector<16xf32>
    %get3A_1251 = arith.constant 1184 : index
    %get3A_1252 = tpu.vector_load %arg4[%get3A_1251] {strides = array<i32>} : memref<4352xf32, #tpu.memory_space<vmem>>, vector<16xf32>,
    %get3A_1253 = vector.shape_cast %get3A_1252 : vector<16xf32> to vector<16xf32>
    %eq3A_1254 = arith.constant 4 : i32
    %eq3A_1255 = vector.broadcast %eq3A_1254 : i32 to vector<16xi32>
    %eq3A_1256 = arith.cmpi eq, %convert_element_type3A_1220, %eq3A_1255 : vector<16xi32>
    %select_n3A_1257 = arith.select %eq3A_1256, %get3A_1253, %select_n3A_1250 : vector<16xi1>, vector<16xf32>
    %get3A_1258 = arith.constant 1440 : index
    %get3A_1259 = tpu.vector_load %arg4[%get3A_1258] {strides = array<i32>} : memref<4352xf32, #tpu.memory_space<vmem>>, vector<16xf32>,
    %get3A_1260 = vector.shape_cast %get3A_1259 : vector<16xf32> to vector<16xf32>
    %eq3A_1261 = arith.constant 5 : i32
    %eq3A_1262 = vector.broadcast %eq3A_1261 : i32 to vector<16xi32>
    %eq3A_1263 = arith.cmpi eq, %convert_element_type3A_1220, %eq3A_1262 : vector<16xi32>
    %select_n3A_1264 = arith.select %eq3A_1263, %get3A_1260, %select_n3A_1257 : vector<16xi1>, vector<16xf32>
    %get3A_1265 = arith.constant 1696 : index
    %get3A_1266 = tpu.vector_load %arg4[%get3A_1265] {strides = array<i32>} : memref<4352xf32, #tpu.memory_space<vmem>>, vector<16xf32>,
    %get3A_1267 = vector.shape_cast %get3A_1266 : vector<16xf32> to vector<16xf32>
    %eq3A_1268 = arith.constant 6 : i32
    %eq3A_1269 = vector.broadcast %eq3A_1268 : i32 to vector<16xi32>
    %eq3A_1270 = arith.cmpi eq, %convert_element_type3A_1220, %eq3A_1269 : vector<16xi32>
    %select_n3A_1271 = arith.select %eq3A_1270, %get3A_1267, %select_n3A_1264 : vector<16xi1>, vector<16xf32>
    %get3A_1272 = arith.constant 1952 : index
    %get3A_1273 = tpu.vector_load %arg4[%get3A_1272] {strides = array<i32>} : memref<4352xf32, #tpu.memory_space<vmem>>, vector<16xf32>,
    %get3A_1274 = vector.shape_cast %get3A_1273 : vector<16xf32> to vector<16xf32>
    %eq3A_1275 = arith.constant 7 : i32
    %eq3A_1276 = vector.broadcast %eq3A_1275 : i32 to vector<16xi32>
    %eq3A_1277 = arith.cmpi eq, %convert_element_type3A_1220, %eq3A_1276 : vector<16xi32>
    %select_n3A_1278 = arith.select %eq3A_1277, %get3A_1274, %select_n3A_1271 : vector<16xi1>, vector<16xf32>
    %get3A_1279 = arith.constant 2208 : index
    %get3A_1280 = tpu.vector_load %arg4[%get3A_1279] {strides = array<i32>} : memref<4352xf32, #tpu.memory_space<vmem>>, vector<16xf32>,
    %get3A_1281 = vector.shape_cast %get3A_1280 : vector<16xf32> to vector<16xf32>
    %eq3A_1282 = arith.constant 8 : i32
    %eq3A_1283 = vector.broadcast %eq3A_1282 : i32 to vector<16xi32>
    %eq3A_1284 = arith.cmpi eq, %convert_element_type3A_1220, %eq3A_1283 : vector<16xi32>
    %select_n3A_1285 = arith.select %eq3A_1284, %get3A_1281, %select_n3A_1278 : vector<16xi1>, vector<16xf32>
    %get3A_1286 = arith.constant 2464 : index
    %get3A_1287 = tpu.vector_load %arg4[%get3A_1286] {strides = array<i32>} : memref<4352xf32, #tpu.memory_space<vmem>>, vector<16xf32>,
    %get3A_1288 = vector.shape_cast %get3A_1287 : vector<16xf32> to vector<16xf32>
    %eq3A_1289 = arith.constant 9 : i32
    %eq3A_1290 = vector.broadcast %eq3A_1289 : i32 to vector<16xi32>
    %eq3A_1291 = arith.cmpi eq, %convert_element_type3A_1220, %eq3A_1290 : vector<16xi32>
    %select_n3A_1292 = arith.select %eq3A_1291, %get3A_1288, %select_n3A_1285 : vector<16xi1>, vector<16xf32>
    %get3A_1293 = arith.constant 2720 : index
    %get3A_1294 = tpu.vector_load %arg4[%get3A_1293] {strides = array<i32>} : memref<4352xf32, #tpu.memory_space<vmem>>, vector<16xf32>,
    %get3A_1295 = vector.shape_cast %get3A_1294 : vector<16xf32> to vector<16xf32>
    %eq3A_1296 = arith.constant 10 : i32
    %eq3A_1297 = vector.broadcast %eq3A_1296 : i32 to vector<16xi32>
    %eq3A_1298 = arith.cmpi eq, %convert_element_type3A_1220, %eq3A_1297 : vector<16xi32>
    %select_n3A_1299 = arith.select %eq3A_1298, %get3A_1295, %select_n3A_1292 : vector<16xi1>, vector<16xf32>
    %get3A_1300 = arith.constant 2976 : index
    %get3A_1301 = tpu.vector_load %arg4[%get3A_1300] {strides = array<i32>} : memref<4352xf32, #tpu.memory_space<vmem>>, vector<16xf32>,
    %get3A_1302 = vector.shape_cast %get3A_1301 : vector<16xf32> to vector<16xf32>
    %eq3A_1303 = arith.constant 11 : i32
    %eq3A_1304 = vector.broadcast %eq3A_1303 : i32 to vector<16xi32>
    %eq3A_1305 = arith.cmpi eq, %convert_element_type3A_1220, %eq3A_1304 : vector<16xi32>
    %select_n3A_1306 = arith.select %eq3A_1305, %get3A_1302, %select_n3A_1299 : vector<16xi1>, vector<16xf32>
    %get3A_1307 = arith.constant 3232 : index
    %get3A_1308 = tpu.vector_load %arg4[%get3A_1307] {strides = array<i32>} : memref<4352xf32, #tpu.memory_space<vmem>>, vector<16xf32>,
    %get3A_1309 = vector.shape_cast %get3A_1308 : vector<16xf32> to vector<16xf32>
    %eq3A_1310 = arith.constant 12 : i32
    %eq3A_1311 = vector.broadcast %eq3A_1310 : i32 to vector<16xi32>
    %eq3A_1312 = arith.cmpi eq, %convert_element_type3A_1220, %eq3A_1311 : vector<16xi32>
    %select_n3A_1313 = arith.select %eq3A_1312, %get3A_1309, %select_n3A_1306 : vector<16xi1>, vector<16xf32>
    %get3A_1314 = arith.constant 3488 : index
    %get3A_1315 = tpu.vector_load %arg4[%get3A_1314] {strides = array<i32>} : memref<4352xf32, #tpu.memory_space<vmem>>, vector<16xf32>,
    %get3A_1316 = vector.shape_cast %get3A_1315 : vector<16xf32> to vector<16xf32>
    %eq3A_1317 = arith.constant 13 : i32
    %eq3A_1318 = vector.broadcast %eq3A_1317 : i32 to vector<16xi32>
    %eq3A_1319 = arith.cmpi eq, %convert_element_type3A_1220, %eq3A_1318 : vector<16xi32>
    %select_n3A_1320 = arith.select %eq3A_1319, %get3A_1316, %select_n3A_1313 : vector<16xi1>, vector<16xf32>
    %get3A_1321 = arith.constant 3744 : index
    %get3A_1322 = tpu.vector_load %arg4[%get3A_1321] {strides = array<i32>} : memref<4352xf32, #tpu.memory_space<vmem>>, vector<16xf32>,
    %get3A_1323 = vector.shape_cast %get3A_1322 : vector<16xf32> to vector<16xf32>
    %eq3A_1324 = arith.constant 14 : i32
    %eq3A_1325 = vector.broadcast %eq3A_1324 : i32 to vector<16xi32>
    %eq3A_1326 = arith.cmpi eq, %convert_element_type3A_1220, %eq3A_1325 : vector<16xi32>
    %select_n3A_1327 = arith.select %eq3A_1326, %get3A_1323, %select_n3A_1320 : vector<16xi1>, vector<16xf32>
    %get3A_1328 = arith.constant 4000 : index
    %get3A_1329 = tpu.vector_load %arg4[%get3A_1328] {strides = array<i32>} : memref<4352xf32, #tpu.memory_space<vmem>>, vector<16xf32>,
    %get3A_1330 = vector.shape_cast %get3A_1329 : vector<16xf32> to vector<16xf32>
    %eq3A_1331 = arith.constant 15 : i32
    %eq3A_1332 = vector.broadcast %eq3A_1331 : i32 to vector<16xi32>
    %eq3A_1333 = arith.cmpi eq, %convert_element_type3A_1220, %eq3A_1332 : vector<16xi32>
    %select_n3A_1334 = arith.select %eq3A_1333, %get3A_1330, %select_n3A_1327 : vector<16xi1>, vector<16xf32>
    %swap3A_1335 = arith.constant 160 : index
    %swap3A_1336 = tpu.vector_load %arg5[%swap3A_1335] {strides = array<i32>} : memref<256xf32, #tpu.memory_space<vmem>>, vector<16xf32>,
    %swap3A_1337 = vector.shape_cast %swap3A_1336 : vector<16xf32> to vector<16xf32>
    %swap3A_1338 = vector.shape_cast %select_n3A_1334 : vector<16xf32> to vector<16xf32>
    tpu.vector_store %arg5[%swap3A_1335], %swap3A_1338 {strides = array<i32>} : memref<256xf32, #tpu.memory_space<vmem>>, vector<16xf32>,
    %get3A_1339 = arith.constant 4272 : index
    %get3A_1340 = tpu.vector_load %arg4[%get3A_1339] {strides = array<i32>} : memref<4352xf32, #tpu.memory_space<vmem>>, vector<16xf32>,
    %get3A_1341 = vector.shape_cast %get3A_1340 : vector<16xf32> to vector<16xf32>
    %convert_element_type3A_1342 = arith.fptosi %get3A_1341 : vector<16xf32> to vector<16xi32>
    %broadcast_in_dim3A_1343 = arith.constant 0.000000e+00 : f32
    %broadcast_in_dim3A_1344 = vector.broadcast %broadcast_in_dim3A_1343 : f32 to vector<16xf32>
    %get3A_1345 = arith.constant 176 : index
    %get3A_1346 = tpu.vector_load %arg4[%get3A_1345] {strides = array<i32>} : memref<4352xf32, #tpu.memory_space<vmem>>, vector<16xf32>,
    %get3A_1347 = vector.shape_cast %get3A_1346 : vector<16xf32> to vector<16xf32>
    %eq3A_1348 = arith.constant 0 : i32
    %eq3A_1349 = vector.broadcast %eq3A_1348 : i32 to vector<16xi32>
    %eq3A_1350 = arith.cmpi eq, %convert_element_type3A_1342, %eq3A_1349 : vector<16xi32>
    %select_n3A_1351 = arith.select %eq3A_1350, %get3A_1347, %broadcast_in_dim3A_1344 : vector<16xi1>, vector<16xf32>
    %get3A_1352 = arith.constant 432 : index
    %get3A_1353 = tpu.vector_load %arg4[%get3A_1352] {strides = array<i32>} : memref<4352xf32, #tpu.memory_space<vmem>>, vector<16xf32>,
    %get3A_1354 = vector.shape_cast %get3A_1353 : vector<16xf32> to vector<16xf32>
    %eq3A_1355 = arith.constant 1 : i32
    %eq3A_1356 = vector.broadcast %eq3A_1355 : i32 to vector<16xi32>
    %eq3A_1357 = arith.cmpi eq, %convert_element_type3A_1342, %eq3A_1356 : vector<16xi32>
    %select_n3A_1358 = arith.select %eq3A_1357, %get3A_1354, %select_n3A_1351 : vector<16xi1>, vector<16xf32>
    %get3A_1359 = arith.constant 688 : index
    %get3A_1360 = tpu.vector_load %arg4[%get3A_1359] {strides = array<i32>} : memref<4352xf32, #tpu.memory_space<vmem>>, vector<16xf32>,
    %get3A_1361 = vector.shape_cast %get3A_1360 : vector<16xf32> to vector<16xf32>
    %eq3A_1362 = arith.constant 2 : i32
    %eq3A_1363 = vector.broadcast %eq3A_1362 : i32 to vector<16xi32>
    %eq3A_1364 = arith.cmpi eq, %convert_element_type3A_1342, %eq3A_1363 : vector<16xi32>
    %select_n3A_1365 = arith.select %eq3A_1364, %get3A_1361, %select_n3A_1358 : vector<16xi1>, vector<16xf32>
    %get3A_1366 = arith.constant 944 : index
    %get3A_1367 = tpu.vector_load %arg4[%get3A_1366] {strides = array<i32>} : memref<4352xf32, #tpu.memory_space<vmem>>, vector<16xf32>,
    %get3A_1368 = vector.shape_cast %get3A_1367 : vector<16xf32> to vector<16xf32>
    %eq3A_1369 = arith.constant 3 : i32
    %eq3A_1370 = vector.broadcast %eq3A_1369 : i32 to vector<16xi32>
    %eq3A_1371 = arith.cmpi eq, %convert_element_type3A_1342, %eq3A_1370 : vector<16xi32>
    %select_n3A_1372 = arith.select %eq3A_1371, %get3A_1368, %select_n3A_1365 : vector<16xi1>, vector<16xf32>
    %get3A_1373 = arith.constant 1200 : index
    %get3A_1374 = tpu.vector_load %arg4[%get3A_1373] {strides = array<i32>} : memref<4352xf32, #tpu.memory_space<vmem>>, vector<16xf32>,
    %get3A_1375 = vector.shape_cast %get3A_1374 : vector<16xf32> to vector<16xf32>
    %eq3A_1376 = arith.constant 4 : i32
    %eq3A_1377 = vector.broadcast %eq3A_1376 : i32 to vector<16xi32>
    %eq3A_1378 = arith.cmpi eq, %convert_element_type3A_1342, %eq3A_1377 : vector<16xi32>
    %select_n3A_1379 = arith.select %eq3A_1378, %get3A_1375, %select_n3A_1372 : vector<16xi1>, vector<16xf32>
    %get3A_1380 = arith.constant 1456 : index
    %get3A_1381 = tpu.vector_load %arg4[%get3A_1380] {strides = array<i32>} : memref<4352xf32, #tpu.memory_space<vmem>>, vector<16xf32>,
    %get3A_1382 = vector.shape_cast %get3A_1381 : vector<16xf32> to vector<16xf32>
    %eq3A_1383 = arith.constant 5 : i32
    %eq3A_1384 = vector.broadcast %eq3A_1383 : i32 to vector<16xi32>
    %eq3A_1385 = arith.cmpi eq, %convert_element_type3A_1342, %eq3A_1384 : vector<16xi32>
    %select_n3A_1386 = arith.select %eq3A_1385, %get3A_1382, %select_n3A_1379 : vector<16xi1>, vector<16xf32>
    %get3A_1387 = arith.constant 1712 : index
    %get3A_1388 = tpu.vector_load %arg4[%get3A_1387] {strides = array<i32>} : memref<4352xf32, #tpu.memory_space<vmem>>, vector<16xf32>,
    %get3A_1389 = vector.shape_cast %get3A_1388 : vector<16xf32> to vector<16xf32>
    %eq3A_1390 = arith.constant 6 : i32
    %eq3A_1391 = vector.broadcast %eq3A_1390 : i32 to vector<16xi32>
    %eq3A_1392 = arith.cmpi eq, %convert_element_type3A_1342, %eq3A_1391 : vector<16xi32>
    %select_n3A_1393 = arith.select %eq3A_1392, %get3A_1389, %select_n3A_1386 : vector<16xi1>, vector<16xf32>
    %get3A_1394 = arith.constant 1968 : index
    %get3A_1395 = tpu.vector_load %arg4[%get3A_1394] {strides = array<i32>} : memref<4352xf32, #tpu.memory_space<vmem>>, vector<16xf32>,
    %get3A_1396 = vector.shape_cast %get3A_1395 : vector<16xf32> to vector<16xf32>
    %eq3A_1397 = arith.constant 7 : i32
    %eq3A_1398 = vector.broadcast %eq3A_1397 : i32 to vector<16xi32>
    %eq3A_1399 = arith.cmpi eq, %convert_element_type3A_1342, %eq3A_1398 : vector<16xi32>
    %select_n3A_1400 = arith.select %eq3A_1399, %get3A_1396, %select_n3A_1393 : vector<16xi1>, vector<16xf32>
    %get3A_1401 = arith.constant 2224 : index
    %get3A_1402 = tpu.vector_load %arg4[%get3A_1401] {strides = array<i32>} : memref<4352xf32, #tpu.memory_space<vmem>>, vector<16xf32>,
    %get3A_1403 = vector.shape_cast %get3A_1402 : vector<16xf32> to vector<16xf32>
    %eq3A_1404 = arith.constant 8 : i32
    %eq3A_1405 = vector.broadcast %eq3A_1404 : i32 to vector<16xi32>
    %eq3A_1406 = arith.cmpi eq, %convert_element_type3A_1342, %eq3A_1405 : vector<16xi32>
    %select_n3A_1407 = arith.select %eq3A_1406, %get3A_1403, %select_n3A_1400 : vector<16xi1>, vector<16xf32>
    %get3A_1408 = arith.constant 2480 : index
    %get3A_1409 = tpu.vector_load %arg4[%get3A_1408] {strides = array<i32>} : memref<4352xf32, #tpu.memory_space<vmem>>, vector<16xf32>,
    %get3A_1410 = vector.shape_cast %get3A_1409 : vector<16xf32> to vector<16xf32>
    %eq3A_1411 = arith.constant 9 : i32
    %eq3A_1412 = vector.broadcast %eq3A_1411 : i32 to vector<16xi32>
    %eq3A_1413 = arith.cmpi eq, %convert_element_type3A_1342, %eq3A_1412 : vector<16xi32>
    %select_n3A_1414 = arith.select %eq3A_1413, %get3A_1410, %select_n3A_1407 : vector<16xi1>, vector<16xf32>
    %get3A_1415 = arith.constant 2736 : index
    %get3A_1416 = tpu.vector_load %arg4[%get3A_1415] {strides = array<i32>} : memref<4352xf32, #tpu.memory_space<vmem>>, vector<16xf32>,
    %get3A_1417 = vector.shape_cast %get3A_1416 : vector<16xf32> to vector<16xf32>
    %eq3A_1418 = arith.constant 10 : i32
    %eq3A_1419 = vector.broadcast %eq3A_1418 : i32 to vector<16xi32>
    %eq3A_1420 = arith.cmpi eq, %convert_element_type3A_1342, %eq3A_1419 : vector<16xi32>
    %select_n3A_1421 = arith.select %eq3A_1420, %get3A_1417, %select_n3A_1414 : vector<16xi1>, vector<16xf32>
    %get3A_1422 = arith.constant 2992 : index
    %get3A_1423 = tpu.vector_load %arg4[%get3A_1422] {strides = array<i32>} : memref<4352xf32, #tpu.memory_space<vmem>>, vector<16xf32>,
    %get3A_1424 = vector.shape_cast %get3A_1423 : vector<16xf32> to vector<16xf32>
    %eq3A_1425 = arith.constant 11 : i32
    %eq3A_1426 = vector.broadcast %eq3A_1425 : i32 to vector<16xi32>
    %eq3A_1427 = arith.cmpi eq, %convert_element_type3A_1342, %eq3A_1426 : vector<16xi32>
    %select_n3A_1428 = arith.select %eq3A_1427, %get3A_1424, %select_n3A_1421 : vector<16xi1>, vector<16xf32>
    %get3A_1429 = arith.constant 3248 : index
    %get3A_1430 = tpu.vector_load %arg4[%get3A_1429] {strides = array<i32>} : memref<4352xf32, #tpu.memory_space<vmem>>, vector<16xf32>,
    %get3A_1431 = vector.shape_cast %get3A_1430 : vector<16xf32> to vector<16xf32>
    %eq3A_1432 = arith.constant 12 : i32
    %eq3A_1433 = vector.broadcast %eq3A_1432 : i32 to vector<16xi32>
    %eq3A_1434 = arith.cmpi eq, %convert_element_type3A_1342, %eq3A_1433 : vector<16xi32>
    %select_n3A_1435 = arith.select %eq3A_1434, %get3A_1431, %select_n3A_1428 : vector<16xi1>, vector<16xf32>
    %get3A_1436 = arith.constant 3504 : index
    %get3A_1437 = tpu.vector_load %arg4[%get3A_1436] {strides = array<i32>} : memref<4352xf32, #tpu.memory_space<vmem>>, vector<16xf32>,
    %get3A_1438 = vector.shape_cast %get3A_1437 : vector<16xf32> to vector<16xf32>
    %eq3A_1439 = arith.constant 13 : i32
    %eq3A_1440 = vector.broadcast %eq3A_1439 : i32 to vector<16xi32>
    %eq3A_1441 = arith.cmpi eq, %convert_element_type3A_1342, %eq3A_1440 : vector<16xi32>
    %select_n3A_1442 = arith.select %eq3A_1441, %get3A_1438, %select_n3A_1435 : vector<16xi1>, vector<16xf32>
    %get3A_1443 = arith.constant 3760 : index
    %get3A_1444 = tpu.vector_load %arg4[%get3A_1443] {strides = array<i32>} : memref<4352xf32, #tpu.memory_space<vmem>>, vector<16xf32>,
    %get3A_1445 = vector.shape_cast %get3A_1444 : vector<16xf32> to vector<16xf32>
    %eq3A_1446 = arith.constant 14 : i32
    %eq3A_1447 = vector.broadcast %eq3A_1446 : i32 to vector<16xi32>
    %eq3A_1448 = arith.cmpi eq, %convert_element_type3A_1342, %eq3A_1447 : vector<16xi32>
    %select_n3A_1449 = arith.select %eq3A_1448, %get3A_1445, %select_n3A_1442 : vector<16xi1>, vector<16xf32>
    %get3A_1450 = arith.constant 4016 : index
    %get3A_1451 = tpu.vector_load %arg4[%get3A_1450] {strides = array<i32>} : memref<4352xf32, #tpu.memory_space<vmem>>, vector<16xf32>,
    %get3A_1452 = vector.shape_cast %get3A_1451 : vector<16xf32> to vector<16xf32>
    %eq3A_1453 = arith.constant 15 : i32
    %eq3A_1454 = vector.broadcast %eq3A_1453 : i32 to vector<16xi32>
    %eq3A_1455 = arith.cmpi eq, %convert_element_type3A_1342, %eq3A_1454 : vector<16xi32>
    %select_n3A_1456 = arith.select %eq3A_1455, %get3A_1452, %select_n3A_1449 : vector<16xi1>, vector<16xf32>
    %swap3A_1457 = arith.constant 176 : index
    %swap3A_1458 = tpu.vector_load %arg5[%swap3A_1457] {strides = array<i32>} : memref<256xf32, #tpu.memory_space<vmem>>, vector<16xf32>,
    %swap3A_1459 = vector.shape_cast %swap3A_1458 : vector<16xf32> to vector<16xf32>
    %swap3A_1460 = vector.shape_cast %select_n3A_1456 : vector<16xf32> to vector<16xf32>
    tpu.vector_store %arg5[%swap3A_1457], %swap3A_1460 {strides = array<i32>} : memref<256xf32, #tpu.memory_space<vmem>>, vector<16xf32>,
    %get3A_1461 = arith.constant 4288 : index
    %get3A_1462 = tpu.vector_load %arg4[%get3A_1461] {strides = array<i32>} : memref<4352xf32, #tpu.memory_space<vmem>>, vector<16xf32>,
    %get3A_1463 = vector.shape_cast %get3A_1462 : vector<16xf32> to vector<16xf32>
    %convert_element_type3A_1464 = arith.fptosi %get3A_1463 : vector<16xf32> to vector<16xi32>
    %broadcast_in_dim3A_1465 = arith.constant 0.000000e+00 : f32
    %broadcast_in_dim3A_1466 = vector.broadcast %broadcast_in_dim3A_1465 : f32 to vector<16xf32>
    %get3A_1467 = arith.constant 192 : index
    %get3A_1468 = tpu.vector_load %arg4[%get3A_1467] {strides = array<i32>} : memref<4352xf32, #tpu.memory_space<vmem>>, vector<16xf32>,
    %get3A_1469 = vector.shape_cast %get3A_1468 : vector<16xf32> to vector<16xf32>
    %eq3A_1470 = arith.constant 0 : i32
    %eq3A_1471 = vector.broadcast %eq3A_1470 : i32 to vector<16xi32>
    %eq3A_1472 = arith.cmpi eq, %convert_element_type3A_1464, %eq3A_1471 : vector<16xi32>
    %select_n3A_1473 = arith.select %eq3A_1472, %get3A_1469, %broadcast_in_dim3A_1466 : vector<16xi1>, vector<16xf32>
    %get3A_1474 = arith.constant 448 : index
    %get3A_1475 = tpu.vector_load %arg4[%get3A_1474] {strides = array<i32>} : memref<4352xf32, #tpu.memory_space<vmem>>, vector<16xf32>,
    %get3A_1476 = vector.shape_cast %get3A_1475 : vector<16xf32> to vector<16xf32>
    %eq3A_1477 = arith.constant 1 : i32
    %eq3A_1478 = vector.broadcast %eq3A_1477 : i32 to vector<16xi32>
    %eq3A_1479 = arith.cmpi eq, %convert_element_type3A_1464, %eq3A_1478 : vector<16xi32>
    %select_n3A_1480 = arith.select %eq3A_1479, %get3A_1476, %select_n3A_1473 : vector<16xi1>, vector<16xf32>
    %get3A_1481 = arith.constant 704 : index
    %get3A_1482 = tpu.vector_load %arg4[%get3A_1481] {strides = array<i32>} : memref<4352xf32, #tpu.memory_space<vmem>>, vector<16xf32>,
    %get3A_1483 = vector.shape_cast %get3A_1482 : vector<16xf32> to vector<16xf32>
    %eq3A_1484 = arith.constant 2 : i32
    %eq3A_1485 = vector.broadcast %eq3A_1484 : i32 to vector<16xi32>
    %eq3A_1486 = arith.cmpi eq, %convert_element_type3A_1464, %eq3A_1485 : vector<16xi32>
    %select_n3A_1487 = arith.select %eq3A_1486, %get3A_1483, %select_n3A_1480 : vector<16xi1>, vector<16xf32>
    %get3A_1488 = arith.constant 960 : index
    %get3A_1489 = tpu.vector_load %arg4[%get3A_1488] {strides = array<i32>} : memref<4352xf32, #tpu.memory_space<vmem>>, vector<16xf32>,
    %get3A_1490 = vector.shape_cast %get3A_1489 : vector<16xf32> to vector<16xf32>
    %eq3A_1491 = arith.constant 3 : i32
    %eq3A_1492 = vector.broadcast %eq3A_1491 : i32 to vector<16xi32>
    %eq3A_1493 = arith.cmpi eq, %convert_element_type3A_1464, %eq3A_1492 : vector<16xi32>
    %select_n3A_1494 = arith.select %eq3A_1493, %get3A_1490, %select_n3A_1487 : vector<16xi1>, vector<16xf32>
    %get3A_1495 = arith.constant 1216 : index
    %get3A_1496 = tpu.vector_load %arg4[%get3A_1495] {strides = array<i32>} : memref<4352xf32, #tpu.memory_space<vmem>>, vector<16xf32>,
    %get3A_1497 = vector.shape_cast %get3A_1496 : vector<16xf32> to vector<16xf32>
    %eq3A_1498 = arith.constant 4 : i32
    %eq3A_1499 = vector.broadcast %eq3A_1498 : i32 to vector<16xi32>
    %eq3A_1500 = arith.cmpi eq, %convert_element_type3A_1464, %eq3A_1499 : vector<16xi32>
    %select_n3A_1501 = arith.select %eq3A_1500, %get3A_1497, %select_n3A_1494 : vector<16xi1>, vector<16xf32>
    %get3A_1502 = arith.constant 1472 : index
    %get3A_1503 = tpu.vector_load %arg4[%get3A_1502] {strides = array<i32>} : memref<4352xf32, #tpu.memory_space<vmem>>, vector<16xf32>,
    %get3A_1504 = vector.shape_cast %get3A_1503 : vector<16xf32> to vector<16xf32>
    %eq3A_1505 = arith.constant 5 : i32
    %eq3A_1506 = vector.broadcast %eq3A_1505 : i32 to vector<16xi32>
    %eq3A_1507 = arith.cmpi eq, %convert_element_type3A_1464, %eq3A_1506 : vector<16xi32>
    %select_n3A_1508 = arith.select %eq3A_1507, %get3A_1504, %select_n3A_1501 : vector<16xi1>, vector<16xf32>
    %get3A_1509 = arith.constant 1728 : index
    %get3A_1510 = tpu.vector_load %arg4[%get3A_1509] {strides = array<i32>} : memref<4352xf32, #tpu.memory_space<vmem>>, vector<16xf32>,
    %get3A_1511 = vector.shape_cast %get3A_1510 : vector<16xf32> to vector<16xf32>
    %eq3A_1512 = arith.constant 6 : i32
    %eq3A_1513 = vector.broadcast %eq3A_1512 : i32 to vector<16xi32>
    %eq3A_1514 = arith.cmpi eq, %convert_element_type3A_1464, %eq3A_1513 : vector<16xi32>
    %select_n3A_1515 = arith.select %eq3A_1514, %get3A_1511, %select_n3A_1508 : vector<16xi1>, vector<16xf32>
    %get3A_1516 = arith.constant 1984 : index
    %get3A_1517 = tpu.vector_load %arg4[%get3A_1516] {strides = array<i32>} : memref<4352xf32, #tpu.memory_space<vmem>>, vector<16xf32>,
    %get3A_1518 = vector.shape_cast %get3A_1517 : vector<16xf32> to vector<16xf32>
    %eq3A_1519 = arith.constant 7 : i32
    %eq3A_1520 = vector.broadcast %eq3A_1519 : i32 to vector<16xi32>
    %eq3A_1521 = arith.cmpi eq, %convert_element_type3A_1464, %eq3A_1520 : vector<16xi32>
    %select_n3A_1522 = arith.select %eq3A_1521, %get3A_1518, %select_n3A_1515 : vector<16xi1>, vector<16xf32>
    %get3A_1523 = arith.constant 2240 : index
    %get3A_1524 = tpu.vector_load %arg4[%get3A_1523] {strides = array<i32>} : memref<4352xf32, #tpu.memory_space<vmem>>, vector<16xf32>,
    %get3A_1525 = vector.shape_cast %get3A_1524 : vector<16xf32> to vector<16xf32>
    %eq3A_1526 = arith.constant 8 : i32
    %eq3A_1527 = vector.broadcast %eq3A_1526 : i32 to vector<16xi32>
    %eq3A_1528 = arith.cmpi eq, %convert_element_type3A_1464, %eq3A_1527 : vector<16xi32>
    %select_n3A_1529 = arith.select %eq3A_1528, %get3A_1525, %select_n3A_1522 : vector<16xi1>, vector<16xf32>
    %get3A_1530 = arith.constant 2496 : index
    %get3A_1531 = tpu.vector_load %arg4[%get3A_1530] {strides = array<i32>} : memref<4352xf32, #tpu.memory_space<vmem>>, vector<16xf32>,
    %get3A_1532 = vector.shape_cast %get3A_1531 : vector<16xf32> to vector<16xf32>
    %eq3A_1533 = arith.constant 9 : i32
    %eq3A_1534 = vector.broadcast %eq3A_1533 : i32 to vector<16xi32>
    %eq3A_1535 = arith.cmpi eq, %convert_element_type3A_1464, %eq3A_1534 : vector<16xi32>
    %select_n3A_1536 = arith.select %eq3A_1535, %get3A_1532, %select_n3A_1529 : vector<16xi1>, vector<16xf32>
    %get3A_1537 = arith.constant 2752 : index
    %get3A_1538 = tpu.vector_load %arg4[%get3A_1537] {strides = array<i32>} : memref<4352xf32, #tpu.memory_space<vmem>>, vector<16xf32>,
    %get3A_1539 = vector.shape_cast %get3A_1538 : vector<16xf32> to vector<16xf32>
    %eq3A_1540 = arith.constant 10 : i32
    %eq3A_1541 = vector.broadcast %eq3A_1540 : i32 to vector<16xi32>
    %eq3A_1542 = arith.cmpi eq, %convert_element_type3A_1464, %eq3A_1541 : vector<16xi32>
    %select_n3A_1543 = arith.select %eq3A_1542, %get3A_1539, %select_n3A_1536 : vector<16xi1>, vector<16xf32>
    %get3A_1544 = arith.constant 3008 : index
    %get3A_1545 = tpu.vector_load %arg4[%get3A_1544] {strides = array<i32>} : memref<4352xf32, #tpu.memory_space<vmem>>, vector<16xf32>,
    %get3A_1546 = vector.shape_cast %get3A_1545 : vector<16xf32> to vector<16xf32>
    %eq3A_1547 = arith.constant 11 : i32
    %eq3A_1548 = vector.broadcast %eq3A_1547 : i32 to vector<16xi32>
    %eq3A_1549 = arith.cmpi eq, %convert_element_type3A_1464, %eq3A_1548 : vector<16xi32>
    %select_n3A_1550 = arith.select %eq3A_1549, %get3A_1546, %select_n3A_1543 : vector<16xi1>, vector<16xf32>
    %get3A_1551 = arith.constant 3264 : index
    %get3A_1552 = tpu.vector_load %arg4[%get3A_1551] {strides = array<i32>} : memref<4352xf32, #tpu.memory_space<vmem>>, vector<16xf32>,
    %get3A_1553 = vector.shape_cast %get3A_1552 : vector<16xf32> to vector<16xf32>
    %eq3A_1554 = arith.constant 12 : i32
    %eq3A_1555 = vector.broadcast %eq3A_1554 : i32 to vector<16xi32>
    %eq3A_1556 = arith.cmpi eq, %convert_element_type3A_1464, %eq3A_1555 : vector<16xi32>
    %select_n3A_1557 = arith.select %eq3A_1556, %get3A_1553, %select_n3A_1550 : vector<16xi1>, vector<16xf32>
    %get3A_1558 = arith.constant 3520 : index
    %get3A_1559 = tpu.vector_load %arg4[%get3A_1558] {strides = array<i32>} : memref<4352xf32, #tpu.memory_space<vmem>>, vector<16xf32>,
    %get3A_1560 = vector.shape_cast %get3A_1559 : vector<16xf32> to vector<16xf32>
    %eq3A_1561 = arith.constant 13 : i32
    %eq3A_1562 = vector.broadcast %eq3A_1561 : i32 to vector<16xi32>
    %eq3A_1563 = arith.cmpi eq, %convert_element_type3A_1464, %eq3A_1562 : vector<16xi32>
    %select_n3A_1564 = arith.select %eq3A_1563, %get3A_1560, %select_n3A_1557 : vector<16xi1>, vector<16xf32>
    %get3A_1565 = arith.constant 3776 : index
    %get3A_1566 = tpu.vector_load %arg4[%get3A_1565] {strides = array<i32>} : memref<4352xf32, #tpu.memory_space<vmem>>, vector<16xf32>,
    %get3A_1567 = vector.shape_cast %get3A_1566 : vector<16xf32> to vector<16xf32>
    %eq3A_1568 = arith.constant 14 : i32
    %eq3A_1569 = vector.broadcast %eq3A_1568 : i32 to vector<16xi32>
    %eq3A_1570 = arith.cmpi eq, %convert_element_type3A_1464, %eq3A_1569 : vector<16xi32>
    %select_n3A_1571 = arith.select %eq3A_1570, %get3A_1567, %select_n3A_1564 : vector<16xi1>, vector<16xf32>
    %get3A_1572 = arith.constant 4032 : index
    %get3A_1573 = tpu.vector_load %arg4[%get3A_1572] {strides = array<i32>} : memref<4352xf32, #tpu.memory_space<vmem>>, vector<16xf32>,
    %get3A_1574 = vector.shape_cast %get3A_1573 : vector<16xf32> to vector<16xf32>
    %eq3A_1575 = arith.constant 15 : i32
    %eq3A_1576 = vector.broadcast %eq3A_1575 : i32 to vector<16xi32>
    %eq3A_1577 = arith.cmpi eq, %convert_element_type3A_1464, %eq3A_1576 : vector<16xi32>
    %select_n3A_1578 = arith.select %eq3A_1577, %get3A_1574, %select_n3A_1571 : vector<16xi1>, vector<16xf32>
    %swap3A_1579 = arith.constant 192 : index
    %swap3A_1580 = tpu.vector_load %arg5[%swap3A_1579] {strides = array<i32>} : memref<256xf32, #tpu.memory_space<vmem>>, vector<16xf32>,
    %swap3A_1581 = vector.shape_cast %swap3A_1580 : vector<16xf32> to vector<16xf32>
    %swap3A_1582 = vector.shape_cast %select_n3A_1578 : vector<16xf32> to vector<16xf32>
    tpu.vector_store %arg5[%swap3A_1579], %swap3A_1582 {strides = array<i32>} : memref<256xf32, #tpu.memory_space<vmem>>, vector<16xf32>,
    %get3A_1583 = arith.constant 4304 : index
    %get3A_1584 = tpu.vector_load %arg4[%get3A_1583] {strides = array<i32>} : memref<4352xf32, #tpu.memory_space<vmem>>, vector<16xf32>,
    %get3A_1585 = vector.shape_cast %get3A_1584 : vector<16xf32> to vector<16xf32>
    %convert_element_type3A_1586 = arith.fptosi %get3A_1585 : vector<16xf32> to vector<16xi32>
    %broadcast_in_dim3A_1587 = arith.constant 0.000000e+00 : f32
    %broadcast_in_dim3A_1588 = vector.broadcast %broadcast_in_dim3A_1587 : f32 to vector<16xf32>
    %get3A_1589 = arith.constant 208 : index
    %get3A_1590 = tpu.vector_load %arg4[%get3A_1589] {strides = array<i32>} : memref<4352xf32, #tpu.memory_space<vmem>>, vector<16xf32>,
    %get3A_1591 = vector.shape_cast %get3A_1590 : vector<16xf32> to vector<16xf32>
    %eq3A_1592 = arith.constant 0 : i32
    %eq3A_1593 = vector.broadcast %eq3A_1592 : i32 to vector<16xi32>
    %eq3A_1594 = arith.cmpi eq, %convert_element_type3A_1586, %eq3A_1593 : vector<16xi32>
    %select_n3A_1595 = arith.select %eq3A_1594, %get3A_1591, %broadcast_in_dim3A_1588 : vector<16xi1>, vector<16xf32>
    %get3A_1596 = arith.constant 464 : index
    %get3A_1597 = tpu.vector_load %arg4[%get3A_1596] {strides = array<i32>} : memref<4352xf32, #tpu.memory_space<vmem>>, vector<16xf32>,
    %get3A_1598 = vector.shape_cast %get3A_1597 : vector<16xf32> to vector<16xf32>
    %eq3A_1599 = arith.constant 1 : i32
    %eq3A_1600 = vector.broadcast %eq3A_1599 : i32 to vector<16xi32>
    %eq3A_1601 = arith.cmpi eq, %convert_element_type3A_1586, %eq3A_1600 : vector<16xi32>
    %select_n3A_1602 = arith.select %eq3A_1601, %get3A_1598, %select_n3A_1595 : vector<16xi1>, vector<16xf32>
    %get3A_1603 = arith.constant 720 : index
    %get3A_1604 = tpu.vector_load %arg4[%get3A_1603] {strides = array<i32>} : memref<4352xf32, #tpu.memory_space<vmem>>, vector<16xf32>,
    %get3A_1605 = vector.shape_cast %get3A_1604 : vector<16xf32> to vector<16xf32>
    %eq3A_1606 = arith.constant 2 : i32
    %eq3A_1607 = vector.broadcast %eq3A_1606 : i32 to vector<16xi32>
    %eq3A_1608 = arith.cmpi eq, %convert_element_type3A_1586, %eq3A_1607 : vector<16xi32>
    %select_n3A_1609 = arith.select %eq3A_1608, %get3A_1605, %select_n3A_1602 : vector<16xi1>, vector<16xf32>
    %get3A_1610 = arith.constant 976 : index
    %get3A_1611 = tpu.vector_load %arg4[%get3A_1610] {strides = array<i32>} : memref<4352xf32, #tpu.memory_space<vmem>>, vector<16xf32>,
    %get3A_1612 = vector.shape_cast %get3A_1611 : vector<16xf32> to vector<16xf32>
    %eq3A_1613 = arith.constant 3 : i32
    %eq3A_1614 = vector.broadcast %eq3A_1613 : i32 to vector<16xi32>
    %eq3A_1615 = arith.cmpi eq, %convert_element_type3A_1586, %eq3A_1614 : vector<16xi32>
    %select_n3A_1616 = arith.select %eq3A_1615, %get3A_1612, %select_n3A_1609 : vector<16xi1>, vector<16xf32>
    %get3A_1617 = arith.constant 1232 : index
    %get3A_1618 = tpu.vector_load %arg4[%get3A_1617] {strides = array<i32>} : memref<4352xf32, #tpu.memory_space<vmem>>, vector<16xf32>,
    %get3A_1619 = vector.shape_cast %get3A_1618 : vector<16xf32> to vector<16xf32>
    %eq3A_1620 = arith.constant 4 : i32
    %eq3A_1621 = vector.broadcast %eq3A_1620 : i32 to vector<16xi32>
    %eq3A_1622 = arith.cmpi eq, %convert_element_type3A_1586, %eq3A_1621 : vector<16xi32>
    %select_n3A_1623 = arith.select %eq3A_1622, %get3A_1619, %select_n3A_1616 : vector<16xi1>, vector<16xf32>
    %get3A_1624 = arith.constant 1488 : index
    %get3A_1625 = tpu.vector_load %arg4[%get3A_1624] {strides = array<i32>} : memref<4352xf32, #tpu.memory_space<vmem>>, vector<16xf32>,
    %get3A_1626 = vector.shape_cast %get3A_1625 : vector<16xf32> to vector<16xf32>
    %eq3A_1627 = arith.constant 5 : i32
    %eq3A_1628 = vector.broadcast %eq3A_1627 : i32 to vector<16xi32>
    %eq3A_1629 = arith.cmpi eq, %convert_element_type3A_1586, %eq3A_1628 : vector<16xi32>
    %select_n3A_1630 = arith.select %eq3A_1629, %get3A_1626, %select_n3A_1623 : vector<16xi1>, vector<16xf32>
    %get3A_1631 = arith.constant 1744 : index
    %get3A_1632 = tpu.vector_load %arg4[%get3A_1631] {strides = array<i32>} : memref<4352xf32, #tpu.memory_space<vmem>>, vector<16xf32>,
    %get3A_1633 = vector.shape_cast %get3A_1632 : vector<16xf32> to vector<16xf32>
    %eq3A_1634 = arith.constant 6 : i32
    %eq3A_1635 = vector.broadcast %eq3A_1634 : i32 to vector<16xi32>
    %eq3A_1636 = arith.cmpi eq, %convert_element_type3A_1586, %eq3A_1635 : vector<16xi32>
    %select_n3A_1637 = arith.select %eq3A_1636, %get3A_1633, %select_n3A_1630 : vector<16xi1>, vector<16xf32>
    %get3A_1638 = arith.constant 2000 : index
    %get3A_1639 = tpu.vector_load %arg4[%get3A_1638] {strides = array<i32>} : memref<4352xf32, #tpu.memory_space<vmem>>, vector<16xf32>,
    %get3A_1640 = vector.shape_cast %get3A_1639 : vector<16xf32> to vector<16xf32>
    %eq3A_1641 = arith.constant 7 : i32
    %eq3A_1642 = vector.broadcast %eq3A_1641 : i32 to vector<16xi32>
    %eq3A_1643 = arith.cmpi eq, %convert_element_type3A_1586, %eq3A_1642 : vector<16xi32>
    %select_n3A_1644 = arith.select %eq3A_1643, %get3A_1640, %select_n3A_1637 : vector<16xi1>, vector<16xf32>
    %get3A_1645 = arith.constant 2256 : index
    %get3A_1646 = tpu.vector_load %arg4[%get3A_1645] {strides = array<i32>} : memref<4352xf32, #tpu.memory_space<vmem>>, vector<16xf32>,
    %get3A_1647 = vector.shape_cast %get3A_1646 : vector<16xf32> to vector<16xf32>
    %eq3A_1648 = arith.constant 8 : i32
    %eq3A_1649 = vector.broadcast %eq3A_1648 : i32 to vector<16xi32>
    %eq3A_1650 = arith.cmpi eq, %convert_element_type3A_1586, %eq3A_1649 : vector<16xi32>
    %select_n3A_1651 = arith.select %eq3A_1650, %get3A_1647, %select_n3A_1644 : vector<16xi1>, vector<16xf32>
    %get3A_1652 = arith.constant 2512 : index
    %get3A_1653 = tpu.vector_load %arg4[%get3A_1652] {strides = array<i32>} : memref<4352xf32, #tpu.memory_space<vmem>>, vector<16xf32>,
    %get3A_1654 = vector.shape_cast %get3A_1653 : vector<16xf32> to vector<16xf32>
    %eq3A_1655 = arith.constant 9 : i32
    %eq3A_1656 = vector.broadcast %eq3A_1655 : i32 to vector<16xi32>
    %eq3A_1657 = arith.cmpi eq, %convert_element_type3A_1586, %eq3A_1656 : vector<16xi32>
    %select_n3A_1658 = arith.select %eq3A_1657, %get3A_1654, %select_n3A_1651 : vector<16xi1>, vector<16xf32>
    %get3A_1659 = arith.constant 2768 : index
    %get3A_1660 = tpu.vector_load %arg4[%get3A_1659] {strides = array<i32>} : memref<4352xf32, #tpu.memory_space<vmem>>, vector<16xf32>,
    %get3A_1661 = vector.shape_cast %get3A_1660 : vector<16xf32> to vector<16xf32>
    %eq3A_1662 = arith.constant 10 : i32
    %eq3A_1663 = vector.broadcast %eq3A_1662 : i32 to vector<16xi32>
    %eq3A_1664 = arith.cmpi eq, %convert_element_type3A_1586, %eq3A_1663 : vector<16xi32>
    %select_n3A_1665 = arith.select %eq3A_1664, %get3A_1661, %select_n3A_1658 : vector<16xi1>, vector<16xf32>
    %get3A_1666 = arith.constant 3024 : index
    %get3A_1667 = tpu.vector_load %arg4[%get3A_1666] {strides = array<i32>} : memref<4352xf32, #tpu.memory_space<vmem>>, vector<16xf32>,
    %get3A_1668 = vector.shape_cast %get3A_1667 : vector<16xf32> to vector<16xf32>
    %eq3A_1669 = arith.constant 11 : i32
    %eq3A_1670 = vector.broadcast %eq3A_1669 : i32 to vector<16xi32>
    %eq3A_1671 = arith.cmpi eq, %convert_element_type3A_1586, %eq3A_1670 : vector<16xi32>
    %select_n3A_1672 = arith.select %eq3A_1671, %get3A_1668, %select_n3A_1665 : vector<16xi1>, vector<16xf32>
    %get3A_1673 = arith.constant 3280 : index
    %get3A_1674 = tpu.vector_load %arg4[%get3A_1673] {strides = array<i32>} : memref<4352xf32, #tpu.memory_space<vmem>>, vector<16xf32>,
    %get3A_1675 = vector.shape_cast %get3A_1674 : vector<16xf32> to vector<16xf32>
    %eq3A_1676 = arith.constant 12 : i32
    %eq3A_1677 = vector.broadcast %eq3A_1676 : i32 to vector<16xi32>
    %eq3A_1678 = arith.cmpi eq, %convert_element_type3A_1586, %eq3A_1677 : vector<16xi32>
    %select_n3A_1679 = arith.select %eq3A_1678, %get3A_1675, %select_n3A_1672 : vector<16xi1>, vector<16xf32>
    %get3A_1680 = arith.constant 3536 : index
    %get3A_1681 = tpu.vector_load %arg4[%get3A_1680] {strides = array<i32>} : memref<4352xf32, #tpu.memory_space<vmem>>, vector<16xf32>,
    %get3A_1682 = vector.shape_cast %get3A_1681 : vector<16xf32> to vector<16xf32>
    %eq3A_1683 = arith.constant 13 : i32
    %eq3A_1684 = vector.broadcast %eq3A_1683 : i32 to vector<16xi32>
    %eq3A_1685 = arith.cmpi eq, %convert_element_type3A_1586, %eq3A_1684 : vector<16xi32>
    %select_n3A_1686 = arith.select %eq3A_1685, %get3A_1682, %select_n3A_1679 : vector<16xi1>, vector<16xf32>
    %get3A_1687 = arith.constant 3792 : index
    %get3A_1688 = tpu.vector_load %arg4[%get3A_1687] {strides = array<i32>} : memref<4352xf32, #tpu.memory_space<vmem>>, vector<16xf32>,
    %get3A_1689 = vector.shape_cast %get3A_1688 : vector<16xf32> to vector<16xf32>
    %eq3A_1690 = arith.constant 14 : i32
    %eq3A_1691 = vector.broadcast %eq3A_1690 : i32 to vector<16xi32>
    %eq3A_1692 = arith.cmpi eq, %convert_element_type3A_1586, %eq3A_1691 : vector<16xi32>
    %select_n3A_1693 = arith.select %eq3A_1692, %get3A_1689, %select_n3A_1686 : vector<16xi1>, vector<16xf32>
    %get3A_1694 = arith.constant 4048 : index
    %get3A_1695 = tpu.vector_load %arg4[%get3A_1694] {strides = array<i32>} : memref<4352xf32, #tpu.memory_space<vmem>>, vector<16xf32>,
    %get3A_1696 = vector.shape_cast %get3A_1695 : vector<16xf32> to vector<16xf32>
    %eq3A_1697 = arith.constant 15 : i32
    %eq3A_1698 = vector.broadcast %eq3A_1697 : i32 to vector<16xi32>
    %eq3A_1699 = arith.cmpi eq, %convert_element_type3A_1586, %eq3A_1698 : vector<16xi32>
    %select_n3A_1700 = arith.select %eq3A_1699, %get3A_1696, %select_n3A_1693 : vector<16xi1>, vector<16xf32>
    %swap3A_1701 = arith.constant 208 : index
    %swap3A_1702 = tpu.vector_load %arg5[%swap3A_1701] {strides = array<i32>} : memref<256xf32, #tpu.memory_space<vmem>>, vector<16xf32>,
    %swap3A_1703 = vector.shape_cast %swap3A_1702 : vector<16xf32> to vector<16xf32>
    %swap3A_1704 = vector.shape_cast %select_n3A_1700 : vector<16xf32> to vector<16xf32>
    tpu.vector_store %arg5[%swap3A_1701], %swap3A_1704 {strides = array<i32>} : memref<256xf32, #tpu.memory_space<vmem>>, vector<16xf32>,
    %get3A_1705 = arith.constant 4320 : index
    %get3A_1706 = tpu.vector_load %arg4[%get3A_1705] {strides = array<i32>} : memref<4352xf32, #tpu.memory_space<vmem>>, vector<16xf32>,
    %get3A_1707 = vector.shape_cast %get3A_1706 : vector<16xf32> to vector<16xf32>
    %convert_element_type3A_1708 = arith.fptosi %get3A_1707 : vector<16xf32> to vector<16xi32>
    %broadcast_in_dim3A_1709 = arith.constant 0.000000e+00 : f32
    %broadcast_in_dim3A_1710 = vector.broadcast %broadcast_in_dim3A_1709 : f32 to vector<16xf32>
    %get3A_1711 = arith.constant 224 : index
    %get3A_1712 = tpu.vector_load %arg4[%get3A_1711] {strides = array<i32>} : memref<4352xf32, #tpu.memory_space<vmem>>, vector<16xf32>,
    %get3A_1713 = vector.shape_cast %get3A_1712 : vector<16xf32> to vector<16xf32>
    %eq3A_1714 = arith.constant 0 : i32
    %eq3A_1715 = vector.broadcast %eq3A_1714 : i32 to vector<16xi32>
    %eq3A_1716 = arith.cmpi eq, %convert_element_type3A_1708, %eq3A_1715 : vector<16xi32>
    %select_n3A_1717 = arith.select %eq3A_1716, %get3A_1713, %broadcast_in_dim3A_1710 : vector<16xi1>, vector<16xf32>
    %get3A_1718 = arith.constant 480 : index
    %get3A_1719 = tpu.vector_load %arg4[%get3A_1718] {strides = array<i32>} : memref<4352xf32, #tpu.memory_space<vmem>>, vector<16xf32>,
    %get3A_1720 = vector.shape_cast %get3A_1719 : vector<16xf32> to vector<16xf32>
    %eq3A_1721 = arith.constant 1 : i32
    %eq3A_1722 = vector.broadcast %eq3A_1721 : i32 to vector<16xi32>
    %eq3A_1723 = arith.cmpi eq, %convert_element_type3A_1708, %eq3A_1722 : vector<16xi32>
    %select_n3A_1724 = arith.select %eq3A_1723, %get3A_1720, %select_n3A_1717 : vector<16xi1>, vector<16xf32>
    %get3A_1725 = arith.constant 736 : index
    %get3A_1726 = tpu.vector_load %arg4[%get3A_1725] {strides = array<i32>} : memref<4352xf32, #tpu.memory_space<vmem>>, vector<16xf32>,
    %get3A_1727 = vector.shape_cast %get3A_1726 : vector<16xf32> to vector<16xf32>
    %eq3A_1728 = arith.constant 2 : i32
    %eq3A_1729 = vector.broadcast %eq3A_1728 : i32 to vector<16xi32>
    %eq3A_1730 = arith.cmpi eq, %convert_element_type3A_1708, %eq3A_1729 : vector<16xi32>
    %select_n3A_1731 = arith.select %eq3A_1730, %get3A_1727, %select_n3A_1724 : vector<16xi1>, vector<16xf32>
    %get3A_1732 = arith.constant 992 : index
    %get3A_1733 = tpu.vector_load %arg4[%get3A_1732] {strides = array<i32>} : memref<4352xf32, #tpu.memory_space<vmem>>, vector<16xf32>,
    %get3A_1734 = vector.shape_cast %get3A_1733 : vector<16xf32> to vector<16xf32>
    %eq3A_1735 = arith.constant 3 : i32
    %eq3A_1736 = vector.broadcast %eq3A_1735 : i32 to vector<16xi32>
    %eq3A_1737 = arith.cmpi eq, %convert_element_type3A_1708, %eq3A_1736 : vector<16xi32>
    %select_n3A_1738 = arith.select %eq3A_1737, %get3A_1734, %select_n3A_1731 : vector<16xi1>, vector<16xf32>
    %get3A_1739 = arith.constant 1248 : index
    %get3A_1740 = tpu.vector_load %arg4[%get3A_1739] {strides = array<i32>} : memref<4352xf32, #tpu.memory_space<vmem>>, vector<16xf32>,
    %get3A_1741 = vector.shape_cast %get3A_1740 : vector<16xf32> to vector<16xf32>
    %eq3A_1742 = arith.constant 4 : i32
    %eq3A_1743 = vector.broadcast %eq3A_1742 : i32 to vector<16xi32>
    %eq3A_1744 = arith.cmpi eq, %convert_element_type3A_1708, %eq3A_1743 : vector<16xi32>
    %select_n3A_1745 = arith.select %eq3A_1744, %get3A_1741, %select_n3A_1738 : vector<16xi1>, vector<16xf32>
    %get3A_1746 = arith.constant 1504 : index
    %get3A_1747 = tpu.vector_load %arg4[%get3A_1746] {strides = array<i32>} : memref<4352xf32, #tpu.memory_space<vmem>>, vector<16xf32>,
    %get3A_1748 = vector.shape_cast %get3A_1747 : vector<16xf32> to vector<16xf32>
    %eq3A_1749 = arith.constant 5 : i32
    %eq3A_1750 = vector.broadcast %eq3A_1749 : i32 to vector<16xi32>
    %eq3A_1751 = arith.cmpi eq, %convert_element_type3A_1708, %eq3A_1750 : vector<16xi32>
    %select_n3A_1752 = arith.select %eq3A_1751, %get3A_1748, %select_n3A_1745 : vector<16xi1>, vector<16xf32>
    %get3A_1753 = arith.constant 1760 : index
    %get3A_1754 = tpu.vector_load %arg4[%get3A_1753] {strides = array<i32>} : memref<4352xf32, #tpu.memory_space<vmem>>, vector<16xf32>,
    %get3A_1755 = vector.shape_cast %get3A_1754 : vector<16xf32> to vector<16xf32>
    %eq3A_1756 = arith.constant 6 : i32
    %eq3A_1757 = vector.broadcast %eq3A_1756 : i32 to vector<16xi32>
    %eq3A_1758 = arith.cmpi eq, %convert_element_type3A_1708, %eq3A_1757 : vector<16xi32>
    %select_n3A_1759 = arith.select %eq3A_1758, %get3A_1755, %select_n3A_1752 : vector<16xi1>, vector<16xf32>
    %get3A_1760 = arith.constant 2016 : index
    %get3A_1761 = tpu.vector_load %arg4[%get3A_1760] {strides = array<i32>} : memref<4352xf32, #tpu.memory_space<vmem>>, vector<16xf32>,
    %get3A_1762 = vector.shape_cast %get3A_1761 : vector<16xf32> to vector<16xf32>
    %eq3A_1763 = arith.constant 7 : i32
    %eq3A_1764 = vector.broadcast %eq3A_1763 : i32 to vector<16xi32>
    %eq3A_1765 = arith.cmpi eq, %convert_element_type3A_1708, %eq3A_1764 : vector<16xi32>
    %select_n3A_1766 = arith.select %eq3A_1765, %get3A_1762, %select_n3A_1759 : vector<16xi1>, vector<16xf32>
    %get3A_1767 = arith.constant 2272 : index
    %get3A_1768 = tpu.vector_load %arg4[%get3A_1767] {strides = array<i32>} : memref<4352xf32, #tpu.memory_space<vmem>>, vector<16xf32>,
    %get3A_1769 = vector.shape_cast %get3A_1768 : vector<16xf32> to vector<16xf32>
    %eq3A_1770 = arith.constant 8 : i32
    %eq3A_1771 = vector.broadcast %eq3A_1770 : i32 to vector<16xi32>
    %eq3A_1772 = arith.cmpi eq, %convert_element_type3A_1708, %eq3A_1771 : vector<16xi32>
    %select_n3A_1773 = arith.select %eq3A_1772, %get3A_1769, %select_n3A_1766 : vector<16xi1>, vector<16xf32>
    %get3A_1774 = arith.constant 2528 : index
    %get3A_1775 = tpu.vector_load %arg4[%get3A_1774] {strides = array<i32>} : memref<4352xf32, #tpu.memory_space<vmem>>, vector<16xf32>,
    %get3A_1776 = vector.shape_cast %get3A_1775 : vector<16xf32> to vector<16xf32>
    %eq3A_1777 = arith.constant 9 : i32
    %eq3A_1778 = vector.broadcast %eq3A_1777 : i32 to vector<16xi32>
    %eq3A_1779 = arith.cmpi eq, %convert_element_type3A_1708, %eq3A_1778 : vector<16xi32>
    %select_n3A_1780 = arith.select %eq3A_1779, %get3A_1776, %select_n3A_1773 : vector<16xi1>, vector<16xf32>
    %get3A_1781 = arith.constant 2784 : index
    %get3A_1782 = tpu.vector_load %arg4[%get3A_1781] {strides = array<i32>} : memref<4352xf32, #tpu.memory_space<vmem>>, vector<16xf32>,
    %get3A_1783 = vector.shape_cast %get3A_1782 : vector<16xf32> to vector<16xf32>
    %eq3A_1784 = arith.constant 10 : i32
    %eq3A_1785 = vector.broadcast %eq3A_1784 : i32 to vector<16xi32>
    %eq3A_1786 = arith.cmpi eq, %convert_element_type3A_1708, %eq3A_1785 : vector<16xi32>
    %select_n3A_1787 = arith.select %eq3A_1786, %get3A_1783, %select_n3A_1780 : vector<16xi1>, vector<16xf32>
    %get3A_1788 = arith.constant 3040 : index
    %get3A_1789 = tpu.vector_load %arg4[%get3A_1788] {strides = array<i32>} : memref<4352xf32, #tpu.memory_space<vmem>>, vector<16xf32>,
    %get3A_1790 = vector.shape_cast %get3A_1789 : vector<16xf32> to vector<16xf32>
    %eq3A_1791 = arith.constant 11 : i32
    %eq3A_1792 = vector.broadcast %eq3A_1791 : i32 to vector<16xi32>
    %eq3A_1793 = arith.cmpi eq, %convert_element_type3A_1708, %eq3A_1792 : vector<16xi32>
    %select_n3A_1794 = arith.select %eq3A_1793, %get3A_1790, %select_n3A_1787 : vector<16xi1>, vector<16xf32>
    %get3A_1795 = arith.constant 3296 : index
    %get3A_1796 = tpu.vector_load %arg4[%get3A_1795] {strides = array<i32>} : memref<4352xf32, #tpu.memory_space<vmem>>, vector<16xf32>,
    %get3A_1797 = vector.shape_cast %get3A_1796 : vector<16xf32> to vector<16xf32>
    %eq3A_1798 = arith.constant 12 : i32
    %eq3A_1799 = vector.broadcast %eq3A_1798 : i32 to vector<16xi32>
    %eq3A_1800 = arith.cmpi eq, %convert_element_type3A_1708, %eq3A_1799 : vector<16xi32>
    %select_n3A_1801 = arith.select %eq3A_1800, %get3A_1797, %select_n3A_1794 : vector<16xi1>, vector<16xf32>
    %get3A_1802 = arith.constant 3552 : index
    %get3A_1803 = tpu.vector_load %arg4[%get3A_1802] {strides = array<i32>} : memref<4352xf32, #tpu.memory_space<vmem>>, vector<16xf32>,
    %get3A_1804 = vector.shape_cast %get3A_1803 : vector<16xf32> to vector<16xf32>
    %eq3A_1805 = arith.constant 13 : i32
    %eq3A_1806 = vector.broadcast %eq3A_1805 : i32 to vector<16xi32>
    %eq3A_1807 = arith.cmpi eq, %convert_element_type3A_1708, %eq3A_1806 : vector<16xi32>
    %select_n3A_1808 = arith.select %eq3A_1807, %get3A_1804, %select_n3A_1801 : vector<16xi1>, vector<16xf32>
    %get3A_1809 = arith.constant 3808 : index
    %get3A_1810 = tpu.vector_load %arg4[%get3A_1809] {strides = array<i32>} : memref<4352xf32, #tpu.memory_space<vmem>>, vector<16xf32>,
    %get3A_1811 = vector.shape_cast %get3A_1810 : vector<16xf32> to vector<16xf32>
    %eq3A_1812 = arith.constant 14 : i32
    %eq3A_1813 = vector.broadcast %eq3A_1812 : i32 to vector<16xi32>
    %eq3A_1814 = arith.cmpi eq, %convert_element_type3A_1708, %eq3A_1813 : vector<16xi32>
    %select_n3A_1815 = arith.select %eq3A_1814, %get3A_1811, %select_n3A_1808 : vector<16xi1>, vector<16xf32>
    %get3A_1816 = arith.constant 4064 : index
    %get3A_1817 = tpu.vector_load %arg4[%get3A_1816] {strides = array<i32>} : memref<4352xf32, #tpu.memory_space<vmem>>, vector<16xf32>,
    %get3A_1818 = vector.shape_cast %get3A_1817 : vector<16xf32> to vector<16xf32>
    %eq3A_1819 = arith.constant 15 : i32
    %eq3A_1820 = vector.broadcast %eq3A_1819 : i32 to vector<16xi32>
    %eq3A_1821 = arith.cmpi eq, %convert_element_type3A_1708, %eq3A_1820 : vector<16xi32>
    %select_n3A_1822 = arith.select %eq3A_1821, %get3A_1818, %select_n3A_1815 : vector<16xi1>, vector<16xf32>
    %swap3A_1823 = arith.constant 224 : index
    %swap3A_1824 = tpu.vector_load %arg5[%swap3A_1823] {strides = array<i32>} : memref<256xf32, #tpu.memory_space<vmem>>, vector<16xf32>,
    %swap3A_1825 = vector.shape_cast %swap3A_1824 : vector<16xf32> to vector<16xf32>
    %swap3A_1826 = vector.shape_cast %select_n3A_1822 : vector<16xf32> to vector<16xf32>
    tpu.vector_store %arg5[%swap3A_1823], %swap3A_1826 {strides = array<i32>} : memref<256xf32, #tpu.memory_space<vmem>>, vector<16xf32>,
    %get3A_1827 = arith.constant 4336 : index
    %get3A_1828 = tpu.vector_load %arg4[%get3A_1827] {strides = array<i32>} : memref<4352xf32, #tpu.memory_space<vmem>>, vector<16xf32>,
    %get3A_1829 = vector.shape_cast %get3A_1828 : vector<16xf32> to vector<16xf32>
    %convert_element_type3A_1830 = arith.fptosi %get3A_1829 : vector<16xf32> to vector<16xi32>
    %broadcast_in_dim3A_1831 = arith.constant 0.000000e+00 : f32
    %broadcast_in_dim3A_1832 = vector.broadcast %broadcast_in_dim3A_1831 : f32 to vector<16xf32>
    %get3A_1833 = arith.constant 240 : index
    %get3A_1834 = tpu.vector_load %arg4[%get3A_1833] {strides = array<i32>} : memref<4352xf32, #tpu.memory_space<vmem>>, vector<16xf32>,
    %get3A_1835 = vector.shape_cast %get3A_1834 : vector<16xf32> to vector<16xf32>
    %eq3A_1836 = arith.constant 0 : i32
    %eq3A_1837 = vector.broadcast %eq3A_1836 : i32 to vector<16xi32>
    %eq3A_1838 = arith.cmpi eq, %convert_element_type3A_1830, %eq3A_1837 : vector<16xi32>
    %select_n3A_1839 = arith.select %eq3A_1838, %get3A_1835, %broadcast_in_dim3A_1832 : vector<16xi1>, vector<16xf32>
    %get3A_1840 = arith.constant 496 : index
    %get3A_1841 = tpu.vector_load %arg4[%get3A_1840] {strides = array<i32>} : memref<4352xf32, #tpu.memory_space<vmem>>, vector<16xf32>,
    %get3A_1842 = vector.shape_cast %get3A_1841 : vector<16xf32> to vector<16xf32>
    %eq3A_1843 = arith.constant 1 : i32
    %eq3A_1844 = vector.broadcast %eq3A_1843 : i32 to vector<16xi32>
    %eq3A_1845 = arith.cmpi eq, %convert_element_type3A_1830, %eq3A_1844 : vector<16xi32>
    %select_n3A_1846 = arith.select %eq3A_1845, %get3A_1842, %select_n3A_1839 : vector<16xi1>, vector<16xf32>
    %get3A_1847 = arith.constant 752 : index
    %get3A_1848 = tpu.vector_load %arg4[%get3A_1847] {strides = array<i32>} : memref<4352xf32, #tpu.memory_space<vmem>>, vector<16xf32>,
    %get3A_1849 = vector.shape_cast %get3A_1848 : vector<16xf32> to vector<16xf32>
    %eq3A_1850 = arith.constant 2 : i32
    %eq3A_1851 = vector.broadcast %eq3A_1850 : i32 to vector<16xi32>
    %eq3A_1852 = arith.cmpi eq, %convert_element_type3A_1830, %eq3A_1851 : vector<16xi32>
    %select_n3A_1853 = arith.select %eq3A_1852, %get3A_1849, %select_n3A_1846 : vector<16xi1>, vector<16xf32>
    %get3A_1854 = arith.constant 1008 : index
    %get3A_1855 = tpu.vector_load %arg4[%get3A_1854] {strides = array<i32>} : memref<4352xf32, #tpu.memory_space<vmem>>, vector<16xf32>,
    %get3A_1856 = vector.shape_cast %get3A_1855 : vector<16xf32> to vector<16xf32>
    %eq3A_1857 = arith.constant 3 : i32
    %eq3A_1858 = vector.broadcast %eq3A_1857 : i32 to vector<16xi32>
    %eq3A_1859 = arith.cmpi eq, %convert_element_type3A_1830, %eq3A_1858 : vector<16xi32>
    %select_n3A_1860 = arith.select %eq3A_1859, %get3A_1856, %select_n3A_1853 : vector<16xi1>, vector<16xf32>
    %get3A_1861 = arith.constant 1264 : index
    %get3A_1862 = tpu.vector_load %arg4[%get3A_1861] {strides = array<i32>} : memref<4352xf32, #tpu.memory_space<vmem>>, vector<16xf32>,
    %get3A_1863 = vector.shape_cast %get3A_1862 : vector<16xf32> to vector<16xf32>
    %eq3A_1864 = arith.constant 4 : i32
    %eq3A_1865 = vector.broadcast %eq3A_1864 : i32 to vector<16xi32>
    %eq3A_1866 = arith.cmpi eq, %convert_element_type3A_1830, %eq3A_1865 : vector<16xi32>
    %select_n3A_1867 = arith.select %eq3A_1866, %get3A_1863, %select_n3A_1860 : vector<16xi1>, vector<16xf32>
    %get3A_1868 = arith.constant 1520 : index
    %get3A_1869 = tpu.vector_load %arg4[%get3A_1868] {strides = array<i32>} : memref<4352xf32, #tpu.memory_space<vmem>>, vector<16xf32>,
    %get3A_1870 = vector.shape_cast %get3A_1869 : vector<16xf32> to vector<16xf32>
    %eq3A_1871 = arith.constant 5 : i32
    %eq3A_1872 = vector.broadcast %eq3A_1871 : i32 to vector<16xi32>
    %eq3A_1873 = arith.cmpi eq, %convert_element_type3A_1830, %eq3A_1872 : vector<16xi32>
    %select_n3A_1874 = arith.select %eq3A_1873, %get3A_1870, %select_n3A_1867 : vector<16xi1>, vector<16xf32>
    %get3A_1875 = arith.constant 1776 : index
    %get3A_1876 = tpu.vector_load %arg4[%get3A_1875] {strides = array<i32>} : memref<4352xf32, #tpu.memory_space<vmem>>, vector<16xf32>,
    %get3A_1877 = vector.shape_cast %get3A_1876 : vector<16xf32> to vector<16xf32>
    %eq3A_1878 = arith.constant 6 : i32
    %eq3A_1879 = vector.broadcast %eq3A_1878 : i32 to vector<16xi32>
    %eq3A_1880 = arith.cmpi eq, %convert_element_type3A_1830, %eq3A_1879 : vector<16xi32>
    %select_n3A_1881 = arith.select %eq3A_1880, %get3A_1877, %select_n3A_1874 : vector<16xi1>, vector<16xf32>
    %get3A_1882 = arith.constant 2032 : index
    %get3A_1883 = tpu.vector_load %arg4[%get3A_1882] {strides = array<i32>} : memref<4352xf32, #tpu.memory_space<vmem>>, vector<16xf32>,
    %get3A_1884 = vector.shape_cast %get3A_1883 : vector<16xf32> to vector<16xf32>
    %eq3A_1885 = arith.constant 7 : i32
    %eq3A_1886 = vector.broadcast %eq3A_1885 : i32 to vector<16xi32>
    %eq3A_1887 = arith.cmpi eq, %convert_element_type3A_1830, %eq3A_1886 : vector<16xi32>
    %select_n3A_1888 = arith.select %eq3A_1887, %get3A_1884, %select_n3A_1881 : vector<16xi1>, vector<16xf32>
    %get3A_1889 = arith.constant 2288 : index
    %get3A_1890 = tpu.vector_load %arg4[%get3A_1889] {strides = array<i32>} : memref<4352xf32, #tpu.memory_space<vmem>>, vector<16xf32>,
    %get3A_1891 = vector.shape_cast %get3A_1890 : vector<16xf32> to vector<16xf32>
    %eq3A_1892 = arith.constant 8 : i32
    %eq3A_1893 = vector.broadcast %eq3A_1892 : i32 to vector<16xi32>
    %eq3A_1894 = arith.cmpi eq, %convert_element_type3A_1830, %eq3A_1893 : vector<16xi32>
    %select_n3A_1895 = arith.select %eq3A_1894, %get3A_1891, %select_n3A_1888 : vector<16xi1>, vector<16xf32>
    %get3A_1896 = arith.constant 2544 : index
    %get3A_1897 = tpu.vector_load %arg4[%get3A_1896] {strides = array<i32>} : memref<4352xf32, #tpu.memory_space<vmem>>, vector<16xf32>,
    %get3A_1898 = vector.shape_cast %get3A_1897 : vector<16xf32> to vector<16xf32>
    %eq3A_1899 = arith.constant 9 : i32
    %eq3A_1900 = vector.broadcast %eq3A_1899 : i32 to vector<16xi32>
    %eq3A_1901 = arith.cmpi eq, %convert_element_type3A_1830, %eq3A_1900 : vector<16xi32>
    %select_n3A_1902 = arith.select %eq3A_1901, %get3A_1898, %select_n3A_1895 : vector<16xi1>, vector<16xf32>
    %get3A_1903 = arith.constant 2800 : index
    %get3A_1904 = tpu.vector_load %arg4[%get3A_1903] {strides = array<i32>} : memref<4352xf32, #tpu.memory_space<vmem>>, vector<16xf32>,
    %get3A_1905 = vector.shape_cast %get3A_1904 : vector<16xf32> to vector<16xf32>
    %eq3A_1906 = arith.constant 10 : i32
    %eq3A_1907 = vector.broadcast %eq3A_1906 : i32 to vector<16xi32>
    %eq3A_1908 = arith.cmpi eq, %convert_element_type3A_1830, %eq3A_1907 : vector<16xi32>
    %select_n3A_1909 = arith.select %eq3A_1908, %get3A_1905, %select_n3A_1902 : vector<16xi1>, vector<16xf32>
    %get3A_1910 = arith.constant 3056 : index
    %get3A_1911 = tpu.vector_load %arg4[%get3A_1910] {strides = array<i32>} : memref<4352xf32, #tpu.memory_space<vmem>>, vector<16xf32>,
    %get3A_1912 = vector.shape_cast %get3A_1911 : vector<16xf32> to vector<16xf32>
    %eq3A_1913 = arith.constant 11 : i32
    %eq3A_1914 = vector.broadcast %eq3A_1913 : i32 to vector<16xi32>
    %eq3A_1915 = arith.cmpi eq, %convert_element_type3A_1830, %eq3A_1914 : vector<16xi32>
    %select_n3A_1916 = arith.select %eq3A_1915, %get3A_1912, %select_n3A_1909 : vector<16xi1>, vector<16xf32>
    %get3A_1917 = arith.constant 3312 : index
    %get3A_1918 = tpu.vector_load %arg4[%get3A_1917] {strides = array<i32>} : memref<4352xf32, #tpu.memory_space<vmem>>, vector<16xf32>,
    %get3A_1919 = vector.shape_cast %get3A_1918 : vector<16xf32> to vector<16xf32>
    %eq3A_1920 = arith.constant 12 : i32
    %eq3A_1921 = vector.broadcast %eq3A_1920 : i32 to vector<16xi32>
    %eq3A_1922 = arith.cmpi eq, %convert_element_type3A_1830, %eq3A_1921 : vector<16xi32>
    %select_n3A_1923 = arith.select %eq3A_1922, %get3A_1919, %select_n3A_1916 : vector<16xi1>, vector<16xf32>
    %get3A_1924 = arith.constant 3568 : index
    %get3A_1925 = tpu.vector_load %arg4[%get3A_1924] {strides = array<i32>} : memref<4352xf32, #tpu.memory_space<vmem>>, vector<16xf32>,
    %get3A_1926 = vector.shape_cast %get3A_1925 : vector<16xf32> to vector<16xf32>
    %eq3A_1927 = arith.constant 13 : i32
    %eq3A_1928 = vector.broadcast %eq3A_1927 : i32 to vector<16xi32>
    %eq3A_1929 = arith.cmpi eq, %convert_element_type3A_1830, %eq3A_1928 : vector<16xi32>
    %select_n3A_1930 = arith.select %eq3A_1929, %get3A_1926, %select_n3A_1923 : vector<16xi1>, vector<16xf32>
    %get3A_1931 = arith.constant 3824 : index
    %get3A_1932 = tpu.vector_load %arg4[%get3A_1931] {strides = array<i32>} : memref<4352xf32, #tpu.memory_space<vmem>>, vector<16xf32>,
    %get3A_1933 = vector.shape_cast %get3A_1932 : vector<16xf32> to vector<16xf32>
    %eq3A_1934 = arith.constant 14 : i32
    %eq3A_1935 = vector.broadcast %eq3A_1934 : i32 to vector<16xi32>
    %eq3A_1936 = arith.cmpi eq, %convert_element_type3A_1830, %eq3A_1935 : vector<16xi32>
    %select_n3A_1937 = arith.select %eq3A_1936, %get3A_1933, %select_n3A_1930 : vector<16xi1>, vector<16xf32>
    %get3A_1938 = arith.constant 4080 : index
    %get3A_1939 = tpu.vector_load %arg4[%get3A_1938] {strides = array<i32>} : memref<4352xf32, #tpu.memory_space<vmem>>, vector<16xf32>,
    %get3A_1940 = vector.shape_cast %get3A_1939 : vector<16xf32> to vector<16xf32>
    %eq3A_1941 = arith.constant 15 : i32
    %eq3A_1942 = vector.broadcast %eq3A_1941 : i32 to vector<16xi32>
    %eq3A_1943 = arith.cmpi eq, %convert_element_type3A_1830, %eq3A_1942 : vector<16xi32>
    %select_n3A_1944 = arith.select %eq3A_1943, %get3A_1940, %select_n3A_1937 : vector<16xi1>, vector<16xf32>
    %swap3A_1945 = arith.constant 240 : index
    %swap3A_1946 = tpu.vector_load %arg5[%swap3A_1945] {strides = array<i32>} : memref<256xf32, #tpu.memory_space<vmem>>, vector<16xf32>,
    %swap3A_1947 = vector.shape_cast %swap3A_1946 : vector<16xf32> to vector<16xf32>
    %swap3A_1948 = vector.shape_cast %select_n3A_1944 : vector<16xf32> to vector<16xf32>
    tpu.vector_store %arg5[%swap3A_1945], %swap3A_1948 {strides = array<i32>} : memref<256xf32, #tpu.memory_space<vmem>>, vector<16xf32>,
    "tpu.region"() ({
      %run_scoped3A_1949 = tpu.sem_alloc : memref<!tpu.dma_semaphore, #tpu.memory_space<semaphore_mem>>
      %dma_start3A = tpu.memref_slice %arg3[%mul3A_2] : memref<4096xf32, #tpu.memory_space<hbm>> -> memref<256xf32, #tpu.memory_space<hbm>>
      %dma_start3A_1950 = tpu.memref_slice %arg3[%mul3A_2] : memref<4096xf32, #tpu.memory_space<hbm>> -> memref<256xf32, #tpu.memory_space<hbm>>
      tpu.enqueue_dma source(%arg5 : memref<256xf32, #tpu.memory_space<vmem>>) target(%dma_start3A_1950 : memref<256xf32, #tpu.memory_space<hbm>>) target_semaphore(%run_scoped3A_1949 : memref<!tpu.dma_semaphore, #tpu.memory_space<semaphore_mem>>)
      %dma_wait3A = tpu.memref_slice %arg3[%mul3A_2] : memref<4096xf32, #tpu.memory_space<hbm>> -> memref<256xf32, #tpu.memory_space<hbm>>
      %dma_wait3A_1951 = tpu.memref_slice %arg3[%mul3A_2] : memref<4096xf32, #tpu.memory_space<hbm>> -> memref<256xf32, #tpu.memory_space<hbm>>
      tpu.wait_dma2 semaphore(%run_scoped3A_1949 : memref<!tpu.dma_semaphore, #tpu.memory_space<semaphore_mem>>) src(%arg5 : memref<256xf32, #tpu.memory_space<vmem>>) dst(%dma_wait3A_1951 : memref<256xf32, #tpu.memory_space<hbm>>)
      tpu.yield
    }) : () -> ()
    return
  }
}

module attributes {stable_mosaic.version = 14 : i64} {
  func.func @_tc_body(%arg0: i32, %arg1: memref<2048x512xf32, #tpu.memory_space<vmem>>, %arg2: memref<2048x512xf32, #tpu.memory_space<vmem>>, %arg3: memref<4x2048xf32, #tpu.memory_space<vmem>>, %arg4: memref<4x1xf32, #tpu.memory_space<vmem>>, %arg5: memref<16x2048xf32, #tpu.memory_space<vmem>>, %arg6: memref<4x1xf32, #tpu.memory_space<vmem>>, %arg7: memref<2x1x4352xf32, #tpu.memory_space<vmem>>) attributes {dimension_semantics = [#tpu.dimension_semantics<arbitrary>], iteration_bounds = array<i64: 8>, scalar_prefetch = 0 : i64, scratch_operands = 0 : i64, tpu.core_type = #tpu.core_type<tc>, window_params = [{transform_indices = @transform_0, window_bounds = array<i64: 2048, 512>}, {transform_indices = @transform_1, window_bounds = array<i64: 2048, 512>}, {pipeline_mode = #tpu.pipeline_mode<synchronous>, transform_indices = @transform_2, window_bounds = array<i64: 4, 2048>}, {pipeline_mode = #tpu.pipeline_mode<synchronous>, transform_indices = @transform_3, window_bounds = array<i64: 4, 1>}, {pipeline_mode = #tpu.pipeline_mode<synchronous>, transform_indices = @transform_4, window_bounds = array<i64: 16, 2048>}, {pipeline_mode = #tpu.pipeline_mode<synchronous>, transform_indices = @transform_5, window_bounds = array<i64: 4, 1>}, {transform_indices = @transform_6, window_bounds = array<i64: 2, 1, 4352>}]} {
    %get3A = arith.constant 0 : index
    %get3A_0 = arith.constant 0 : index
    %get3A_1 = vector.load %arg3[%get3A, %get3A_0] : memref<4x2048xf32, #tpu.memory_space<vmem>>, vector<4x2048xf32>
    %get3A_2 = arith.constant 0 : index
    %get3A_3 = arith.constant 0 : index
    %get3A_4 = vector.load %arg1[%get3A_2, %get3A_3] : memref<2048x512xf32, #tpu.memory_space<vmem>>, vector<2048x512xf32>
    %dot_general3A = arith.constant dense<0.000000e+00> : vector<4x512xf32>
    %dot_general3A_5 = tpu.matmul %get3A_1, %get3A_4, %dot_general3A {dimension_numbers = #tpu.dot_dimension_numbers<[1], [0], [0], [1], [0, 0, 1, 1], [], []>, transpose_lhs_hint = false} : vector<4x2048xf32>, vector<2048x512xf32>, vector<4x512xf32> -> vector<4x512xf32>
    %get3A_6 = arith.constant 0 : index
    %get3A_7 = arith.constant 0 : index
    %get3A_8 = vector.load %arg4[%get3A_6, %get3A_7] : memref<4x1xf32, #tpu.memory_space<vmem>>, vector<4x1xf32>
    %gt3A = vector.broadcast %get3A_8 : vector<4x1xf32> to vector<4x512xf32>
    %gt3A_9 = arith.cmpf ogt, %dot_general3A_5, %gt3A : vector<4x512xf32>
    %convert_element_type3A = arith.extui %gt3A_9 : vector<4x512xi1> to vector<4x512xi32>
    %convert_element_type3A_10 = arith.sitofp %convert_element_type3A : vector<4x512xi32> to vector<4x512xf32>
    %get3A_11 = arith.constant 0 : index
    %get3A_12 = arith.constant 0 : index
    %get3A_13 = vector.load %arg6[%get3A_11, %get3A_12] : memref<4x1xf32, #tpu.memory_space<vmem>>, vector<4x1xf32>
    %mul3A = vector.broadcast %get3A_13 : vector<4x1xf32> to vector<4x512xf32>
    %mul3A_14 = arith.mulf %convert_element_type3A_10, %mul3A : vector<4x512xf32>
    %reduce_sum3A = arith.constant dense<0.000000e+00> : vector<512xf32>
    %reduce_sum3A_15 = vector.multi_reduction <add>, %mul3A_14, %reduce_sum3A [0] : vector<4x512xf32> to vector<512xf32>
    %get3A_16 = arith.constant 0 : index
    %get3A_17 = arith.constant 0 : index
    %get3A_18 = vector.load %arg5[%get3A_16, %get3A_17] : memref<16x2048xf32, #tpu.memory_space<vmem>>, vector<16x2048xf32>
    %get3A_19 = arith.constant 0 : index
    %get3A_20 = arith.constant 0 : index
    %get3A_21 = vector.load %arg2[%get3A_19, %get3A_20] : memref<2048x512xf32, #tpu.memory_space<vmem>>, vector<2048x512xf32>
    %dot_general3A_22 = arith.constant dense<0.000000e+00> : vector<16x512xf32>
    %dot_general3A_23 = tpu.matmul %get3A_18, %get3A_21, %dot_general3A_22 {dimension_numbers = #tpu.dot_dimension_numbers<[1], [0], [0], [1], [0, 0, 1, 1], [], []>, transpose_lhs_hint = false} : vector<16x2048xf32>, vector<2048x512xf32>, vector<16x512xf32> -> vector<16x512xf32>
    %reshape3A = vector.shape_cast %dot_general3A_23 : vector<16x512xf32> to vector<16x2x256xf32>
    %transpose3A = tpu.transpose %reshape3A, [1, 0, 2] : vector<16x2x256xf32> -> vector<2x16x256xf32>
    %reshape3A_24 = vector.shape_cast %transpose3A : vector<2x16x256xf32> to vector<2x4096xf32>
    %reshape3A_25 = vector.shape_cast %reduce_sum3A_15 : vector<512xf32> to vector<2x256xf32>
    %concatenate3A = tpu.concatenate %reshape3A_24, %reshape3A_25 in 1 : vector<2x4096xf32>, vector<2x256xf32> -> vector<2x4352xf32>
    %reshape3A_26 = vector.shape_cast %concatenate3A : vector<2x4352xf32> to vector<2x1x4352xf32>
    %swap3A = arith.constant 0 : index
    %swap3A_27 = arith.constant 0 : index
    %swap3A_28 = arith.constant 0 : index
    %swap3A_29 = vector.load %arg7[%swap3A, %swap3A_27, %swap3A_28] : memref<2x1x4352xf32, #tpu.memory_space<vmem>>, vector<2x1x4352xf32>
    tpu.vector_store %arg7[%swap3A, %swap3A_27, %swap3A_28], %reshape3A_26 {strides = array<i32>} : memref<2x1x4352xf32, #tpu.memory_space<vmem>>, vector<2x1x4352xf32>,
    return
  }
  func.func @transform_0(%arg0: i32) -> (i32, i32) {
    %c0_i32 = arith.constant 0 : i32
    %c0_i32_0 = arith.constant 0 : i32
    return %c0_i32, %arg0 : i32, i32
  }
  func.func @transform_1(%arg0: i32) -> (i32, i32) {
    %c0_i32 = arith.constant 0 : i32
    %c0_i32_0 = arith.constant 0 : i32
    return %c0_i32, %arg0 : i32, i32
  }
  func.func @transform_2(%arg0: i32) -> (i32, i32) {
    %c0_i32 = arith.constant 0 : i32
    %c0_i32_0 = arith.constant 0 : i32
    %c0_i32_1 = arith.constant 0 : i32
    return %c0_i32, %c0_i32_0 : i32, i32
  }
  func.func @transform_3(%arg0: i32) -> (i32, i32) {
    %c0_i32 = arith.constant 0 : i32
    %c0_i32_0 = arith.constant 0 : i32
    %c0_i32_1 = arith.constant 0 : i32
    return %c0_i32, %c0_i32_0 : i32, i32
  }
  func.func @transform_4(%arg0: i32) -> (i32, i32) {
    %c0_i32 = arith.constant 0 : i32
    %c0_i32_0 = arith.constant 0 : i32
    %c0_i32_1 = arith.constant 0 : i32
    return %c0_i32, %c0_i32_0 : i32, i32
  }
  func.func @transform_5(%arg0: i32) -> (i32, i32) {
    %c0_i32 = arith.constant 0 : i32
    %c0_i32_0 = arith.constant 0 : i32
    %c0_i32_1 = arith.constant 0 : i32
    return %c0_i32, %c0_i32_0 : i32, i32
  }
  func.func @transform_6(%arg0: i32) -> (i32, i32, i32) {
    %c0_i32 = arith.constant 0 : i32
    %c0_i32_0 = arith.constant 0 : i32
    %c0_i32_1 = arith.constant 0 : i32
    return %arg0, %c0_i32, %c0_i32_0 : i32, i32, i32
  }
}

</mosaic_0001>

<sc_bundles>
// kernel: kernel.4.cloned.1.call-start
scs
__scs_entry_jumppad:
0x0: {  	(pc) =	sbr.rel $0x88, $3  }
0x1: {  	(tag) =	ssettag $0x0;
	lr =	simm.s32 $0x1  }
0x2: {  	[smem:$0x3F9B] =	sst lr;
	_ =	strace $0xD0000000  }
0x3: {  	_ = 	snop  }
0x4: {  	_ = 	snop  }
0x5: {  	_ = 	snop  }
0x6: {  	_ = 	snop  }
0x7: {  	_ = 	snop  }
__scs_overlays_trampoline_lowered:
0x8: {  	[smem:$0x3FAA] =	sst s0  }
0x9: {  	[smem:$0x3FAB] =	sst s1  }
0xa: {  	[smem:$0x3FAC] =	sst s2  }
0xb: {  	[smem:$0x3FAD] =	sst s3  }
0xc: {  	[smem:$0x3FAE] =	sst s4  }
0xd: {  	[smem:$0x3FAF] =	sst s5  }
0xe: {  	[smem:$0x3FB0] =	sst s6  }
0xf: {  	[smem:$0x3FB1] =	sst s7  }
0x10: {  	[smem:$0x3FB2] =	sst s8  }
0x11: {  	[smem:$0x3FB3] =	sst s9;
	s0 =	simm.s32 @!p0 $0x0  }
0x12: {  	s1 =	sld [smem:$0x3F99];
	s0 =	simm.s32 @p0 $0x1  }
0x13: {  	[smem:$0x3FB4] =	sst s0;
	s0 =	simm.s32 @!p1 $0x0  }
0x14: {  	s2 =	sld [smem:$0x3F98];
	s0 =	simm.s32 @p1 $0x1  }
0x15: {  	[smem:$0x3FB5] =	sst s0;
	s0 =	simm.s32 @!p2 $0x0  }
0x16: {  	s3 =	sld [smem:$0x3FDB];
	s0 =	simm.s32 @p2 $0x1  }
0x17: {  	s4 =	simm.s32 $0x1BF5;
	[smem:$0x3FB7] =	sst s0  }
0x18: {  	s0 =	sld [smem:$0x3F9A];
	_ =	swait.ge [sflag:s4], $0x0  }
0x19: {  	s7 =	sld [smem:$0x3F9B]  }
0x1a: {  	s8 =	sadd.s32 $0xFFFFE003, lr  }
0x1b: {  	s9 =	sadd.s32 $0xFFFFFEF7, lr;
	s5 =	simm.s32 $0xFFFFFFFF;
	p2 =	slt.u32 s8, $0xFFFFF086  }
0x1c: {  	p1 =	slt.u32 s9, $0xF7A;
	s5 =	simm.s32 @!p2 $0x0  }
0x1d: {  	s5 =	simm.s32 @p1 $0x1;
	p0 =	seq.s32 s7, s2  }
0x1e: {  	s7 =	smul.u32 @!p0 $0xF7A, s2;
	p2 =	seq.s32 @!p0 s5, $0x0  }
0x1f: {  	s9 =	smul.u32 $0xF7A, s1;
	s8 =	simm.s32 @!p0 $0x1BF5;
	p2 =	por !p2, p0  }
0x20: {  	[sflag:s8] =	ssyncset.s32 @!p0 $0xFFFFF086;
	s6 =	sadd.s32 @!p0 s3, s7;
	s7 =	simm.s32 @!p0 $0x108  }
0x21: {  	s3 =	sadd.s32 s3, s9;
	s6 =	sadd.s32 @!p0 $0x88, s6;
	s7 =	simm.s32 @p2 $0x1082  }
0x22: {  	[simem:s7], [sflag:s8] =	dma.local @!p0 [hbm:s6], $0xF7A  }
0x23: {  	s9 =	sor.u32 $0xD0000000, s2;
	s6 =	simm.s32 $0x108;
	_ =	swait.ge @!p0 [sflag:s8], $0x0  }
0x24: {  	s3 =	sadd.s32 $0x88, s3;
	s6 =	simm.s32 @!p1 $0x1082;
	[sflag:s4] =	ssyncset.s32 $0xFFFFF086  }
0x25: {  	[simem:s6], [sflag:s4] =	dma.local [hbm:s3], $0xF7A  }
0x26: {  	[smem:$0x3F9B] =	sst s1;
	(tag) =	ssettag s2;
	_ =	strace s9  }
0x27: {  	s1 =	sld [smem:$0x3FAB]  }
0x28: {  	s2 =	sld [smem:$0x3FAC]  }
0x29: {  	s4 =	sld [smem:$0x3FAE]  }
0x2a: {  	p0 =	seq.s32 s5, $0x0;
	s5 =	sld [smem:$0x3FAF]  }
0x2b: {  	s6 =	sld [smem:$0x3FB0]  }
0x2c: {  	s7 =	sld [smem:$0x3FB1]  }
0x2d: {  	s3 =	simm.s32 $0x108;
	s8 =	sld [smem:$0x3FB2]  }
0x2e: {  	s3 =	simm.s32 @!p0 $0x1082;
	s9 =	sld [smem:$0x3FB3]  }
0x2f: {  	lr =	sadd.s32 s0, s3;
	s0 =	sld [smem:$0x3FAA]  }
0x30: {  	s3 =	sld [smem:$0x3FAD]  }
0x31: {  	[smem:$0x3FB6] =	sst s10  }
0x32: {  	s10 =	sld [smem:$0x3FB4];
	_ =	sdelay $0x3  }
0x33: {  	p0 =	seq.s32 s10, $0x1;
	s10 =	sld [smem:$0x3FB6];
	_ =	sdelay $0x3  }
0x34: {  	[smem:$0x3FB6] =	sst s10  }
0x35: {  	s10 =	sld [smem:$0x3FB5];
	_ =	sdelay $0x3  }
0x36: {  	p1 =	seq.s32 s10, $0x1;
	s10 =	sld [smem:$0x3FB6];
	_ =	sdelay $0x3  }
0x37: {  	[smem:$0x3FB6] =	sst s10  }
0x38: {  	s10 =	sld [smem:$0x3FB7]  }
0x39: {  	_ = 	snop;
	(pc) =	sbr.ind lr, $3  }
0x3a: {  	_ = 	snop  }
0x3b: {  	_ = 	snop  }
0x3c: {  	p2 =	seq.s32 s10, $0x1;
	s10 =	sld [smem:$0x3FB6]  }
0x3d: {  	_ =	shalt  }
0x3e: {  	_ =	shalt  }
0x3f: {  	_ =	shalt  }
0x40: {  	_ =	shalt  }
0x41: {  	_ =	shalt  }
0x42: {  	_ =	shalt  }
0x43: {  	_ =	shalt  }
0x44: {  	_ =	shalt  }
0x45: {  	_ =	shalt  }
0x46: {  	_ =	shalt  }
0x47: {  	_ =	shalt  }
0x48: {  	_ =	shalt  }
0x49: {  	_ =	shalt  }
0x4a: {  	_ =	shalt  }
0x4b: {  	_ =	shalt  }
0x4c: {  	_ =	shalt  }
0x4d: {  	_ =	shalt  }
0x4e: {  	_ =	shalt  }
0x4f: {  	_ =	shalt  }
0x50: {  	_ =	shalt  }
0x51: {  	_ =	shalt  }
0x52: {  	_ =	shalt  }
0x53: {  	_ =	shalt  }
0x54: {  	_ =	shalt  }
0x55: {  	_ =	shalt  }
0x56: {  	_ =	shalt  }
0x57: {  	_ =	shalt  }
0x58: {  	_ =	shalt  }
0x59: {  	_ =	shalt  }
0x5a: {  	_ =	shalt  }
0x5b: {  	_ =	shalt  }
0x5c: {  	_ =	shalt  }
0x5d: {  	_ =	shalt  }
0x5e: {  	_ =	shalt  }
0x5f: {  	_ =	shalt  }
0x60: {  	_ =	shalt  }
0x61: {  	_ =	shalt  }
0x62: {  	_ =	shalt  }
0x63: {  	_ =	shalt  }
0x64: {  	_ =	shalt  }
0x65: {  	_ =	shalt  }
0x66: {  	_ =	shalt  }
0x67: {  	_ =	shalt  }
0x68: {  	_ =	shalt  }
0x69: {  	_ =	shalt  }
0x6a: {  	_ =	shalt  }
0x6b: {  	_ =	shalt  }
0x6c: {  	_ =	shalt  }
0x6d: {  	_ =	shalt  }
0x6e: {  	_ =	shalt  }
0x6f: {  	_ =	shalt  }
0x70: {  	_ =	shalt  }
0x71: {  	_ =	shalt  }
0x72: {  	_ =	shalt  }
0x73: {  	_ =	shalt  }
0x74: {  	_ =	shalt  }
0x75: {  	_ =	shalt  }
0x76: {  	_ =	shalt  }
0x77: {  	_ =	shalt  }
0x78: {  	_ =	shalt  }
0x79: {  	_ =	shalt  }
0x7a: {  	_ =	shalt  }
0x7b: {  	_ =	shalt  }
0x7c: {  	_ =	shalt  }
0x7d: {  	_ =	shalt  }
0x7e: {  	_ =	shalt  }
0x7f: {  	_ =	shalt  }
0x80: {  	_ =	shalt  }
0x81: {  	_ =	shalt  }
0x82: {  	_ =	shalt  }
0x83: {  	_ =	shalt  }
0x84: {  	_ =	shalt  }
0x85: {  	_ =	shalt  }
0x86: {  	_ =	shalt  }
0x87: {  	_ =	shalt  }
.Lfunc_end0:
.L_simem_size_0:
called_computation_lowered:
.L_overlay_start_0:
0x88: {  	s0 =	sld [smem:$0x3FD9]  }
0x89: {  	s1 =	sld [smem:$0x3FFE];
	_ =	sdelay $0x3  }
0x8a: {  	s0 =	sadd.s32 s1, s0  }
0x8b: {  	[smem:$0x3FC2] =	sst s0  }
0x8c: {  	_ = 	snop  }
0x8d: {  	s0 =	sld [smem:$0x3FD0];
	(tm) =	ssettm $0x1  }
0x8e: {  	s16 =	sld [smem:$0x3FFB];
	_ =	sdelay $0x3  }
0x8f: {  	_ =	strace s16  }
0x90: {  	s1 =	sld [smem:$0x3FFC];
	_ =	sdelay $0x3  }
0x91: {  	_ =	strace s1  }
0x92: {  	s1 =	sld [smem:$0x3FFD];
	_ =	sdelay $0x3  }
0x93: {  	_ =	strace s1  }
0x94: {  	_ =	strace $0x8FFFFFFF  }
0x95: {  	s17 =	sld [smem:$0x3FDB];
	_ =	sdelay $0x1  }
0x96: {  	s2 =	simm.s32 $_scs_section_size  }
0x97: {  	s3 =	simm.s32 $_size__tile_overlayer_lowered;
	s4 =	simm.s32 $_tile_overlayer_lowered  }
0x98: {  	s20 =	simm.s32 $0x1BFF;
	s19 =	sshll.u32 s4, $0x1;
	s1 =	sadd.s32 s2, s17  }
0x99: {  	s5 =	simm.s32 $0x0;
	s18 =	sshll.u32 s3, $0x1;
	s3 =	sadd.s32 s19, s1  }
0x9a: {  	[timem:s5], [sflag:s20] =	dma.local [hbm:s3], s18  }
0x9b: {  	_ =	swait.ge [sflag:s20], s18  }
0x9c: {  	s2 =	ssub.s32 $0x0, s18;
	[sflag:s20] =	ssyncset.done $0x0  }
0x9d: {  	[sflag:s20] =	ssyncadd.s32 s2;
	_ =	sdelay $0x1  }
0x9e: {  	s21 =	simm.s32 $0x1B8B  }
0x9f: {  	_ =	swait.ge [sflag:s21], $0x1  }
0xa0: {  	[sflag:s21] =	ssyncset.done $0x0  }
0xa1: {  	s23 =	simm.s32 $0x1B8E;
	s22 =	sld [smem:$0x3FFE];
	[sflag:s21] =	ssyncadd.s32 $0xFFFFFFFF  }
0xa2: {  	s24 =	simm.s32 $execute0_lowered;
	[smem:$0x3FD2] =	sst s23  }
0xa3: {  	s3 =	sshll.u32 s24, $0x1;
	_ =	strace $0x80000046;
	[dreg:$0x1] =	wrdreg $0xFFFFFFFF  }
0xa4: {  	s25 =	simm.s32 $_size_execute0_lowered;
	s1 =	sadd.s32 s1, s3;
	[dreg:$0x0] =	wrdreg $0x0  }
0xa5: {  	s3 =	sshll.u32 s25, $0x1;
	[dreg:$0x2] =	wrdreg s1  }
0xa6: {  	[dreg:$0x3] =	wrdreg s3  }
0xa7: {  	[dreg:$0x4] =	wrdreg $0xC0  }
0xa8: {  	_ =	task [dreg:s5], $0x5FFFF  }
0xa9: {  	[dreg:$0x1] =	wrdreg $0xFFFFFFFF  }
0xaa: {  	[dreg:$0x0] =	wrdreg $0x60  }
0xab: {  	[dreg:$0x2] =	wrdreg s22  }
0xac: {  	[dreg:$0x3] =	wrdreg s0  }
0xad: {  	[dreg:$0x4] =	wrdreg $0x9  }
0xae: {  	_ =	task.clear_ibuf [dreg:s5], $0x5FFFF;
	_ =	strace $0x90000046  }
0xaf: {  	s26 =	simm.s32 $0x9;
	_ =	strace $0x80000048  }
0xb0: {  	_ =	swait.ge [sflag:s26], $0x1  }
0xb1: {  	[sflag:s26] =	ssyncadd.s32 $0xFFFFFFFF  }
0xb2: {  	_ =	strace $0x90000048  }
0xb3: {  	_ =	sfence  }
0xb4: {  	s28 =	sld [smem:$0x0];
	_ =	sdelay $0x1  }
0xb5: {  	s29 =	srdreg.scid  }
0xb6: {  	s30 =	sshll.u32 s29, $0xD;
	s31 =	sshrl.u32 s29, $0x2  }
0xb7: {  	s2 =	sand.u32 $0x4000, s30;
	s1 =	sand.u32 $0x1, s29;
	s0 =	sadd.s32 s31, s28  }
0xb8: {  	s1 =	sor.u32 s2, s1;
	s0 =	sshll.u32 s0, $0x11  }
0xb9: {  	s0 =	sor.u32 s0, s1  }
0xba: {  	s0 =	sadd.s32 $0x8F2B, s0  }
0xbb: {  	[sflag:s0] =	ssyncadd.remote.s32 $0x1  }
0xbc: {  	_ =	sfence.sel $0xFFFF  }
0xbd: {  	[dreg:$0x0] =	wrdreg $0xFFFFFFFF;
	(pc) =	sbr.abs _section_cstart, $3  }
0xbe: {  	[dreg:$0x1] =	wrdreg $0xFFFFFFFF  }
0xbf: {  	_ =	task.clear_ibuf [dreg:s5], $0x2FFFF;
	_ =	strace $0x9FFFFFFF  }
0xc0: {  	(tm) =	ssettm $0x7FFFFFFF  }
0xc1: {  	_ =	shalt  }
tec
execute0_lowered:
.L_overlay_start_1:
0x0: {  	(tag) =	ssettag $0x1  }
0x1: {  	s4 =	rddreg [dreg:$0x0];
	s0 =	stileid.u32  }
0x2: {  	s2 =	rddreg [dreg:$0x1];
	s5 =	smul.u32 $0x220, s0  }
0x3: {  	s1 =	rddreg [dreg:$0x2];
	s3 =	simm.s32 $0x0  }
0x4: {  	[smem:$0x7FF] =	sst s3;
	s4 =	sadd.s32 s5, s4  }
0x5: {  	s29 =	simm.s32 $0x1;
	_ =	strace $0x80000047;
	s4 =	sadd.s32 $0xA00, s4  }
0x6: {  	[tilespmem:s3], [sflag:$0x1] =	stream.linear.gather [hbm4b:s4+s3], $0x1100, $0x38;
	[tilespmem:$0x1200] =	vst v63  }
0x7: {  	_ =	swait.ge [sflag:s29], $0x1100  }
0x8: {  	[sflag:s29] =	ssyncset.done $0x0  }
0x9: {  	[sflag:s29] =	ssyncadd.s32 $0xFFFFEF00  }
0xa: {  	v58 =	vld [tilespmem:$0xC30];
	_ =	sdelay $0x4  }
0xb: {  	[tilespmem:$0x1FD20] =	vst v58;
	v58 =	vld [tilespmem:$0xE30];
	_ =	sdelay $0x4  }
0xc: {  	[tilespmem:$0x1FD80] =	vst v58;
	v58 =	vld [tilespmem:$0x140];
	_ =	sdelay $0x4  }
0xd: {  	[tilespmem:$0x1FD00] =	vst v58;
	v58 =	vld [tilespmem:$0x240];
	_ =	sdelay $0x2  }
0xe: {  	v38 =	vld [tilespmem:$0x1000]  }
0xf: {  	v39 =	vld [tilespmem:$0x0]  }
0x10: {  	[tilespmem:$0x1FD10] =	vst v58;
	v58 =	vld [tilespmem:$0x340]  }
0x11: {  	v40 =	vld [tilespmem:$0x100]  }
0x12: {  	v48 =	vld [tilespmem:$0x200]  }
0x13: {  	v0 =	vld [tilespmem:$0x300]  }
0x14: {  	v2 =	vld [tilespmem:$0x400]  }
0x15: {  	[tilespmem:$0x1FD30] =	vst v58;
	v58 =	vld [tilespmem:$0x440]  }
0x16: {  	v3 =	vld [tilespmem:$0x500]  }
0x17: {  	v4 =	vld [tilespmem:$0x600]  }
0x18: {  	v5 =	vld [tilespmem:$0x700]  }
0x19: {  	v6 =	vld [tilespmem:$0x800]  }
0x1a: {  	[tilespmem:$0x1FD40] =	vst v58;
	v58 =	vld [tilespmem:$0x540]  }
0x1b: {  	v8 =	vld [tilespmem:$0x900]  }
0x1c: {  	v9 =	vld [tilespmem:$0xA00]  }
0x1d: {  	v12 =	vld [tilespmem:$0xB00]  }
0x1e: {  	v32 =	vld [tilespmem:$0xC00]  }
0x1f: {  	[tilespmem:$0x1FD60] =	vst v58;
	v58 =	vld [tilespmem:$0x640]  }
0x20: {  	v33 =	vld [tilespmem:$0xD00]  }
0x21: {  	v34 =	vld [tilespmem:$0xE00]  }
0x22: {  	v26 =	vld [tilespmem:$0xF00]  }
0x23: {  	v1 =	vld [tilespmem:$0x1010]  }
0x24: {  	[tilespmem:$0x1FD70] =	vst v58;
	v58 =	vld [tilespmem:$0x740]  }
0x25: {  	v7 =	vld [tilespmem:$0x10]  }
0x26: {  	v10 =	vld [tilespmem:$0x110]  }
0x27: {  	v11 =	vld [tilespmem:$0x210]  }
0x28: {  	v13 =	vld [tilespmem:$0x310]  }
0x29: {  	[tilespmem:$0x1FD90] =	vst v58;
	v58 =	vld [tilespmem:$0x840]  }
0x2a: {  	v14 =	vld [tilespmem:$0x410]  }
0x2b: {  	v15 =	vld [tilespmem:$0x510]  }
0x2c: {  	v41 =	vld [tilespmem:$0x610]  }
0x2d: {  	v42 =	vld [tilespmem:$0x710]  }
0x2e: {  	[tilespmem:$0x1FDA0] =	vst v58;
	v58 =	vld [tilespmem:$0x940]  }
0x2f: {  	v17 =	vld [tilespmem:$0x810]  }
0x30: {  	v35 =	vld [tilespmem:$0x910]  }
0x31: {  	v18 =	vld [tilespmem:$0xA10]  }
0x32: {  	v20 =	vld [tilespmem:$0xB10]  }
0x33: {  	[tilespmem:$0x1FDC0] =	vst v58;
	v58 =	vld [tilespmem:$0xA40]  }
0x34: {  	v23 =	vld [tilespmem:$0xC10]  }
0x35: {  	v27 =	vld [tilespmem:$0xD10]  }
0x36: {  	v29 =	vld [tilespmem:$0xE10]  }
0x37: {  	v62 =	vld [tilespmem:$0xF10]  }
0x38: {  	[tilespmem:$0x1FDD0] =	vst v58;
	v58 =	vld [tilespmem:$0xB40]  }
0x39: {  	v16 =	vld [tilespmem:$0x1020]  }
0x3a: {  	v19 =	vld [tilespmem:$0x20]  }
0x3b: {  	v21 =	vld [tilespmem:$0x120]  }
0x3c: {  	v22 =	vld [tilespmem:$0x220]  }
0x3d: {  	[tilespmem:$0x1FDF0] =	vst v58;
	v58 =	vld [tilespmem:$0xC40]  }
0x3e: {  	v24 =	vld [tilespmem:$0x320]  }
0x3f: {  	v59 =	vld [tilespmem:$0x420]  }
0x40: {  	v60 =	vld [tilespmem:$0x520]  }
0x41: {  	v28 =	vld [tilespmem:$0x620]  }
0x42: {  	[tilespmem:$0x1FE10] =	vst v58;
	v58 =	vld [tilespmem:$0xD40]  }
0x43: {  	v61 =	vld [tilespmem:$0x720]  }
0x44: {  	v30 =	vld [tilespmem:$0x820]  }
0x45: {  	v36 =	vld [tilespmem:$0x920]  }
0x46: {  	v63 =	vld [tilespmem:$0xA20]  }
0x47: {  	[tilespmem:$0x1FE40] =	vst v58;
	v58 =	vld [tilespmem:$0xE40]  }
0x48: {  	v43 =	vld [tilespmem:$0xB20]  }
0x49: {  	v46 =	vld [tilespmem:$0xC20]  }
0x4a: {  	v50 =	vld [tilespmem:$0xD20]  }
0x4b: {  	v53 =	vld [tilespmem:$0xE20]  }
0x4c: {  	[tilespmem:$0x1FE70] =	vst v58;
	v58 =	vld [tilespmem:$0xF40]  }
0x4d: {  	v25 =	vld [tilespmem:$0xF20]  }
0x4e: {  	v31 =	vld [tilespmem:$0x30]  }
0x4f: {  	v37 =	vld [tilespmem:$0x130]  }
0x50: {  	v44 =	vld [tilespmem:$0x230]  }
0x51: {  	[tilespmem:$0x1FEC0] =	vst v58;
	v58 =	vld [tilespmem:$0x1050]  }
0x52: {  	v45 =	vld [tilespmem:$0x330]  }
0x53: {  	v47 =	vld [tilespmem:$0x430]  }
0x54: {  	v56 =	vld [tilespmem:$0x530]  }
0x55: {  	v54 =	vld [tilespmem:$0x630]  }
0x56: {  	[tilespmem:$0x1FDB0] =	vst v58;
	v58 =	vld [tilespmem:$0x50]  }
0x57: {  	v55 =	vld [tilespmem:$0xB30]  }
0x58: {  	v51 =	vld [tilespmem:$0x730]  }
0x59: {  	v52 =	vld [tilespmem:$0x830]  }
0x5a: {  	v49 =	vld [tilespmem:$0xA30]  }
0x5b: {  	[tilespmem:$0x1FE00] =	vst v58;
	v58 =	vld [tilespmem:$0x150]  }
0x5c: {  	[tilespmem:$0x1FCF0] =	vst v55;
	v55 =	vld [tilespmem:$0xD30]  }
0x5d: {  	v57 =	vld [tilespmem:$0x930];
	v38 =	vtrunc.f32 v38  }
0x5e: {  	[tilespmem:$0x1FCD0] =	vst v25;
	v25 =	vld [tilespmem:$0x1030];
	v38 =	vcvt.f32.s32 v38  }
0x5f: {  	[tilespmem:$0x1FCE0] =	vst v49;
	v49 =	vld [tilespmem:$0x1040]  }
0x60: {  	vm0 =	veq.s32 v38, $0x0;
	[tilespmem:$0x1FE20] =	vst v58;
	v58 =	vld [tilespmem:$0x250]  }
0x61: {  	v1 =	vtrunc.f32 v1;
	vm14 =	veq.s32 v38, $0x1;
	v39 =	vnsel vm0, $0x0, v39;
	[tilespmem:$0x1FD50] =	vst v55;
	v55 =	vld [tilespmem:$0xF30]  }
0x62: {  	v1 =	vcvt.f32.s32 v1;
	vm15 =	veq.s32 v38, $0x2;
	v39 =	vsel vm14, v40, v39;
	v40 =	vld [tilespmem:$0xB50]  }
0x63: {  	vm4 =	veq.s32 v38, $0x3;
	v39 =	vsel vm15, v48, v39;
	v48 =	vld [tilespmem:$0x950]  }
0x64: {  	vm12 =	veq.s32 v1, $0x0;
	v0 =	vsel vm4, v0, v39;
	v39 =	vld [tilespmem:$0x360]  }
0x65: {  	vm5 =	veq.s32 v38, $0x4;
	vm13 =	veq.s32 v1, $0x1;
	v7 =	vnsel vm12, $0x0, v7;
	[tilespmem:$0x1FE30] =	vst v58;
	v58 =	vld [tilespmem:$0x350]  }
0x66: {  	v0 =	vsel vm5, v2, v0;
	v2 =	vsel vm13, v10, v7;
	v7 =	vld [tilespmem:$0xC60]  }
0x67: {  	vm14 =	veq.s32 v1, $0x2;
	v10 =	vld [tilespmem:$0xD60]  }
0x68: {  	v2 =	vsel vm14, v11, v2;
	v11 =	vld [tilespmem:$0xE60]  }
0x69: {  	vm6 =	veq.s32 v38, $0x5;
	[tilespmem:$0x1FDE0] =	vst v55;
	v55 =	vld [tilespmem:$0x40]  }
0x6a: {  	vm7 =	veq.s32 v38, $0x6;
	v0 =	vsel vm6, v3, v0;
	[tilespmem:$0x1FE50] =	vst v58;
	v58 =	vld [tilespmem:$0x450]  }
0x6b: {  	v0 =	vsel vm7, v4, v0;
	v4 =	vld [tilespmem:$0xE50]  }
0x6c: {  	vm8 =	veq.s32 v38, $0x7;
	vm9 =	veq.s32 v38, $0x8;
	vm10 =	veq.s32 v38, $0x9;
	[tilespmem:$0x1FEF0] =	vst v40;
	v40 =	vld [tilespmem:$0x560]  }
0x6d: {  	vm11 =	veq.s32 v38, $0xA;
	vm1 =	veq.s32 v38, $0xB;
	vm15 =	veq.s32 v38, $0xC;
	[tilespmem:$0x1FED0] =	vst v48;
	v48 =	vld [tilespmem:$0xC50]  }
0x6e: {  	vm4 =	veq.s32 v1, $0x3;
	vm5 =	veq.s32 v1, $0x4;
	v0 =	vsel vm8, v5, v0;
	v5 =	vld [tilespmem:$0xF50]  }
0x6f: {  	vm6 =	veq.s32 v38, $0xD;
	vm14 =	veq.s32 v38, $0xF;
	v2 =	vsel vm4, v13, v2;
	[tilespmem:$0x1FE60] =	vst v58;
	v58 =	vld [tilespmem:$0x550]  }
0x70: {  	vm7 =	veq.s32 v1, $0x5;
	v2 =	vsel vm5, v14, v2;
	v0 =	vsel vm9, v6, v0;
	v6 =	vld [tilespmem:$0x60]  }
0x71: {  	vm8 =	veq.s32 v1, $0x6;
	v2 =	vsel vm7, v15, v2;
	vm9 =	veq.s32 v38, $0xE;
	v38 =	vld [tilespmem:$0xB60]  }
0x72: {  	v2 =	vsel vm8, v41, v2;
	v41 =	vld [tilespmem:$0x760]  }
0x73: {  	[tilespmem:$0x1FF80] =	vst v10;
	v10 =	vld [tilespmem:$0x380]  }
0x74: {  	[tilespmem:$0x1FE80] =	vst v58;
	v58 =	vld [tilespmem:$0x650]  }
0x75: {  	v0 =	vsel vm10, v8, v0;
	[tilespmem:$0x1FF70] =	vst v7;
	v7 =	vld [tilespmem:$0x780]  }
0x76: {  	vm10 =	veq.s32 v1, $0x7;
	v0 =	vsel vm11, v9, v0;
	v9 =	vld [tilespmem:$0x160]  }
0x77: {  	v2 =	vsel vm10, v42, v2;
	v42 =	vld [tilespmem:$0x860]  }
0x78: {  	[tilespmem:$0x1FF90] =	vst v11;
	v11 =	vld [tilespmem:$0x270]  }
0x79: {  	[tilespmem:$0x1FE90] =	vst v58;
	v58 =	vld [tilespmem:$0x750]  }
0x7a: {  	v0 =	vsel vm1, v12, v0;
	v12 =	vld [tilespmem:$0x260]  }
0x7b: {  	vm11 =	veq.s32 v1, $0x8;
	[tilespmem:$0x1FF10] =	vst v48;
	v48 =	vld [tilespmem:$0x1060]  }
0x7c: {  	vm12 =	veq.s32 v1, $0x9;
	v2 =	vsel vm11, v17, v2;
	v0 =	vsel vm15, v32, v0;
	v32 =	vld [tilespmem:$0x460]  }
0x7d: {  	v2 =	vsel vm12, v35, v2;
	v35 =	vld [tilespmem:$0xA60]  }
0x7e: {  	v17 =	vtrunc.f32 v16;
	[tilespmem:$0x1FEA0] =	vst v58;
	v58 =	vld [tilespmem:$0x850]  }
0x7f: {  	v3 =	vcvt.f32.s32 v17;
	v17 =	vtrunc.f32 v49;
	v49 =	vld [tilespmem:$0xE70]  }
0x80: {  	vm13 =	veq.s32 v1, $0xA;
	v0 =	vsel vm6, v33, v0;
	v33 =	vld [tilespmem:$0x660]  }
0x81: {  	v2 =	vsel vm13, v18, v2;
	v18 =	vld [tilespmem:$0xF70]  }
0x82: {  	[tilespmem:$0x1FF00] =	vst v6;
	v6 =	vld [tilespmem:$0x1080]  }
0x83: {  	[tilespmem:$0x1FEB0] =	vst v58;
	v58 =	vld [tilespmem:$0xA50]  }
0x84: {  	[tilespmem:$0x1FF60] =	vst v38;
	v38 =	vld [tilespmem:$0x1FD50]  }
0x85: {  	v0 =	vsel vm9, v34, v0;
	v34 =	vld [tilespmem:$0x960]  }
0x86: {  	vm4 =	veq.s32 v3, $0x0;
	[tilespmem:$0x1FF20] =	vst v12;
	v12 =	vld [tilespmem:$0xF60]  }
0x87: {  	v8 =	vnsel vm4, $0x0, v19;
	v19 =	vld [tilespmem:$0x470]  }
0x88: {  	[tilespmem:$0x1FEE0] =	vst v58;
	v58 =	vld [tilespmem:$0xD50]  }
0x89: {  	v0 =	vsel vm14, v26, v0;
	v26 =	vld [tilespmem:$0x1FCF0]  }
0x8a: {  	[tilespmem:$0x1FFB0] =	vst v18;
	v18 =	vld [tilespmem:$0x1FDE0]  }
0x8b: {  	[tilespmem:$0x1FFA0] =	vst v12;
	v12 =	vld [tilespmem:$0x970]  }
0x8c: {  	[tilespmem:$0x1FF50] =	vst v5;
	vm15 =	veq.s32 v1, $0xB;
	vm6 =	veq.s32 v3, $0x1;
	v5 =	vld [tilespmem:$0x1FDD0]  }
0x8d: {  	[tilespmem:$0x1FF30] =	vst v58;
	v58 =	vsel vm15, v20, v2;
	v2 =	vsel vm6, v21, v8;
	v21 =	vld [tilespmem:$0x1FCD0]  }
0x8e: {  	vm7 =	veq.s32 v3, $0x2;
	v8 =	vld [tilespmem:$0x180]  }
0x8f: {  	vm5 =	veq.s32 v1, $0xC;
	v2 =	vsel vm7, v22, v2;
	v22 =	vld [tilespmem:$0x770]  }
0x90: {  	[tilespmem:$0x1FFC0] =	vst v0;
	v0 =	vsel vm5, v23, v58;
	v23 =	vld [tilespmem:$0x1FCE0]  }
0x91: {  	vm8 =	veq.s32 v1, $0xD;
	v58 =	vld [tilespmem:$0x1FDC0]  }
0x92: {  	vm9 =	veq.s32 v3, $0x3;
	v0 =	vsel vm8, v27, v0;
	v27 =	vld [tilespmem:$0x1070]  }
0x93: {  	vm10 =	veq.s32 v3, $0x4;
	v2 =	vsel vm9, v24, v2;
	v24 =	vld [tilespmem:$0xB70]  }
0x94: {  	vm11 =	veq.s32 v1, $0xE;
	v2 =	vsel vm10, v59, v2;
	v59 =	vld [tilespmem:$0x70]  }
0x95: {  	vm12 =	veq.s32 v3, $0x5;
	v0 =	vsel vm11, v29, v0;
	v29 =	vld [tilespmem:$0x1FD10]  }
0x96: {  	vm14 =	veq.s32 v1, $0xF;
	v2 =	vsel vm12, v60, v2;
	v60 =	vld [tilespmem:$0x170]  }
0x97: {  	v14 =	vtrunc.f32 v25;
	vm13 =	veq.s32 v3, $0x6;
	v0 =	vsel vm14, v62, v0;
	v62 =	vld [tilespmem:$0x570]  }
0x98: {  	v13 =	vsel vm13, v28, v2;
	v2 =	vcvt.f32.s32 v14;
	v14 =	vld [tilespmem:$0x80]  }
0x99: {  	vm15 =	veq.s32 v3, $0x7;
	v28 =	vld [tilespmem:$0x1FD00]  }
0x9a: {  	vm4 =	veq.s32 v3, $0x8;
	v1 =	vsel vm15, v61, v13;
	v61 =	vld [tilespmem:$0x370]  }
0x9b: {  	vm5 =	veq.s32 v3, $0x9;
	v1 =	vsel vm4, v30, v1;
	v30 =	vld [tilespmem:$0x1FD20]  }
0x9c: {  	vm8 =	veq.s32 v2, $0x0;
	v15 =	vsel vm5, v36, v1;
	v36 =	vld [tilespmem:$0xA70]  }
0x9d: {  	vm6 =	veq.s32 v3, $0xA;
	v16 =	vnsel vm8, $0x0, v31;
	v31 =	vld [tilespmem:$0x1FD30]  }
0x9e: {  	[tilespmem:$0x1FFD0] =	vst v0;
	vm9 =	veq.s32 v2, $0x1;
	v0 =	vsel vm6, v63, v15;
	v63 =	vld [tilespmem:$0x670]  }
0x9f: {  	v1 =	vsel vm9, v37, v16;
	v16 =	vld [tilespmem:$0x870]  }
0xa0: {  	vm7 =	veq.s32 v3, $0xB;
	v13 =	vcvt.f32.s32 v17;
	v37 =	vld [tilespmem:$0x1FD40]  }
0xa1: {  	vm11 =	veq.s32 v2, $0x2;
	v0 =	vsel vm7, v43, v0;
	v43 =	vld [tilespmem:$0x1FD60]  }
0xa2: {  	v1 =	vsel vm11, v44, v1;
	vm11 =	veq.s32 v13, $0x0;
	v44 =	vld [tilespmem:$0x1FD70]  }
0xa3: {  	vm12 =	veq.s32 v2, $0x3;
	v25 =	vnsel vm11, $0x0, v55;
	v55 =	vld [tilespmem:$0x580]  }
0xa4: {  	vm10 =	veq.s32 v3, $0xC;
	v1 =	vsel vm12, v45, v1;
	v45 =	vld [tilespmem:$0x680]  }
0xa5: {  	vm14 =	veq.s32 v2, $0x4;
	v0 =	vsel vm10, v46, v0;
	v46 =	vld [tilespmem:$0x1FD80]  }
0xa6: {  	vm13 =	veq.s32 v3, $0xD;
	v1 =	vsel vm14, v47, v1;
	v47 =	vld [tilespmem:$0x1FD90]  }
0xa7: {  	vm15 =	veq.s32 v2, $0x5;
	v0 =	vsel vm13, v50, v0;
	v50 =	vld [tilespmem:$0x1FDA0]  }
0xa8: {  	vm13 =	veq.s32 v13, $0x1;
	v1 =	vsel vm15, v56, v1;
	v56 =	vld [tilespmem:$0xC70]  }
0xa9: {  	[tilespmem:$0x1FF40] =	vst v4;
	v4 =	vsel vm13, v28, v25;
	v25 =	vld [tilespmem:$0x1FE10]  }
0xaa: {  	vm4 =	veq.s32 v3, $0xE;
	vm5 =	veq.s32 v2, $0x6;
	v28 =	vld [tilespmem:$0x1FE20]  }
0xab: {  	vm9 =	veq.s32 v3, $0xF;
	v0 =	vsel vm4, v53, v0;
	v1 =	vsel vm5, v54, v1;
	v54 =	vld [tilespmem:$0xD70]  }
0xac: {  	vm14 =	veq.s32 v13, $0x2;
	v0 =	vsel vm9, v21, v0;
	v21 =	vld [tilespmem:$0x1FE00]  }
0xad: {  	vm6 =	veq.s32 v2, $0x7;
	v4 =	vsel vm14, v29, v4;
	v29 =	vld [tilespmem:$0x1FE30]  }
0xae: {  	vm4 =	veq.s32 v13, $0x3;
	v1 =	vsel vm6, v51, v1;
	v51 =	vld [tilespmem:$0x1FDB0]  }
0xaf: {  	vm7 =	veq.s32 v2, $0x8;
	v4 =	vsel vm4, v31, v4;
	v31 =	vld [tilespmem:$0x1FE50]  }
0xb0: {  	vm5 =	veq.s32 v13, $0x4;
	v1 =	vsel vm7, v52, v1;
	v52 =	vld [tilespmem:$0x480]  }
0xb1: {  	vm8 =	veq.s32 v2, $0x9;
	v4 =	vsel vm5, v37, v4;
	v37 =	vld [tilespmem:$0xB80]  }
0xb2: {  	vm7 =	veq.s32 v13, $0x5;
	v20 =	vsel vm8, v57, v1;
	v57 =	vld [tilespmem:$0x280]  }
0xb3: {  	v4 =	vsel vm7, v43, v4;
	vm8 =	veq.s32 v13, $0x6;
	v43 =	vld [tilespmem:$0xF80]  }
0xb4: {  	vm10 =	veq.s32 v2, $0xA;
	v4 =	vsel vm8, v44, v4;
	v44 =	vld [tilespmem:$0xA80]  }
0xb5: {  	vm12 =	veq.s32 v2, $0xB;
	v3 =	vsel vm10, v23, v20;
	vm10 =	veq.s32 v13, $0x7;
	v20 =	vld [tilespmem:$0x1FDF0]  }
0xb6: {  	vm15 =	veq.s32 v2, $0xC;
	v3 =	vsel vm12, v26, v3;
	v4 =	vsel vm10, v47, v4;
	v47 =	vld [tilespmem:$0x880]  }
0xb7: {  	vm11 =	veq.s32 v13, $0x8;
	v3 =	vsel vm15, v30, v3;
	v30 =	vld [tilespmem:$0x1FE40]  }
0xb8: {  	v4 =	vsel vm11, v50, v4;
	v50 =	vld [tilespmem:$0x1FE70]  }
0xb9: {  	vm12 =	veq.s32 v13, $0x9;
	v53 =	vtrunc.f32 v51;
	v51 =	vld [tilespmem:$0x1FE80]  }
0xba: {  	vm6 =	veq.s32 v2, $0xD;
	v4 =	vsel vm12, v58, v4;
	v58 =	vld [tilespmem:$0x1090]  }
0xbb: {  	v3 =	vsel vm6, v38, v3;
	v38 =	vld [tilespmem:$0x1FE60]  }
0xbc: {  	vm9 =	veq.s32 v2, $0xE;
	v17 =	vcvt.f32.s32 v53;
	v53 =	vld [tilespmem:$0x1FE90]  }
0xbd: {  	vm13 =	veq.s32 v13, $0xA;
	v3 =	vsel vm9, v46, v3;
	v46 =	vld [tilespmem:$0x980]  }
0xbe: {  	vm14 =	veq.s32 v2, $0xF;
	v15 =	vsel vm13, v5, v4;
	v4 =	vld [tilespmem:$0xC80]  }
0xbf: {  	[tilespmem:$0x1FFE0] =	vst v0;
	vm15 =	veq.s32 v13, $0xB;
	v0 =	vsel vm14, v18, v3;
	v3 =	vld [tilespmem:$0xD80]  }
0xc0: {  	vm5 =	veq.s32 v13, $0xC;
	v2 =	vsel vm15, v20, v15;
	v20 =	vld [tilespmem:$0x90]  }
0xc1: {  	vm4 =	veq.s32 v17, $0x0;
	v26 =	vsel vm5, v25, v2;
	v2 =	vld [tilespmem:$0xE80]  }
0xc2: {  	v23 =	vnsel vm4, $0x0, v21;
	v21 =	vtrunc.f32 v48;
	v48 =	vld [tilespmem:$0x490]  }
0xc3: {  	v27 =	vtrunc.f32 v27;
	v25 =	vld [tilespmem:$0x1FEC0]  }
0xc4: {  	vm8 =	veq.s32 v13, $0xD;
	[tilespmem:$0x1FFF0] =	vst v0;
	v0 =	vcvt.f32.s32 v27;
	v27 =	vld [tilespmem:$0xA0]  }
0xc5: {  	vm6 =	veq.s32 v17, $0x1;
	v18 =	vsel vm8, v30, v26;
	v26 =	vld [tilespmem:$0x190]  }
0xc6: {  	vm7 =	veq.s32 v17, $0x2;
	v15 =	vsel vm6, v28, v23;
	v28 =	vld [tilespmem:$0x290]  }
0xc7: {  	vm9 =	veq.s32 v17, $0x3;
	v23 =	vld [tilespmem:$0x1FEB0];
	v15 =	vsel vm7, v29, v15  }
0xc8: {  	vm10 =	veq.s32 v17, $0x4;
	v30 =	vld [tilespmem:$0x1FED0];
	v15 =	vsel vm9, v31, v15  }
0xc9: {  	vm11 =	veq.s32 v13, $0xE;
	vm12 =	veq.s32 v17, $0x5;
	v29 =	vld [tilespmem:$0x390];
	v15 =	vsel vm10, v38, v15  }
0xca: {  	vm13 =	veq.s32 v17, $0x6;
	v18 =	vsel vm11, v50, v18;
	v50 =	vld [tilespmem:$0x590];
	v15 =	vsel vm12, v51, v15  }
0xcb: {  	v5 =	vsel vm13, v53, v15;
	v15 =	vld [tilespmem:$0x1FEA0]  }
0xcc: {  	v31 =	vld [tilespmem:$0x1FEE0]  }
0xcd: {  	v38 =	vld [tilespmem:$0x1FEF0]  }
0xce: {  	v51 =	vld [tilespmem:$0x690]  }
0xcf: {  	vm15 =	veq.s32 v17, $0x7;
	v53 =	vld [tilespmem:$0x1FF00]  }
0xd0: {  	vm14 =	veq.s32 v13, $0xF;
	v13 =	vsel vm15, v15, v5;
	v5 =	vcvt.f32.s32 v21;
	v21 =	vld [tilespmem:$0x1FF10]  }
0xd1: {  	vm4 =	veq.s32 v17, $0x8;
	v15 =	vsel vm14, v25, v18;
	v25 =	vld [tilespmem:$0x1FF30]  }
0xd2: {  	vm5 =	veq.s32 v17, $0x9;
	v13 =	vsel vm4, v23, v13;
	v23 =	vld [tilespmem:$0x1FF20]  }
0xd3: {  	v13 =	vsel vm5, v30, v13;
	vm8 =	veq.s32 v5, $0x0;
	v30 =	vld [tilespmem:$0x990]  }
0xd4: {  	vm6 =	veq.s32 v17, $0xA;
	v1 =	vnsel vm8, $0x0, v53;
	v53 =	vld [tilespmem:$0x790]  }
0xd5: {  	vm7 =	veq.s32 v17, $0xB;
	v13 =	vsel vm6, v31, v13;
	v31 =	vld [tilespmem:$0xA90]  }
0xd6: {  	vm10 =	veq.s32 v17, $0xC;
	vm9 =	veq.s32 v5, $0x1;
	v13 =	vsel vm7, v38, v13;
	v38 =	vld [tilespmem:$0x890]  }
0xd7: {  	vm13 =	veq.s32 v17, $0xD;
	vm11 =	veq.s32 v5, $0x2;
	v9 =	vsel vm9, v9, v1;
	v1 =	vld [tilespmem:$0x10A0]  }
0xd8: {  	vm12 =	veq.s32 v5, $0x3;
	v13 =	vsel vm10, v21, v13;
	v21 =	vld [tilespmem:$0xD90];
	v9 =	vsel vm11, v23, v9  }
0xd9: {  	vm14 =	veq.s32 v5, $0x4;
	v13 =	vsel vm13, v25, v13;
	v25 =	vld [tilespmem:$0xB90];
	v9 =	vsel vm12, v39, v9  }
0xda: {  	vm15 =	veq.s32 v5, $0x5;
	v23 =	vld [tilespmem:$0xC90];
	v9 =	vsel vm14, v32, v9  }
0xdb: {  	vm5 =	veq.s32 v5, $0x6;
	v32 =	vld [tilespmem:$0x1FF40];
	v9 =	vsel vm15, v40, v9  }
0xdc: {  	vm6 =	veq.s32 v5, $0x7;
	v40 =	vld [tilespmem:$0x1FF50];
	v9 =	vsel vm5, v33, v9  }
0xdd: {  	vm11 =	veq.s32 v0, $0x0;
	v33 =	vsel vm6, v41, v9;
	v9 =	vld [tilespmem:$0xE90]  }
0xde: {  	vm7 =	veq.s32 v5, $0x8;
	v41 =	vnsel vm11, $0x0, v59;
	v59 =	vld [tilespmem:$0x1FF60]  }
0xdf: {  	v18 =	vsel vm7, v42, v33;
	v42 =	vld [tilespmem:$0xF90]  }
0xe0: {  	vm4 =	veq.s32 v17, $0xE;
	v33 =	vld [tilespmem:$0x2A0]  }
0xe1: {  	vm8 =	veq.s32 v5, $0x9;
	vm13 =	veq.s32 v0, $0x1;
	v13 =	vsel vm4, v32, v13;
	v32 =	vld [tilespmem:$0x1A0]  }
0xe2: {  	v39 =	vsel vm8, v34, v18;
	v18 =	vsel vm13, v60, v41;
	v60 =	vld [tilespmem:$0x1FF70]  }
0xe3: {  	v34 =	vld [tilespmem:$0x4A0]  }
0xe4: {  	v6 =	vtrunc.f32 v6;
	vm9 =	veq.s32 v17, $0xF;
	vm14 =	veq.s32 v0, $0x2;
	v41 =	vld [tilespmem:$0x9A0]  }
0xe5: {  	vm10 =	veq.s32 v5, $0xA;
	vm4 =	veq.s32 v0, $0x3;
	v11 =	vsel vm14, v11, v18;
	v18 =	vld [tilespmem:$0x3A0]  }
0xe6: {  	vm5 =	veq.s32 v0, $0x4;
	v17 =	vsel vm10, v35, v39;
	v35 =	vld [tilespmem:$0x6A0];
	v11 =	vsel vm4, v61, v11  }
0xe7: {  	vm12 =	veq.s32 v5, $0xB;
	vm7 =	veq.s32 v0, $0x5;
	v61 =	vld [tilespmem:$0x1FF80];
	v11 =	vsel vm5, v19, v11  }
0xe8: {  	vm15 =	veq.s32 v5, $0xC;
	vm6 =	veq.s32 v5, $0xD;
	v11 =	vsel vm7, v62, v11;
	v62 =	vld [tilespmem:$0x1FF90]  }
0xe9: {  	vm11 =	veq.s32 v0, $0x8;
	vm8 =	veq.s32 v0, $0x6;
	v13 =	vsel vm9, v40, v13;
	v39 =	vld [tilespmem:$0x7A0]  }
0xea: {  	vm10 =	veq.s32 v0, $0x7;
	v40 =	vld [tilespmem:$0x8A0];
	v17 =	vsel vm12, v59, v17;
	v11 =	vsel vm8, v63, v11  }
0xeb: {  	vm9 =	veq.s32 v5, $0xE;
	v19 =	vld [tilespmem:$0x5A0];
	v17 =	vsel vm15, v60, v17;
	v11 =	vsel vm10, v22, v11  }
0xec: {  	vm12 =	veq.s32 v0, $0x9;
	v17 =	vsel vm6, v61, v17;
	v11 =	vsel vm11, v16, v11;
	v16 =	vld [tilespmem:$0xBA0]  }
0xed: {  	vm13 =	veq.s32 v0, $0xA;
	v11 =	vsel vm12, v12, v11;
	v63 =	vsel vm9, v62, v17;
	v17 =	vld [tilespmem:$0xAA0]  }
0xee: {  	v22 =	vcvt.f32.s32 v6;
	v12 =	vsel vm13, v36, v11;
	v36 =	vld [tilespmem:$0x1FFA0]  }
0xef: {  	vm14 =	veq.s32 v5, $0xF;
	v11 =	vld [tilespmem:$0xDA0]  }
0xf0: {  	vm15 =	veq.s32 v0, $0xB;
	vm4 =	veq.s32 v22, $0x0;
	v62 =	vtrunc.f32 v58;
	v58 =	vld [tilespmem:$0x7B0]  }
0xf1: {  	vm6 =	veq.s32 v22, $0x1;
	v14 =	vnsel vm4, $0x0, v14;
	v5 =	vsel vm15, v24, v12;
	v12 =	vld [tilespmem:$0xCA0]  }
0xf2: {  	vm5 =	veq.s32 v0, $0xC;
	v60 =	vsel vm6, v8, v14;
	v14 =	vld [tilespmem:$0xEA0]  }
0xf3: {  	vm7 =	veq.s32 v22, $0x2;
	v24 =	vsel vm5, v56, v5;
	v5 =	vld [tilespmem:$0xFA0]  }
0xf4: {  	vm9 =	veq.s32 v22, $0x3;
	v8 =	vsel vm7, v57, v60;
	v56 =	vld [tilespmem:$0x6B0]  }
0xf5: {  	vm8 =	veq.s32 v0, $0xD;
	v8 =	vsel vm9, v10, v8;
	v10 =	vld [tilespmem:$0x10B0]  }
0xf6: {  	vm11 =	veq.s32 v0, $0xE;
	v24 =	vsel vm8, v54, v24;
	v54 =	vld [tilespmem:$0x4B0]  }
0xf7: {  	vm10 =	veq.s32 v22, $0x4;
	v24 =	vsel vm11, v49, v24;
	v49 =	vld [tilespmem:$0x1B0]  }
0xf8: {  	v8 =	vsel vm10, v52, v8;
	v52 =	vld [tilespmem:$0x3B0]  }
0xf9: {  	vm12 =	veq.s32 v22, $0x5;
	v6 =	vsel vm14, v36, v63;
	v36 =	vld [tilespmem:$0xB0]  }
0xfa: {  	vm13 =	veq.s32 v22, $0x6;
	v8 =	vsel vm12, v55, v8;
	v63 =	vld [tilespmem:$0x1FFB0]  }
0xfb: {  	vm15 =	veq.s32 v22, $0x7;
	v55 =	vld [tilespmem:$0x5B0];
	v61 =	vsel vm13, v45, v8  }
0xfc: {  	vm4 =	veq.s32 v22, $0x8;
	vm14 =	veq.s32 v0, $0xF;
	v45 =	vld [tilespmem:$0x2B0];
	v0 =	vsel vm15, v7, v61  }
0xfd: {  	vm5 =	veq.s32 v22, $0x9;
	v0 =	vsel vm4, v47, v0;
	v47 =	vcvt.f32.s32 v62;
	v62 =	vld [tilespmem:$0x10C0]  }
0xfe: {  	v1 =	vtrunc.f32 v1;
	vm6 =	veq.s32 v22, $0xA;
	v0 =	vsel vm5, v46, v0;
	v46 =	vld [tilespmem:$0xCB0]  }
0xff: {  	vm7 =	veq.s32 v22, $0xB;
	v0 =	vsel vm6, v44, v0;
	vm8 =	veq.s32 v47, $0x0;
	v44 =	vld [tilespmem:$0xBD0]  }
0x100: {  	vm9 =	veq.s32 v47, $0x1;
	v0 =	vsel vm7, v37, v0;
	v57 =	vnsel vm8, $0x0, v20;
	v37 =	vld [tilespmem:$0xBB0]  }
0x101: {  	v1 =	vcvt.f32.s32 v1;
	vm10 =	veq.s32 v22, $0xC;
	v8 =	vsel vm9, v26, v57;
	v26 =	vld [tilespmem:$0x8B0]  }
0x102: {  	vm13 =	veq.s32 v22, $0xD;
	vm4 =	veq.s32 v22, $0xE;
	vm11 =	veq.s32 v47, $0x2;
	v57 =	vld [tilespmem:$0x2D0]  }
0x103: {  	v7 =	vsel vm14, v63, v24;
	vm12 =	veq.s32 v47, $0x3;
	v59 =	vsel vm11, v28, v8;
	v28 =	vld [tilespmem:$0x9B0]  }
0x104: {  	vm14 =	veq.s32 v47, $0x4;
	v0 =	vsel vm10, v4, v0;
	v4 =	vsel vm12, v29, v59;
	v29 =	vld [tilespmem:$0xAB0]  }
0x105: {  	vm15 =	veq.s32 v47, $0x5;
	vm5 =	veq.s32 v47, $0x6;
	vm6 =	veq.s32 v47, $0x7;
	v59 =	vld [tilespmem:$0x3D0]  }
0x106: {  	vm7 =	veq.s32 v47, $0x8;
	v0 =	vsel vm13, v3, v0;
	v60 =	vsel vm14, v48, v4;
	v48 =	vld [tilespmem:$0xDB0]  }
0x107: {  	vm8 =	veq.s32 v47, $0x9;
	vm9 =	veq.s32 v22, $0xF;
	v0 =	vsel vm4, v2, v0;
	v4 =	vld [tilespmem:$0xEB0]  }
0x108: {  	vm10 =	veq.s32 v47, $0xA;
	v8 =	vsel vm9, v43, v0;
	v43 =	vtrunc.f32 v10;
	v10 =	vld [tilespmem:$0x9C0]  }
0x109: {  	vm11 =	veq.s32 v1, $0x0;
	vm13 =	veq.s32 v1, $0x1;
	v3 =	vsel vm15, v50, v60;
	v60 =	vld [tilespmem:$0x4D0]  }
0x10a: {  	vm12 =	veq.s32 v47, $0xB;
	vm4 =	veq.s32 v1, $0x3;
	v61 =	vsel vm5, v51, v3;
	v3 =	vld [tilespmem:$0xFB0]  }
0x10b: {  	vm14 =	veq.s32 v1, $0x2;
	vm9 =	veq.s32 v47, $0xE;
	v2 =	vsel vm6, v53, v61;
	v53 =	vld [tilespmem:$0x10D0]  }
0x10c: {  	vm15 =	veq.s32 v47, $0xC;
	v2 =	vsel vm7, v38, v2;
	v38 =	vnsel vm11, $0x0, v27;
	v27 =	vld [tilespmem:$0x1C0]  }
0x10d: {  	vm5 =	veq.s32 v1, $0x4;
	vm6 =	veq.s32 v47, $0xD;
	v2 =	vsel vm8, v30, v2;
	v30 =	vld [tilespmem:$0xC0]  }
0x10e: {  	vm7 =	veq.s32 v1, $0x5;
	vm11 =	veq.s32 v1, $0x8;
	v63 =	vsel vm10, v31, v2;
	v31 =	vld [tilespmem:$0x3C0]  }
0x10f: {  	vm8 =	veq.s32 v1, $0x6;
	v2 =	vsel vm13, v32, v38;
	vm10 =	veq.s32 v1, $0x7;
	v32 =	vld [tilespmem:$0x8C0]  }
0x110: {  	vm13 =	veq.s32 v1, $0xA;
	v38 =	vld [tilespmem:$0xFE0];
	v0 =	vsel vm12, v25, v63;
	v2 =	vsel vm14, v33, v2  }
0x111: {  	v25 =	vld [tilespmem:$0x2C0];
	vm12 =	veq.s32 v1, $0x9;
	v33 =	vcvt.f32.s32 v43;
	vm14 =	veq.s32 v47, $0xF  }
0x112: {  	v63 =	vld [tilespmem:$0x6D0];
	v0 =	vsel vm15, v23, v0;
	v2 =	vsel vm4, v18, v2;
	vm15 =	veq.s32 v1, $0xB  }
0x113: {  	v43 =	vld [tilespmem:$0xAD0];
	v2 =	vsel vm5, v34, v2;
	v0 =	vsel vm6, v21, v0;
	vm4 =	veq.s32 v33, $0x0  }
0x114: {  	v47 =	vld [tilespmem:$0xDD0];
	vm5 =	veq.s32 v1, $0xC;
	vm6 =	veq.s32 v33, $0x1;
	v2 =	vsel vm7, v19, v2  }
0x115: {  	v18 =	vld [tilespmem:$0x4C0];
	v0 =	vsel vm9, v9, v0;
	v51 =	vnsel vm4, $0x0, v36;
	v2 =	vsel vm8, v35, v2  }
0x116: {  	v23 =	vld [tilespmem:$0x5C0];
	vm7 =	veq.s32 v33, $0x2;
	vm9 =	veq.s32 v33, $0x3;
	v2 =	vsel vm10, v39, v2  }
0x117: {  	v21 =	vld [tilespmem:$0x7C0];
	vm4 =	veq.s32 v33, $0x8;
	v9 =	vsel vm14, v42, v0;
	v2 =	vsel vm11, v40, v2  }
0x118: {  	v34 =	vld [tilespmem:$0xAC0];
	vm8 =	veq.s32 v1, $0xD;
	vm14 =	veq.s32 v1, $0xF;
	v2 =	vsel vm12, v41, v2  }
0x119: {  	v19 =	vld [tilespmem:$0x6C0];
	vm10 =	veq.s32 v33, $0x4;
	vm11 =	veq.s32 v1, $0xE;
	v2 =	vsel vm13, v17, v2  }
0x11a: {  	v36 =	vld [tilespmem:$0xFC0];
	vm12 =	veq.s32 v33, $0x5;
	v50 =	vsel vm15, v16, v2;
	v2 =	vsel vm6, v49, v51  }
0x11b: {  	v35 =	vld [tilespmem:$0xDC0];
	vm13 =	veq.s32 v33, $0x6;
	vm15 =	veq.s32 v33, $0x7;
	v2 =	vsel vm7, v45, v2  }
0x11c: {  	v42 =	vld [tilespmem:$0x9D0];
	vm6 =	veq.s32 v33, $0xA;
	v0 =	vsel vm5, v12, v50;
	v2 =	vsel vm9, v52, v2  }
0x11d: {  	v40 =	vld [tilespmem:$0x7D0];
	vm5 =	veq.s32 v33, $0x9;
	vm7 =	veq.s32 v33, $0xB;
	v2 =	vsel vm10, v54, v2  }
0x11e: {  	v41 =	vld [tilespmem:$0x8D0];
	v0 =	vsel vm8, v11, v0;
	v11 =	vtrunc.f32 v53;
	v2 =	vsel vm12, v55, v2  }
0x11f: {  	v17 =	vld [tilespmem:$0xBC0];
	v0 =	vsel vm11, v14, v0;
	vm10 =	veq.s32 v33, $0xC;
	v56 =	vsel vm13, v56, v2  }
0x120: {  	v16 =	vld [tilespmem:$0xCC0];
	v11 =	vcvt.f32.s32 v11;
	v1 =	vsel vm15, v58, v56;
	v58 =	vtrunc.f32 v62  }
0x121: {  	v49 =	vld [tilespmem:$0xFD0];
	v2 =	vsel vm14, v5, v0;
	v1 =	vsel vm4, v26, v1;
	v22 =	vcvt.f32.s32 v58  }
0x122: {  	v12 =	vld [tilespmem:$0xEC0];
	vm13 =	veq.s32 v33, $0xD;
	vm4 =	veq.s32 v33, $0xE;
	v61 =	vsel vm5, v28, v1  }
0x123: {  	v45 =	vld [tilespmem:$0xCD0];
	v0 =	vsel vm6, v29, v61;
	vm8 =	veq.s32 v22, $0x0;
	vm9 =	veq.s32 v22, $0x1  }
0x124: {  	v50 =	vld [tilespmem:$0x10E0];
	vm11 =	veq.s32 v22, $0x2;
	vm12 =	veq.s32 v22, $0x3;
	vm14 =	veq.s32 v22, $0x4  }
0x125: {  	v52 =	vld [tilespmem:$0xE0];
	vm15 =	veq.s32 v22, $0x5;
	vm5 =	veq.s32 v22, $0x6;
	vm6 =	veq.s32 v22, $0x7  }
0x126: {  	v54 =	vld [tilespmem:$0xD0];
	v0 =	vsel vm7, v37, v0;
	v39 =	vnsel vm8, $0x0, v30;
	vm7 =	veq.s32 v22, $0x8  }
0x127: {  	v55 =	vld [tilespmem:$0x1D0];
	vm8 =	veq.s32 v22, $0x9;
	v27 =	vsel vm9, v27, v39;
	v0 =	vsel vm10, v46, v0  }
0x128: {  	v62 =	vld [tilespmem:$0x5D0];
	vm9 =	veq.s32 v33, $0xF;
	vm10 =	veq.s32 v22, $0xA;
	v25 =	vsel vm11, v25, v27  }
0x129: {  	v56 =	vld [tilespmem:$0x3E0];
	v0 =	vsel vm13, v48, v0;
	vm11 =	veq.s32 v11, $0x0;
	vm13 =	veq.s32 v11, $0x1  }
0x12a: {  	v58 =	vld [tilespmem:$0x5E0];
	v25 =	vsel vm12, v31, v25;
	v0 =	vsel vm4, v4, v0;
	vm12 =	veq.s32 v22, $0xB  }
0x12b: {  	v61 =	vld [tilespmem:$0x8E0];
	v53 =	vnsel vm11, $0x0, v54;
	vm4 =	veq.s32 v11, $0x3;
	vm11 =	veq.s32 v11, $0x8  }
0x12c: {  	v37 =	vld [tilespmem:$0xEE0];
	v18 =	vsel vm14, v18, v25;
	v0 =	vsel vm9, v3, v0;
	v14 =	vsel vm13, v55, v53  }
0x12d: {  	v33 =	vld [tilespmem:$0xBE0];
	vm14 =	veq.s32 v11, $0x2;
	vm9 =	veq.s32 v22, $0xE;
	vm13 =	veq.s32 v11, $0x9  }
0x12e: {  	v39 =	vld [tilespmem:$0xF0];
	v18 =	vsel vm15, v23, v18;
	vm15 =	veq.s32 v22, $0xC;
	v14 =	vsel vm14, v57, v14  }
0x12f: {  	v48 =	vld [tilespmem:$0xED0];
	vm14 =	veq.s32 v11, $0xA;
	v46 =	vsel vm5, v19, v18;
	v14 =	vsel vm4, v59, v14  }
0x130: {  	v54 =	vld [tilespmem:$0x1E0];
	vm5 =	veq.s32 v11, $0x4;
	vm4 =	veq.s32 v11, $0xC;
	v4 =	vsel vm6, v21, v46  }
0x131: {  	v55 =	vld [tilespmem:$0x2E0];
	vm6 =	veq.s32 v22, $0xD;
	v14 =	vsel vm5, v60, v14;
	v4 =	vsel vm7, v32, v4  }
0x132: {  	v53 =	vld [tilespmem:$0x9F0];
	vm5 =	veq.s32 v11, $0xD;
	vm7 =	veq.s32 v11, $0x5;
	v4 =	vsel vm8, v10, v4  }
0x133: {  	v57 =	vld [tilespmem:$0x4E0];
	v1 =	vsel vm7, v62, v14;
	vm8 =	veq.s32 v11, $0x6;
	v10 =	vtrunc.f32 v50  }
0x134: {  	v59 =	vld [tilespmem:$0x6E0];
	v51 =	vsel vm10, v34, v4;
	v1 =	vsel vm8, v63, v1;
	vm10 =	veq.s32 v11, $0x7  }
0x135: {  	v60 =	vld [tilespmem:$0x7E0];
	v10 =	vcvt.f32.s32 v10;
	vm8 =	veq.s32 v11, $0xE;
	v3 =	vsel vm12, v17, v51  }
0x136: {  	v46 =	vld [tilespmem:$0x1FFC0];
	v1 =	vsel vm10, v40, v1;
	vm12 =	veq.s32 v22, $0xF;
	v3 =	vsel vm15, v16, v3  }
0x137: {  	v62 =	vld [tilespmem:$0x9E0];
	v1 =	vsel vm11, v41, v1;
	vm15 =	veq.s32 v11, $0xB;
	vm7 =	veq.s32 v10, $0x1  }
0x138: {  	v50 =	vld [tilespmem:$0x1FFE0];
	vm10 =	veq.s32 v10, $0x3;
	vm11 =	veq.s32 v11, $0xF;
	v3 =	vsel vm6, v35, v3  }
0x139: {  	v1 =	vsel vm13, v42, v1;
	vm6 =	veq.s32 v10, $0x0;
	v35 =	vld [tilespmem:$0x10F0];
	vm13 =	veq.s32 v10, $0x5  }
0x13a: {  	v63 =	vld [tilespmem:$0xAE0];
	v3 =	vsel vm9, v12, v3;
	v1 =	vsel vm14, v43, v1;
	v4 =	vnsel vm6, $0x0, v52  }
0x13b: {  	v34 =	vld [tilespmem:$0xCE0];
	vm9 =	veq.s32 v10, $0x2;
	vm14 =	veq.s32 v10, $0x6;
	v3 =	vsel vm12, v36, v3  }
0x13c: {  	v51 =	vld [tilespmem:$0x8F0];
	v1 =	vsel vm15, v44, v1;
	v4 =	vsel vm7, v54, v4;
	vm12 =	veq.s32 v10, $0x4  }
0x13d: {  	v41 =	vld [tilespmem:$0x1F0];
	vm15 =	veq.s32 v10, $0x7;
	vm7 =	veq.s32 v10, $0x9;
	v1 =	vsel vm4, v45, v1  }
0x13e: {  	v42 =	vld [tilespmem:$0x2F0];
	v4 =	vsel vm9, v55, v4;
	vm4 =	veq.s32 v10, $0x8;
	v40 =	vtrunc.f32 v35  }
0x13f: {  	v43 =	vld [tilespmem:$0x3F0];
	v1 =	vsel vm5, v47, v1;
	v4 =	vsel vm10, v56, v4;
	v16 =	vcvt.f32.s32 v40  }
0x140: {  	v52 =	vld [tilespmem:$0x1FFF0];
	vm10 =	veq.s32 v10, $0xA;
	v1 =	vsel vm8, v48, v1;
	v4 =	vsel vm12, v57, v4  }
0x141: {  	v44 =	vld [tilespmem:$0x4F0];
	v4 =	vsel vm13, v58, v4;
	v1 =	vsel vm11, v49, v1;
	vm5 =	veq.s32 v16, $0x0  }
0x142: {  	v45 =	vld [tilespmem:$0x5F0];
	vm13 =	veq.s32 v10, $0xB;
	vm6 =	veq.s32 v16, $0x1;
	v11 =	vnsel vm5, $0x0, v39  }
0x143: {  	[tilespmem:$0x1140] =	vst v15;
	v47 =	vld [tilespmem:$0x6F0];
	v4 =	vsel vm14, v59, v4;
	vm8 =	veq.s32 v16, $0x2;
	v11 =	vsel vm6, v41, v11  }
0x144: {  	[tilespmem:$0x1150] =	vst v13;
	v49 =	vld [tilespmem:$0x7F0];
	v4 =	vsel vm15, v60, v4;
	vm9 =	veq.s32 v16, $0x3;
	v11 =	vsel vm8, v42, v11  }
0x145: {  	[tilespmem:$0x1160] =	vst v6;
	v36 =	vld [tilespmem:$0xDE0];
	vm11 =	veq.s32 v16, $0x4;
	vm12 =	veq.s32 v16, $0x5;
	v11 =	vsel vm9, v43, v11  }
0x146: {  	[tilespmem:$0x1170] =	vst v7;
	v54 =	vld [tilespmem:$0xAF0];
	vm14 =	veq.s32 v16, $0x6;
	vm15 =	veq.s32 v16, $0x7;
	v5 =	vsel vm11, v44, v11  }
0x147: {  	[tilespmem:$0x1180] =	vst v8;
	v55 =	vld [tilespmem:$0xBF0];
	v4 =	vsel vm4, v61, v4;
	vm4 =	veq.s32 v10, $0xC;
	v5 =	vsel vm12, v45, v5  }
0x148: {  	[tilespmem:$0x1190] =	vst v9;
	v56 =	vld [tilespmem:$0xCF0];
	vm5 =	veq.s32 v16, $0x8;
	v4 =	vsel vm7, v62, v4;
	v5 =	vsel vm14, v47, v5  }
0x149: {  	[tilespmem:$0x11A0] =	vst v2;
	v48 =	vld [tilespmem:$0x1FFD0];
	vm6 =	veq.s32 v16, $0x9;
	vm7 =	veq.s32 v10, $0xD;
	v5 =	vsel vm15, v49, v5  }
0x14a: {  	[tilespmem:$0x11B0] =	vst v0;
	v57 =	vld [tilespmem:$0xDF0];
	v4 =	vsel vm10, v63, v4;
	vm8 =	veq.s32 v16, $0xA;
	v5 =	vsel vm5, v51, v5  }
0x14b: {  	[tilespmem:$0x1100] =	vst v46;
	v58 =	vld [tilespmem:$0xEF0];
	vm10 =	veq.s32 v10, $0xE;
	v4 =	vsel vm13, v33, v4;
	v5 =	vsel vm6, v53, v5  }
0x14c: {  	[tilespmem:$0x1120] =	vst v50;
	v59 =	vld [tilespmem:$0xFF0];
	vm9 =	veq.s32 v16, $0xB;
	vm13 =	veq.s32 v10, $0xF;
	v5 =	vsel vm8, v54, v5  }
0x14d: {  	[tilespmem:$0x11C0] =	vst v3;
	v4 =	vsel vm4, v34, v4;
	vm11 =	veq.s32 v16, $0xC;
	v60 =	vsel vm9, v55, v5  }
0x14e: {  	[tilespmem:$0x1130] =	vst v52;
	v4 =	vsel vm7, v36, v4;
	vm12 =	veq.s32 v16, $0xD;
	v2 =	vsel vm11, v56, v60  }
0x14f: {  	[tilespmem:$0x11D0] =	vst v1;
	v61 =	vsel vm10, v37, v4;
	vm14 =	veq.s32 v16, $0xE;
	v2 =	vsel vm12, v57, v2  }
0x150: {  	[tilespmem:$0x1110] =	vst v48;
	v0 =	vsel vm13, v38, v61;
	vm15 =	veq.s32 v16, $0xF;
	v62 =	vsel vm14, v58, v2  }
0x151: {  	s30 =	sshll.u32 s0, $0x5;
	[tilespmem:$0x11E0] =	vst v0;
	v63 =	vsel vm15, v59, v62  }
0x152: {  	s31 =	simm.s32 $0x1100;
	s2 =	sadd.s32 s2, s30;
	[tilespmem:$0x11F0] =	vst v63  }
0x153: {  	[hbm4b:s2+s3] =	stream.linear.scatter [tilespmem:s31], [sflag:$0x1], $0x100, $0x38;
	[tilespmem:$0x1200] =	vst v63  }
0x154: {  	_ =	swait.ge [sflag:s29], $0x100  }
0x155: {  	[sflag:s29] =	ssyncset.done $0x0  }
0x156: {  	[sflag:s29] =	ssyncadd.s32 $0xFFFFFF00  }
0x157: {  	_ =	sfence.sel $0x180000  }
0x158: {  	[bflag:$0x0] =	sbarrier.arrive $0xFFFF  }
0x159: {  	p0 =	sne.s32 s0, $0x0;
	_ =	strace $0x90000047  }
0x15a: {  	s0 =	sadd.s32 @!p0 $0x100000, s1;
	[bflag:$0x2] =	sbarrier.arrive $0xFFFF  }
0x15b: {  	[sflag:s0] =	ssyncadd.tile.s32 @!p0 $0x1;
	_ =	shalt  }
.Lfunc_end2:
_tile_overlayer_lowered:
.L_overlay_start_2:
0x15c: {  	(tag) =	ssettag $0x2  }
0x15d: {  	s0 =	rddreg [dreg:$0x0];
	s2 =	stileid.u32  }
0x15e: {  	s1 =	rddreg [dreg:$0x1];
	p0 =	sne.s32 s2, $0x0  }
0x15f: {  	s3 =	rddreg [dreg:$0x2];
	[bflag:$0x3] =	sbarrier.arrive $0xFFFF;
	s2 =	simm.s32 @!p0 $0x1C01  }
0x160: {  	[timem:s3], [sflag:s2] =	dma.local @!p0 [hbm:s0], s1  }
0x161: {  	s0 =	simm.s32 @!p0 $0x1  }
0x162: {  	_ =	swait.ge @!p0 [sflag:s0], s1  }
0x163: {  	s1 =	ssub.s32 @!p0 $0x0, s1;
	[sflag:s0] =	ssyncset.done @!p0 $0x0  }
0x164: {  	[sflag:s0] =	ssyncadd.s32 @!p0 s1  }
0x165: {  	[bflag:$0x3] =	sbarrier.arrive $0xFFFF  }
0x166: {  	_ =	shalt  }

</sc_bundles>
